<compile_context>
chip_gen: v7x
topology: tpu7x:2x2x1
jax: 0.10.2.dev20260603
libtpu: 0.0.44.dev20260713+nightly
codegen_flags: <defaults>
</compile_context>

<pallas_src>
import functools
import math

import jax
import jax.numpy as jnp
import numpy as np
from jax import lax
from jax.experimental import pallas as pl
from jax.experimental.pallas import tpu as pltpu
from jax.experimental.pallas import tpu_sc as plsc

_SCALE = 0.125
_NUM_BUCKETS = 32
_MAX_DISTANCE = 128
_HEADS = 12
_SEQ = 2048
_BLK = 256
_NBLK = _SEQ // _BLK
_NTYPES = 4
_HPAD = 16

_SC_B = _NTYPES * _BLK * _BLK
_SC_WORKERS = 32
_SC_PER_W = _SC_B // _SC_WORKERS
_SC_L = 16


def _bucket_lut() -> np.ndarray:
    bi = np.arange(_BLK, dtype=np.int64)[:, None]
    bj = np.arange(_BLK, dtype=np.int64)[None, :]
    max_exact = _NUM_BUCKETS // 2
    luts = []
    for off in (0, _BLK):
        n = np.maximum(bi - bj + off, 0)
        nf = np.maximum(n, 1).astype(np.float32)
        val = max_exact + (
            np.log(nf / np.float32(max_exact))
            / np.float32(math.log(_MAX_DISTANCE / max_exact))
            * np.float32(_NUM_BUCKETS - max_exact)
        ).astype(np.int32)
        val = np.minimum(val, _NUM_BUCKETS - 1)
        luts.append(np.where(n < max_exact, n, val).astype(np.int32))
    luts.append(np.zeros((_BLK, _BLK), np.int32))
    luts.append(np.full((_BLK, _BLK), _NUM_BUCKETS - 1, np.int32))
    return np.stack(luts)


def _sc_gather_bias(tableT_flat, lut_flat):
    mesh = plsc.VectorSubcoreMesh(core_axis_name="c", subcore_axis_name="s")

    @functools.partial(
        pl.kernel,
        mesh=mesh,
        compiler_params=pltpu.CompilerParams(
            use_tc_tiling_on_sc=False, needs_layout_passes=False
        ),
        out_type=jax.ShapeDtypeStruct((_HEADS, _NTYPES, _BLK, _BLK), jnp.float32),
        scratch_types=[
            pltpu.VMEM((_NUM_BUCKETS * _HEADS,), jnp.float32),
            pltpu.VMEM((_SC_PER_W,), jnp.int32),
            pltpu.VMEM((_HEADS, _SC_PER_W // _BLK, _BLK), jnp.float32),
            pltpu.SemaphoreType.DMA,
        ],
    )
    def body(tab_hbm, lut_hbm, out_hbm, tab_v, lut_v, stage_v, sem):
        wid = lax.axis_index("s") * 2 + lax.axis_index("c")
        base = pl.multiple_of(wid * _SC_PER_W, _SC_PER_W)
        nrows = _SC_PER_W // _BLK
        t = wid // (_BLK // nrows)
        r0 = pl.multiple_of((wid % (_BLK // nrows)) * nrows, nrows)
        pltpu.sync_copy(tab_hbm, tab_v)
        pltpu.sync_copy(lut_hbm.at[pl.ds(base, _SC_PER_W)], lut_v)

        @plsc.parallel_loop(0, _SC_PER_W // _SC_L, unroll=4)
        def one(k):
            o = pl.multiple_of(k * _SC_L, _SC_L)
            row = k // (_BLK // _SC_L)
            col = pl.multiple_of((k % (_BLK // _SC_L)) * _SC_L, _SC_L)
            idx = lut_v[pl.ds(o, _SC_L)]
            for h in range(_HEADS):
                stage_v[h, row, pl.ds(col, _SC_L)] = plsc.load_gather(
                    tab_v, [idx + h * _NUM_BUCKETS]
                )
        copies = [
            pltpu.async_copy(
                stage_v.at[h], out_hbm.at[h, t, pl.ds(r0, nrows)], sem
            )
            for h in range(_HEADS)
        ]
        for cp in copies:
            cp.wait()

    return body(tableT_flat, lut_flat)


_ROWS = 1024
_RSUB = _ROWS // _BLK


def _tc_add_body(qk_ref, bias_ref, out_ref):
    ib = pl.program_id(1)
    for si in range(_RSUB):
        i = ib * _RSUB + si
        rs = pl.ds(si * _BLK, _BLK)
        for j in range(_NBLK):
            d = i - j
            t = jnp.where(d == 0, 0, jnp.where(d == 1, 1, jnp.where(d < 0, 2, 3)))
            sl = pl.ds(j * _BLK, _BLK)
            out_ref[0, 0, rs, sl] = qk_ref[0, 0, rs, sl] + bias_ref[0, t]


def _tc_add(qk, bias_blocks):
    return pl.pallas_call(
        _tc_add_body,
        grid=(_HEADS, _SEQ // _ROWS),
        in_specs=[
            pl.BlockSpec((1, 1, _ROWS, _SEQ), lambda h, i: (0, h, i, 0)),
            pl.BlockSpec((1, _NTYPES, _BLK, _BLK), lambda h, i: (h, 0, 0, 0)),
        ],
        out_specs=pl.BlockSpec((1, 1, _ROWS, _SEQ), lambda h, i: (0, h, i, 0)),
        out_shape=jax.ShapeDtypeStruct(qk.shape, qk.dtype),
    )(qk, bias_blocks)


_LUT = _bucket_lut().reshape(_SC_B)


def kernel(qk_dots, table):
    tableT = jnp.reshape(jnp.transpose(table * _SCALE), (_HEADS * _NUM_BUCKETS,))
    bias = _sc_gather_bias(tableT, jnp.asarray(_LUT))
    return _tc_add(qk_dots, bias)

# --- scband reference (transcript-rebuilt; emitter-appended) ---
"""Pipeline reference for scband-relative-position-bias-3788161155564 (READ-ONLY COPY).

The authoritative reference and input builder live on the scoring server;
editing this copy changes nothing except your own understanding.
"""

import jax, jax.numpy as jnp
import numpy as np
import math

SCALE = 0.125
CAUSAL = True
NUM_BUCKETS = 32
MAX_DISTANCE = 128
HEADS = 12


def _relative_position_bucket(relative_position, causal=True, num_buckets=32, max_distance=128):
    ret = 0
    n = -relative_position
    if not causal:
        num_buckets = num_buckets // 2
        ret = ret + (n < 0).astype(jnp.int32) * num_buckets
        n = jnp.abs(n)
    else:
        n = jnp.maximum(n, jnp.zeros_like(n))
    max_exact = num_buckets // 2
    is_small = n < max_exact
    val_if_large = max_exact + (
        jnp.log(n.astype(jnp.float32) / max_exact)
        / math.log(max_distance / max_exact)
        * (num_buckets - max_exact)
    ).astype(jnp.int32)
    val_if_large = jnp.minimum(val_if_large, jnp.full_like(val_if_large, num_buckets - 1))
    ret = ret + jnp.where(is_small, n, val_if_large)
    return ret


def setup_inputs(seed: int = 0) -> dict:
    key = jax.random.key(seed)
    k1, k2 = jax.random.split(key)
    qk_dots = jax.random.normal(k1, (1, 12, 2048, 2048), dtype=jnp.float32)
    table = jax.random.normal(k2, (NUM_BUCKETS, HEADS), dtype=jnp.float32) * 0.02
    return {"qk_dots": qk_dots, "table": table}


def reference(qk_dots, table):
    i, j = qk_dots.shape[-2], qk_dots.shape[-1]
    q_pos = jnp.arange(j - i, j, dtype=jnp.int32)
    k_pos = jnp.arange(j, dtype=jnp.int32)
    rel_pos = k_pos[None, :] - q_pos[:, None]
    rp_bucket = _relative_position_bucket(rel_pos, causal=CAUSAL, num_buckets=NUM_BUCKETS, max_distance=MAX_DISTANCE)
    values = jnp.take(table, rp_bucket, axis=0)  # (i, j, h)
    bias = jnp.transpose(values, (2, 0, 1))      # (h, i, j)
    return qk_dots + bias * SCALE

if __name__ == "__main__":
    import jax
    _d = setup_inputs()
    print(jax.jit(kernel)(*tuple(_d.values())))

</pallas_src>

<mosaic_0001>
#map = affine_map<(d0, d1) -> (0)>
#map1 = affine_map<(d0, d1) -> (0, 0, 0, 0)>
module attributes {stable_mosaic.version = 14 : i64} {
  func.func @body(%arg0: i32, %arg1: i32, %arg2: memref<384xf32, #tpu.memory_space<hbm>>, %arg3: memref<262144xi32, #tpu.memory_space<hbm>>, %arg4: memref<12x4x256x256xf32, #tpu.memory_space<hbm>>, %arg5: memref<384xf32, #tpu.memory_space<vmem>>, %arg6: memref<8192xi32, #tpu.memory_space<vmem>>, %arg7: memref<12x32x256xf32, #tpu.memory_space<vmem>>, %arg8: memref<!tpu.dma_semaphore, #tpu.memory_space<semaphore_mem>>) attributes {dimension_semantics = [#tpu.dimension_semantics<core_parallel>, #tpu.dimension_semantics<subcore_parallel>], iteration_bounds = array<i64: 2, 16>, scalar_prefetch = 0 : i64, scratch_operands = 4 : i64, tpu.core_type = #tpu.core_type<sc_vector_subcore>, window_params = [{transform_indices = #map}, {transform_indices = #map}, {transform_indices = #map1}]} {
    %mul3A = arith.constant 2 : i32
    %mul3A_0 = arith.muli %arg1, %mul3A : i32
    %add3A = arith.addi %mul3A_0, %arg0 : i32
    %mul3A_1 = arith.constant 8192 : i32
    %mul3A_2 = arith.muli %add3A, %mul3A_1 : i32
    %multiple_of3A = tpu.assume_multiple %mul3A_2, 8192 : i32
    %jit3A = arith.constant 8 : i32
    %div3A = arith.divsi %add3A, %jit3A : i32
    %sign3A = arith.constant 0 : i32
    %sign3A_3 = arith.cmpi sgt, %add3A, %sign3A : i32
    %sign3A_4 = arith.extui %sign3A_3 : i1 to i32
    %sign3A_5 = arith.constant 0 : i32
    %sign3A_6 = arith.cmpi slt, %add3A, %sign3A_5 : i32
    %sign3A_7 = arith.extui %sign3A_6 : i1 to i32
    %sign3A_8 = arith.subi %sign3A_4, %sign3A_7 : i32
    %sign3A_9 = arith.constant 0 : i32
    %sign3A_10 = arith.cmpi sgt, %jit3A, %sign3A_9 : i32
    %sign3A_11 = arith.extui %sign3A_10 : i1 to i32
    %sign3A_12 = arith.constant 0 : i32
    %sign3A_13 = arith.cmpi slt, %jit3A, %sign3A_12 : i32
    %sign3A_14 = arith.extui %sign3A_13 : i1 to i32
    %sign3A_15 = arith.subi %sign3A_11, %sign3A_14 : i32
    %ne3A = arith.cmpi ne, %sign3A_8, %sign3A_15 : i32
    %rem3A = arith.remsi %add3A, %jit3A : i32
    %ne3A_16 = arith.constant 0 : i32
    %ne3A_17 = arith.cmpi ne, %rem3A, %ne3A_16 : i32
    %and3A = arith.andi %ne3A, %ne3A_17 : i1
    %sub3A = arith.constant 1 : i32
    %sub3A_18 = arith.subi %div3A, %sub3A : i32
    %select_n3A = arith.select %and3A, %sub3A_18, %div3A : i32
    %jit3A_19 = arith.constant 8 : i32
    %eq3A = arith.constant 0 : i32
    %eq3A_20 = arith.cmpi eq, %jit3A_19, %eq3A : i32
    %jit3A_21 = arith.constant 1 : i32
    %select_n3A_22 = arith.select %eq3A_20, %jit3A_21, %jit3A_19 : i32
    %rem3A_23 = arith.remsi %add3A, %select_n3A_22 : i32
    %ne3A_24 = arith.constant 0 : i32
    %ne3A_25 = arith.cmpi ne, %rem3A_23, %ne3A_24 : i32
    %lt3A = arith.constant 0 : i32
    %lt3A_26 = arith.cmpi slt, %rem3A_23, %lt3A : i32
    %lt3A_27 = arith.constant 0 : i32
    %lt3A_28 = arith.cmpi slt, %select_n3A_22, %lt3A_27 : i32
    %ne3A_29 = arith.xori %lt3A_26, %lt3A_28 : i1
    %and3A_30 = arith.andi %ne3A_29, %ne3A_25 : i1
    %add3A_31 = arith.addi %rem3A_23, %select_n3A_22 : i32
    %select_n3A_32 = arith.select %and3A_30, %add3A_31, %rem3A_23 : i32
    %mul3A_33 = arith.constant 32 : i32
    %mul3A_34 = arith.muli %select_n3A_32, %mul3A_33 : i32
    %multiple_of3A_35 = tpu.assume_multiple %mul3A_34, 32 : i32
    "tpu.region"() ({
      %run_scoped3A = tpu.sem_alloc : memref<!tpu.dma_semaphore, #tpu.memory_space<semaphore_mem>>
      tpu.enqueue_dma source(%arg2 : memref<384xf32, #tpu.memory_space<hbm>>) target(%arg5 : memref<384xf32, #tpu.memory_space<vmem>>) target_semaphore(%run_scoped3A : memref<!tpu.dma_semaphore, #tpu.memory_space<semaphore_mem>>)
      tpu.wait_dma2 semaphore(%run_scoped3A : memref<!tpu.dma_semaphore, #tpu.memory_space<semaphore_mem>>) src(%arg2 : memref<384xf32, #tpu.memory_space<hbm>>) dst(%arg5 : memref<384xf32, #tpu.memory_space<vmem>>)
      tpu.yield
    }) : () -> ()
    "tpu.region"() ({
      %run_scoped3A = tpu.sem_alloc : memref<!tpu.dma_semaphore, #tpu.memory_space<semaphore_mem>>
      %dma_start3A_420 = tpu.memref_slice %arg3[%multiple_of3A] : memref<262144xi32, #tpu.memory_space<hbm>> -> memref<8192xi32, #tpu.memory_space<hbm>>
      %dma_start3A_421 = tpu.memref_slice %arg3[%multiple_of3A] : memref<262144xi32, #tpu.memory_space<hbm>> -> memref<8192xi32, #tpu.memory_space<hbm>>
      tpu.enqueue_dma source(%dma_start3A_421 : memref<8192xi32, #tpu.memory_space<hbm>>) target(%arg6 : memref<8192xi32, #tpu.memory_space<vmem>>) target_semaphore(%run_scoped3A : memref<!tpu.dma_semaphore, #tpu.memory_space<semaphore_mem>>)
      %dma_wait3A_422 = tpu.memref_slice %arg3[%multiple_of3A] : memref<262144xi32, #tpu.memory_space<hbm>> -> memref<8192xi32, #tpu.memory_space<hbm>>
      %dma_wait3A_423 = tpu.memref_slice %arg3[%multiple_of3A] : memref<262144xi32, #tpu.memory_space<hbm>> -> memref<8192xi32, #tpu.memory_space<hbm>>
      tpu.wait_dma2 semaphore(%run_scoped3A : memref<!tpu.dma_semaphore, #tpu.memory_space<semaphore_mem>>) src(%dma_wait3A_423 : memref<8192xi32, #tpu.memory_space<hbm>>) dst(%arg6 : memref<8192xi32, #tpu.memory_space<vmem>>)
      tpu.yield
    }) : () -> ()
    %parallel_loop3A = arith.constant 0 : i32
    %parallel_loop3A_36 = arith.constant 512 : i32
    %parallel_loop3A_37 = arith.constant 1 : i32
    scf.for %parallel_loop3A_420 = %parallel_loop3A to %parallel_loop3A_36 step %parallel_loop3A_37  : i32 {
      %parallel_loop3A_421 = arith.constant 16 : i32
      %parallel_loop3A_422 = arith.muli %parallel_loop3A_420, %parallel_loop3A_421 : i32
      %parallel_loop3A_423 = tpu.assume_multiple %parallel_loop3A_422, 16 : i32
      %parallel_loop3A_424 = arith.constant 16 : i32
      %parallel_loop3A_425 = arith.divsi %parallel_loop3A_420, %parallel_loop3A_424 : i32
      %parallel_loop3A_426 = arith.constant 0 : i32
      %parallel_loop3A_427 = arith.cmpi sgt, %parallel_loop3A_420, %parallel_loop3A_426 : i32
      %parallel_loop3A_428 = arith.extui %parallel_loop3A_427 : i1 to i32
      %parallel_loop3A_429 = arith.constant 0 : i32
      %parallel_loop3A_430 = arith.cmpi slt, %parallel_loop3A_420, %parallel_loop3A_429 : i32
      %parallel_loop3A_431 = arith.extui %parallel_loop3A_430 : i1 to i32
      %parallel_loop3A_432 = arith.subi %parallel_loop3A_428, %parallel_loop3A_431 : i32
      %parallel_loop3A_433 = arith.constant 0 : i32
      %parallel_loop3A_434 = arith.cmpi sgt, %parallel_loop3A_424, %parallel_loop3A_433 : i32
      %parallel_loop3A_435 = arith.extui %parallel_loop3A_434 : i1 to i32
      %parallel_loop3A_436 = arith.constant 0 : i32
      %parallel_loop3A_437 = arith.cmpi slt, %parallel_loop3A_424, %parallel_loop3A_436 : i32
      %parallel_loop3A_438 = arith.extui %parallel_loop3A_437 : i1 to i32
      %parallel_loop3A_439 = arith.subi %parallel_loop3A_435, %parallel_loop3A_438 : i32
      %parallel_loop3A_440 = arith.cmpi ne, %parallel_loop3A_432, %parallel_loop3A_439 : i32
      %parallel_loop3A_441 = arith.remsi %parallel_loop3A_420, %parallel_loop3A_424 : i32
      %parallel_loop3A_442 = arith.constant 0 : i32
      %parallel_loop3A_443 = arith.cmpi ne, %parallel_loop3A_441, %parallel_loop3A_442 : i32
      %parallel_loop3A_444 = arith.andi %parallel_loop3A_440, %parallel_loop3A_443 : i1
      %parallel_loop3A_445 = arith.constant 1 : i32
      %parallel_loop3A_446 = arith.subi %parallel_loop3A_425, %parallel_loop3A_445 : i32
      %parallel_loop3A_447 = arith.select %parallel_loop3A_444, %parallel_loop3A_446, %parallel_loop3A_425 : i32
      %parallel_loop3A_448 = arith.constant 16 : i32
      %parallel_loop3A_449 = arith.constant 0 : i32
      %parallel_loop3A_450 = arith.cmpi eq, %parallel_loop3A_448, %parallel_loop3A_449 : i32
      %parallel_loop3A_451 = arith.constant 1 : i32
      %parallel_loop3A_452 = arith.select %parallel_loop3A_450, %parallel_loop3A_451, %parallel_loop3A_448 : i32
      %parallel_loop3A_453 = arith.remsi %parallel_loop3A_420, %parallel_loop3A_452 : i32
      %parallel_loop3A_454 = arith.constant 0 : i32
      %parallel_loop3A_455 = arith.cmpi ne, %parallel_loop3A_453, %parallel_loop3A_454 : i32
      %parallel_loop3A_456 = arith.constant 0 : i32
      %parallel_loop3A_457 = arith.cmpi slt, %parallel_loop3A_453, %parallel_loop3A_456 : i32
      %parallel_loop3A_458 = arith.constant 0 : i32
      %parallel_loop3A_459 = arith.cmpi slt, %parallel_loop3A_452, %parallel_loop3A_458 : i32
      %parallel_loop3A_460 = arith.xori %parallel_loop3A_457, %parallel_loop3A_459 : i1
      %parallel_loop3A_461 = arith.andi %parallel_loop3A_460, %parallel_loop3A_455 : i1
      %parallel_loop3A_462 = arith.addi %parallel_loop3A_453, %parallel_loop3A_452 : i32
      %parallel_loop3A_463 = arith.select %parallel_loop3A_461, %parallel_loop3A_462, %parallel_loop3A_453 : i32
      %parallel_loop3A_464 = arith.constant 16 : i32
      %parallel_loop3A_465 = arith.muli %parallel_loop3A_463, %parallel_loop3A_464 : i32
      %parallel_loop3A_466 = tpu.assume_multiple %parallel_loop3A_465, 16 : i32
      %parallel_loop3A_467 = arith.index_cast %parallel_loop3A_423 : i32 to index
      %parallel_loop3A_468 = tpu.vector_load %arg6[%parallel_loop3A_467] {strides = array<i32>} : memref<8192xi32, #tpu.memory_space<vmem>>, vector<16xi32>,
      %parallel_loop3A_469 = arith.constant 0 : i32
      %parallel_loop3A_470 = vector.broadcast %parallel_loop3A_469 : i32 to vector<16xi32>
      %parallel_loop3A_471 = arith.addi %parallel_loop3A_468, %parallel_loop3A_470 : vector<16xi32>
      %parallel_loop3A_472 = tpu.vector_load_idx %arg5[%parallel_loop3A_471] : memref<384xf32, #tpu.memory_space<vmem>>[vector<16xi32>], vector<16xf32>,
      %parallel_loop3A_473 = arith.constant 0 : i32
      %parallel_loop3A_474 = arith.index_cast %parallel_loop3A_473 : i32 to index
      %parallel_loop3A_475 = arith.index_cast %parallel_loop3A_447 : i32 to index
      %parallel_loop3A_476 = arith.index_cast %parallel_loop3A_466 : i32 to index
      %parallel_loop3A_477 = tpu.vector_load %arg7[%parallel_loop3A_474, %parallel_loop3A_475, %parallel_loop3A_476] {strides = array<i32>} : memref<12x32x256xf32, #tpu.memory_space<vmem>>, vector<16xf32>,
      tpu.vector_store %arg7[%parallel_loop3A_474, %parallel_loop3A_475, %parallel_loop3A_476], %parallel_loop3A_472 {strides = array<i32>} : memref<12x32x256xf32, #tpu.memory_space<vmem>>, vector<16xf32>,
      %parallel_loop3A_478 = arith.constant 32 : i32
      %parallel_loop3A_479 = vector.broadcast %parallel_loop3A_478 : i32 to vector<16xi32>
      %parallel_loop3A_480 = arith.addi %parallel_loop3A_468, %parallel_loop3A_479 : vector<16xi32>
      %parallel_loop3A_481 = tpu.vector_load_idx %arg5[%parallel_loop3A_480] : memref<384xf32, #tpu.memory_space<vmem>>[vector<16xi32>], vector<16xf32>,
      %parallel_loop3A_482 = arith.constant 1 : i32
      %parallel_loop3A_483 = arith.index_cast %parallel_loop3A_482 : i32 to index
      %parallel_loop3A_484 = arith.index_cast %parallel_loop3A_447 : i32 to index
      %parallel_loop3A_485 = arith.index_cast %parallel_loop3A_466 : i32 to index
      %parallel_loop3A_486 = tpu.vector_load %arg7[%parallel_loop3A_483, %parallel_loop3A_484, %parallel_loop3A_485] {strides = array<i32>} : memref<12x32x256xf32, #tpu.memory_space<vmem>>, vector<16xf32>,
      tpu.vector_store %arg7[%parallel_loop3A_483, %parallel_loop3A_484, %parallel_loop3A_485], %parallel_loop3A_481 {strides = array<i32>} : memref<12x32x256xf32, #tpu.memory_space<vmem>>, vector<16xf32>,
      %parallel_loop3A_487 = arith.constant 64 : i32
      %parallel_loop3A_488 = vector.broadcast %parallel_loop3A_487 : i32 to vector<16xi32>
      %parallel_loop3A_489 = arith.addi %parallel_loop3A_468, %parallel_loop3A_488 : vector<16xi32>
      %parallel_loop3A_490 = tpu.vector_load_idx %arg5[%parallel_loop3A_489] : memref<384xf32, #tpu.memory_space<vmem>>[vector<16xi32>], vector<16xf32>,
      %parallel_loop3A_491 = arith.constant 2 : i32
      %parallel_loop3A_492 = arith.index_cast %parallel_loop3A_491 : i32 to index
      %parallel_loop3A_493 = arith.index_cast %parallel_loop3A_447 : i32 to index
      %parallel_loop3A_494 = arith.index_cast %parallel_loop3A_466 : i32 to index
      %parallel_loop3A_495 = tpu.vector_load %arg7[%parallel_loop3A_492, %parallel_loop3A_493, %parallel_loop3A_494] {strides = array<i32>} : memref<12x32x256xf32, #tpu.memory_space<vmem>>, vector<16xf32>,
      tpu.vector_store %arg7[%parallel_loop3A_492, %parallel_loop3A_493, %parallel_loop3A_494], %parallel_loop3A_490 {strides = array<i32>} : memref<12x32x256xf32, #tpu.memory_space<vmem>>, vector<16xf32>,
      %parallel_loop3A_496 = arith.constant 96 : i32
      %parallel_loop3A_497 = vector.broadcast %parallel_loop3A_496 : i32 to vector<16xi32>
      %parallel_loop3A_498 = arith.addi %parallel_loop3A_468, %parallel_loop3A_497 : vector<16xi32>
      %parallel_loop3A_499 = tpu.vector_load_idx %arg5[%parallel_loop3A_498] : memref<384xf32, #tpu.memory_space<vmem>>[vector<16xi32>], vector<16xf32>,
      %parallel_loop3A_500 = arith.constant 3 : i32
      %parallel_loop3A_501 = arith.index_cast %parallel_loop3A_500 : i32 to index
      %parallel_loop3A_502 = arith.index_cast %parallel_loop3A_447 : i32 to index
      %parallel_loop3A_503 = arith.index_cast %parallel_loop3A_466 : i32 to index
      %parallel_loop3A_504 = tpu.vector_load %arg7[%parallel_loop3A_501, %parallel_loop3A_502, %parallel_loop3A_503] {strides = array<i32>} : memref<12x32x256xf32, #tpu.memory_space<vmem>>, vector<16xf32>,
      tpu.vector_store %arg7[%parallel_loop3A_501, %parallel_loop3A_502, %parallel_loop3A_503], %parallel_loop3A_499 {strides = array<i32>} : memref<12x32x256xf32, #tpu.memory_space<vmem>>, vector<16xf32>,
      %parallel_loop3A_505 = arith.constant 128 : i32
      %parallel_loop3A_506 = vector.broadcast %parallel_loop3A_505 : i32 to vector<16xi32>
      %parallel_loop3A_507 = arith.addi %parallel_loop3A_468, %parallel_loop3A_506 : vector<16xi32>
      %parallel_loop3A_508 = tpu.vector_load_idx %arg5[%parallel_loop3A_507] : memref<384xf32, #tpu.memory_space<vmem>>[vector<16xi32>], vector<16xf32>,
      %parallel_loop3A_509 = arith.constant 4 : i32
      %parallel_loop3A_510 = arith.index_cast %parallel_loop3A_509 : i32 to index
      %parallel_loop3A_511 = arith.index_cast %parallel_loop3A_447 : i32 to index
      %parallel_loop3A_512 = arith.index_cast %parallel_loop3A_466 : i32 to index
      %parallel_loop3A_513 = tpu.vector_load %arg7[%parallel_loop3A_510, %parallel_loop3A_511, %parallel_loop3A_512] {strides = array<i32>} : memref<12x32x256xf32, #tpu.memory_space<vmem>>, vector<16xf32>,
      tpu.vector_store %arg7[%parallel_loop3A_510, %parallel_loop3A_511, %parallel_loop3A_512], %parallel_loop3A_508 {strides = array<i32>} : memref<12x32x256xf32, #tpu.memory_space<vmem>>, vector<16xf32>,
      %parallel_loop3A_514 = arith.constant 160 : i32
      %parallel_loop3A_515 = vector.broadcast %parallel_loop3A_514 : i32 to vector<16xi32>
      %parallel_loop3A_516 = arith.addi %parallel_loop3A_468, %parallel_loop3A_515 : vector<16xi32>
      %parallel_loop3A_517 = tpu.vector_load_idx %arg5[%parallel_loop3A_516] : memref<384xf32, #tpu.memory_space<vmem>>[vector<16xi32>], vector<16xf32>,
      %parallel_loop3A_518 = arith.constant 5 : i32
      %parallel_loop3A_519 = arith.index_cast %parallel_loop3A_518 : i32 to index
      %parallel_loop3A_520 = arith.index_cast %parallel_loop3A_447 : i32 to index
      %parallel_loop3A_521 = arith.index_cast %parallel_loop3A_466 : i32 to index
      %parallel_loop3A_522 = tpu.vector_load %arg7[%parallel_loop3A_519, %parallel_loop3A_520, %parallel_loop3A_521] {strides = array<i32>} : memref<12x32x256xf32, #tpu.memory_space<vmem>>, vector<16xf32>,
      tpu.vector_store %arg7[%parallel_loop3A_519, %parallel_loop3A_520, %parallel_loop3A_521], %parallel_loop3A_517 {strides = array<i32>} : memref<12x32x256xf32, #tpu.memory_space<vmem>>, vector<16xf32>,
      %parallel_loop3A_523 = arith.constant 192 : i32
      %parallel_loop3A_524 = vector.broadcast %parallel_loop3A_523 : i32 to vector<16xi32>
      %parallel_loop3A_525 = arith.addi %parallel_loop3A_468, %parallel_loop3A_524 : vector<16xi32>
      %parallel_loop3A_526 = tpu.vector_load_idx %arg5[%parallel_loop3A_525] : memref<384xf32, #tpu.memory_space<vmem>>[vector<16xi32>], vector<16xf32>,
      %parallel_loop3A_527 = arith.constant 6 : i32
      %parallel_loop3A_528 = arith.index_cast %parallel_loop3A_527 : i32 to index
      %parallel_loop3A_529 = arith.index_cast %parallel_loop3A_447 : i32 to index
      %parallel_loop3A_530 = arith.index_cast %parallel_loop3A_466 : i32 to index
      %parallel_loop3A_531 = tpu.vector_load %arg7[%parallel_loop3A_528, %parallel_loop3A_529, %parallel_loop3A_530] {strides = array<i32>} : memref<12x32x256xf32, #tpu.memory_space<vmem>>, vector<16xf32>,
      tpu.vector_store %arg7[%parallel_loop3A_528, %parallel_loop3A_529, %parallel_loop3A_530], %parallel_loop3A_526 {strides = array<i32>} : memref<12x32x256xf32, #tpu.memory_space<vmem>>, vector<16xf32>,
      %parallel_loop3A_532 = arith.constant 224 : i32
      %parallel_loop3A_533 = vector.broadcast %parallel_loop3A_532 : i32 to vector<16xi32>
      %parallel_loop3A_534 = arith.addi %parallel_loop3A_468, %parallel_loop3A_533 : vector<16xi32>
      %parallel_loop3A_535 = tpu.vector_load_idx %arg5[%parallel_loop3A_534] : memref<384xf32, #tpu.memory_space<vmem>>[vector<16xi32>], vector<16xf32>,
      %parallel_loop3A_536 = arith.constant 7 : i32
      %parallel_loop3A_537 = arith.index_cast %parallel_loop3A_536 : i32 to index
      %parallel_loop3A_538 = arith.index_cast %parallel_loop3A_447 : i32 to index
      %parallel_loop3A_539 = arith.index_cast %parallel_loop3A_466 : i32 to index
      %parallel_loop3A_540 = tpu.vector_load %arg7[%parallel_loop3A_537, %parallel_loop3A_538, %parallel_loop3A_539] {strides = array<i32>} : memref<12x32x256xf32, #tpu.memory_space<vmem>>, vector<16xf32>,
      tpu.vector_store %arg7[%parallel_loop3A_537, %parallel_loop3A_538, %parallel_loop3A_539], %parallel_loop3A_535 {strides = array<i32>} : memref<12x32x256xf32, #tpu.memory_space<vmem>>, vector<16xf32>,
      %parallel_loop3A_541 = arith.constant 256 : i32
      %parallel_loop3A_542 = vector.broadcast %parallel_loop3A_541 : i32 to vector<16xi32>
      %parallel_loop3A_543 = arith.addi %parallel_loop3A_468, %parallel_loop3A_542 : vector<16xi32>
      %parallel_loop3A_544 = tpu.vector_load_idx %arg5[%parallel_loop3A_543] : memref<384xf32, #tpu.memory_space<vmem>>[vector<16xi32>], vector<16xf32>,
      %parallel_loop3A_545 = arith.constant 8 : i32
      %parallel_loop3A_546 = arith.index_cast %parallel_loop3A_545 : i32 to index
      %parallel_loop3A_547 = arith.index_cast %parallel_loop3A_447 : i32 to index
      %parallel_loop3A_548 = arith.index_cast %parallel_loop3A_466 : i32 to index
      %parallel_loop3A_549 = tpu.vector_load %arg7[%parallel_loop3A_546, %parallel_loop3A_547, %parallel_loop3A_548] {strides = array<i32>} : memref<12x32x256xf32, #tpu.memory_space<vmem>>, vector<16xf32>,
      tpu.vector_store %arg7[%parallel_loop3A_546, %parallel_loop3A_547, %parallel_loop3A_548], %parallel_loop3A_544 {strides = array<i32>} : memref<12x32x256xf32, #tpu.memory_space<vmem>>, vector<16xf32>,
      %parallel_loop3A_550 = arith.constant 288 : i32
      %parallel_loop3A_551 = vector.broadcast %parallel_loop3A_550 : i32 to vector<16xi32>
      %parallel_loop3A_552 = arith.addi %parallel_loop3A_468, %parallel_loop3A_551 : vector<16xi32>
      %parallel_loop3A_553 = tpu.vector_load_idx %arg5[%parallel_loop3A_552] : memref<384xf32, #tpu.memory_space<vmem>>[vector<16xi32>], vector<16xf32>,
      %parallel_loop3A_554 = arith.constant 9 : i32
      %parallel_loop3A_555 = arith.index_cast %parallel_loop3A_554 : i32 to index
      %parallel_loop3A_556 = arith.index_cast %parallel_loop3A_447 : i32 to index
      %parallel_loop3A_557 = arith.index_cast %parallel_loop3A_466 : i32 to index
      %parallel_loop3A_558 = tpu.vector_load %arg7[%parallel_loop3A_555, %parallel_loop3A_556, %parallel_loop3A_557] {strides = array<i32>} : memref<12x32x256xf32, #tpu.memory_space<vmem>>, vector<16xf32>,
      tpu.vector_store %arg7[%parallel_loop3A_555, %parallel_loop3A_556, %parallel_loop3A_557], %parallel_loop3A_553 {strides = array<i32>} : memref<12x32x256xf32, #tpu.memory_space<vmem>>, vector<16xf32>,
      %parallel_loop3A_559 = arith.constant 320 : i32
      %parallel_loop3A_560 = vector.broadcast %parallel_loop3A_559 : i32 to vector<16xi32>
      %parallel_loop3A_561 = arith.addi %parallel_loop3A_468, %parallel_loop3A_560 : vector<16xi32>
      %parallel_loop3A_562 = tpu.vector_load_idx %arg5[%parallel_loop3A_561] : memref<384xf32, #tpu.memory_space<vmem>>[vector<16xi32>], vector<16xf32>,
      %parallel_loop3A_563 = arith.constant 10 : i32
      %parallel_loop3A_564 = arith.index_cast %parallel_loop3A_563 : i32 to index
      %parallel_loop3A_565 = arith.index_cast %parallel_loop3A_447 : i32 to index
      %parallel_loop3A_566 = arith.index_cast %parallel_loop3A_466 : i32 to index
      %parallel_loop3A_567 = tpu.vector_load %arg7[%parallel_loop3A_564, %parallel_loop3A_565, %parallel_loop3A_566] {strides = array<i32>} : memref<12x32x256xf32, #tpu.memory_space<vmem>>, vector<16xf32>,
      tpu.vector_store %arg7[%parallel_loop3A_564, %parallel_loop3A_565, %parallel_loop3A_566], %parallel_loop3A_562 {strides = array<i32>} : memref<12x32x256xf32, #tpu.memory_space<vmem>>, vector<16xf32>,
      %parallel_loop3A_568 = arith.constant 352 : i32
      %parallel_loop3A_569 = vector.broadcast %parallel_loop3A_568 : i32 to vector<16xi32>
      %parallel_loop3A_570 = arith.addi %parallel_loop3A_468, %parallel_loop3A_569 : vector<16xi32>
      %parallel_loop3A_571 = tpu.vector_load_idx %arg5[%parallel_loop3A_570] : memref<384xf32, #tpu.memory_space<vmem>>[vector<16xi32>], vector<16xf32>,
      %parallel_loop3A_572 = arith.constant 11 : i32
      %parallel_loop3A_573 = arith.index_cast %parallel_loop3A_572 : i32 to index
      %parallel_loop3A_574 = arith.index_cast %parallel_loop3A_447 : i32 to index
      %parallel_loop3A_575 = arith.index_cast %parallel_loop3A_466 : i32 to index
      %parallel_loop3A_576 = tpu.vector_load %arg7[%parallel_loop3A_573, %parallel_loop3A_574, %parallel_loop3A_575] {strides = array<i32>} : memref<12x32x256xf32, #tpu.memory_space<vmem>>, vector<16xf32>,
      tpu.vector_store %arg7[%parallel_loop3A_573, %parallel_loop3A_574, %parallel_loop3A_575], %parallel_loop3A_571 {strides = array<i32>} : memref<12x32x256xf32, #tpu.memory_space<vmem>>, vector<16xf32>,
    } {sc.loop_unroll_factor = 4 : i64, sc.parallel_access}
    %dma_start3A = arith.constant 0 : i32
    %dma_start3A_38 = arith.constant 0 : i32
    %dma_start3A_39 = arith.constant 0 : i32
    %dma_start3A_40 = arith.constant 0 : i32
    %dma_start3A_41 = tpu.memref_slice %arg7[%dma_start3A, %dma_start3A_39, %dma_start3A_40] : memref<12x32x256xf32, #tpu.memory_space<vmem>> -> memref<1x32x256xf32, #tpu.memory_space<vmem>>
    %dma_start3A_42 = tpu.memref_squeeze %dma_start3A_41 : memref<1x32x256xf32, #tpu.memory_space<vmem>> -> memref<32x256xf32, #tpu.memory_space<vmem>>
    %dma_start3A_43 = arith.constant 0 : i32
    %dma_start3A_44 = tpu.memref_slice %arg4[%dma_start3A_38, %select_n3A, %multiple_of3A_35, %dma_start3A_43] : memref<12x4x256x256xf32, #tpu.memory_space<hbm>> -> memref<1x1x32x256xf32, #tpu.memory_space<hbm>>
    %dma_start3A_45 = tpu.memref_squeeze %dma_start3A_44 : memref<1x1x32x256xf32, #tpu.memory_space<hbm>> -> memref<32x256xf32, #tpu.memory_space<hbm>>
    %dma_start3A_46 = arith.constant 0 : i32
    %dma_start3A_47 = tpu.memref_slice %arg4[%dma_start3A_38, %select_n3A, %multiple_of3A_35, %dma_start3A_46] : memref<12x4x256x256xf32, #tpu.memory_space<hbm>> -> memref<1x1x32x256xf32, #tpu.memory_space<hbm>>
    %dma_start3A_48 = tpu.memref_squeeze %dma_start3A_47 : memref<1x1x32x256xf32, #tpu.memory_space<hbm>> -> memref<32x256xf32, #tpu.memory_space<hbm>>
    %dma_start3A_49 = arith.constant 0 : i32
    %dma_start3A_50 = arith.constant 0 : i32
    %dma_start3A_51 = tpu.memref_slice %arg7[%dma_start3A, %dma_start3A_49, %dma_start3A_50] : memref<12x32x256xf32, #tpu.memory_space<vmem>> -> memref<1x32x256xf32, #tpu.memory_space<vmem>>
    %dma_start3A_52 = tpu.memref_squeeze %dma_start3A_51 : memref<1x32x256xf32, #tpu.memory_space<vmem>> -> memref<32x256xf32, #tpu.memory_space<vmem>>
    tpu.enqueue_dma source(%dma_start3A_52 : memref<32x256xf32, #tpu.memory_space<vmem>>) target(%dma_start3A_48 : memref<32x256xf32, #tpu.memory_space<hbm>>) target_semaphore(%arg8 : memref<!tpu.dma_semaphore, #tpu.memory_space<semaphore_mem>>)
    %dma_start3A_53 = arith.constant 1 : i32
    %dma_start3A_54 = arith.constant 1 : i32
    %dma_start3A_55 = arith.constant 0 : i32
    %dma_start3A_56 = arith.constant 0 : i32
    %dma_start3A_57 = tpu.memref_slice %arg7[%dma_start3A_53, %dma_start3A_55, %dma_start3A_56] : memref<12x32x256xf32, #tpu.memory_space<vmem>> -> memref<1x32x256xf32, #tpu.memory_space<vmem>>
    %dma_start3A_58 = tpu.memref_squeeze %dma_start3A_57 : memref<1x32x256xf32, #tpu.memory_space<vmem>> -> memref<32x256xf32, #tpu.memory_space<vmem>>
    %dma_start3A_59 = arith.constant 0 : i32
    %dma_start3A_60 = tpu.memref_slice %arg4[%dma_start3A_54, %select_n3A, %multiple_of3A_35, %dma_start3A_59] : memref<12x4x256x256xf32, #tpu.memory_space<hbm>> -> memref<1x1x32x256xf32, #tpu.memory_space<hbm>>
    %dma_start3A_61 = tpu.memref_squeeze %dma_start3A_60 : memref<1x1x32x256xf32, #tpu.memory_space<hbm>> -> memref<32x256xf32, #tpu.memory_space<hbm>>
    %dma_start3A_62 = arith.constant 0 : i32
    %dma_start3A_63 = tpu.memref_slice %arg4[%dma_start3A_54, %select_n3A, %multiple_of3A_35, %dma_start3A_62] : memref<12x4x256x256xf32, #tpu.memory_space<hbm>> -> memref<1x1x32x256xf32, #tpu.memory_space<hbm>>
    %dma_start3A_64 = tpu.memref_squeeze %dma_start3A_63 : memref<1x1x32x256xf32, #tpu.memory_space<hbm>> -> memref<32x256xf32, #tpu.memory_space<hbm>>
    %dma_start3A_65 = arith.constant 0 : i32
    %dma_start3A_66 = arith.constant 0 : i32
    %dma_start3A_67 = tpu.memref_slice %arg7[%dma_start3A_53, %dma_start3A_65, %dma_start3A_66] : memref<12x32x256xf32, #tpu.memory_space<vmem>> -> memref<1x32x256xf32, #tpu.memory_space<vmem>>
    %dma_start3A_68 = tpu.memref_squeeze %dma_start3A_67 : memref<1x32x256xf32, #tpu.memory_space<vmem>> -> memref<32x256xf32, #tpu.memory_space<vmem>>
    tpu.enqueue_dma source(%dma_start3A_68 : memref<32x256xf32, #tpu.memory_space<vmem>>) target(%dma_start3A_64 : memref<32x256xf32, #tpu.memory_space<hbm>>) target_semaphore(%arg8 : memref<!tpu.dma_semaphore, #tpu.memory_space<semaphore_mem>>)
    %dma_start3A_69 = arith.constant 2 : i32
    %dma_start3A_70 = arith.constant 2 : i32
    %dma_start3A_71 = arith.constant 0 : i32
    %dma_start3A_72 = arith.constant 0 : i32
    %dma_start3A_73 = tpu.memref_slice %arg7[%dma_start3A_69, %dma_start3A_71, %dma_start3A_72] : memref<12x32x256xf32, #tpu.memory_space<vmem>> -> memref<1x32x256xf32, #tpu.memory_space<vmem>>
    %dma_start3A_74 = tpu.memref_squeeze %dma_start3A_73 : memref<1x32x256xf32, #tpu.memory_space<vmem>> -> memref<32x256xf32, #tpu.memory_space<vmem>>
    %dma_start3A_75 = arith.constant 0 : i32
    %dma_start3A_76 = tpu.memref_slice %arg4[%dma_start3A_70, %select_n3A, %multiple_of3A_35, %dma_start3A_75] : memref<12x4x256x256xf32, #tpu.memory_space<hbm>> -> memref<1x1x32x256xf32, #tpu.memory_space<hbm>>
    %dma_start3A_77 = tpu.memref_squeeze %dma_start3A_76 : memref<1x1x32x256xf32, #tpu.memory_space<hbm>> -> memref<32x256xf32, #tpu.memory_space<hbm>>
    %dma_start3A_78 = arith.constant 0 : i32
    %dma_start3A_79 = tpu.memref_slice %arg4[%dma_start3A_70, %select_n3A, %multiple_of3A_35, %dma_start3A_78] : memref<12x4x256x256xf32, #tpu.memory_space<hbm>> -> memref<1x1x32x256xf32, #tpu.memory_space<hbm>>
    %dma_start3A_80 = tpu.memref_squeeze %dma_start3A_79 : memref<1x1x32x256xf32, #tpu.memory_space<hbm>> -> memref<32x256xf32, #tpu.memory_space<hbm>>
    %dma_start3A_81 = arith.constant 0 : i32
    %dma_start3A_82 = arith.constant 0 : i32
    %dma_start3A_83 = tpu.memref_slice %arg7[%dma_start3A_69, %dma_start3A_81, %dma_start3A_82] : memref<12x32x256xf32, #tpu.memory_space<vmem>> -> memref<1x32x256xf32, #tpu.memory_space<vmem>>
    %dma_start3A_84 = tpu.memref_squeeze %dma_start3A_83 : memref<1x32x256xf32, #tpu.memory_space<vmem>> -> memref<32x256xf32, #tpu.memory_space<vmem>>
    tpu.enqueue_dma source(%dma_start3A_84 : memref<32x256xf32, #tpu.memory_space<vmem>>) target(%dma_start3A_80 : memref<32x256xf32, #tpu.memory_space<hbm>>) target_semaphore(%arg8 : memref<!tpu.dma_semaphore, #tpu.memory_space<semaphore_mem>>)
    %dma_start3A_85 = arith.constant 3 : i32
    %dma_start3A_86 = arith.constant 3 : i32
    %dma_start3A_87 = arith.constant 0 : i32
    %dma_start3A_88 = arith.constant 0 : i32
    %dma_start3A_89 = tpu.memref_slice %arg7[%dma_start3A_85, %dma_start3A_87, %dma_start3A_88] : memref<12x32x256xf32, #tpu.memory_space<vmem>> -> memref<1x32x256xf32, #tpu.memory_space<vmem>>
    %dma_start3A_90 = tpu.memref_squeeze %dma_start3A_89 : memref<1x32x256xf32, #tpu.memory_space<vmem>> -> memref<32x256xf32, #tpu.memory_space<vmem>>
    %dma_start3A_91 = arith.constant 0 : i32
    %dma_start3A_92 = tpu.memref_slice %arg4[%dma_start3A_86, %select_n3A, %multiple_of3A_35, %dma_start3A_91] : memref<12x4x256x256xf32, #tpu.memory_space<hbm>> -> memref<1x1x32x256xf32, #tpu.memory_space<hbm>>
    %dma_start3A_93 = tpu.memref_squeeze %dma_start3A_92 : memref<1x1x32x256xf32, #tpu.memory_space<hbm>> -> memref<32x256xf32, #tpu.memory_space<hbm>>
    %dma_start3A_94 = arith.constant 0 : i32
    %dma_start3A_95 = tpu.memref_slice %arg4[%dma_start3A_86, %select_n3A, %multiple_of3A_35, %dma_start3A_94] : memref<12x4x256x256xf32, #tpu.memory_space<hbm>> -> memref<1x1x32x256xf32, #tpu.memory_space<hbm>>
    %dma_start3A_96 = tpu.memref_squeeze %dma_start3A_95 : memref<1x1x32x256xf32, #tpu.memory_space<hbm>> -> memref<32x256xf32, #tpu.memory_space<hbm>>
    %dma_start3A_97 = arith.constant 0 : i32
    %dma_start3A_98 = arith.constant 0 : i32
    %dma_start3A_99 = tpu.memref_slice %arg7[%dma_start3A_85, %dma_start3A_97, %dma_start3A_98] : memref<12x32x256xf32, #tpu.memory_space<vmem>> -> memref<1x32x256xf32, #tpu.memory_space<vmem>>
    %dma_start3A_100 = tpu.memref_squeeze %dma_start3A_99 : memref<1x32x256xf32, #tpu.memory_space<vmem>> -> memref<32x256xf32, #tpu.memory_space<vmem>>
    tpu.enqueue_dma source(%dma_start3A_100 : memref<32x256xf32, #tpu.memory_space<vmem>>) target(%dma_start3A_96 : memref<32x256xf32, #tpu.memory_space<hbm>>) target_semaphore(%arg8 : memref<!tpu.dma_semaphore, #tpu.memory_space<semaphore_mem>>)
    %dma_start3A_101 = arith.constant 4 : i32
    %dma_start3A_102 = arith.constant 4 : i32
    %dma_start3A_103 = arith.constant 0 : i32
    %dma_start3A_104 = arith.constant 0 : i32
    %dma_start3A_105 = tpu.memref_slice %arg7[%dma_start3A_101, %dma_start3A_103, %dma_start3A_104] : memref<12x32x256xf32, #tpu.memory_space<vmem>> -> memref<1x32x256xf32, #tpu.memory_space<vmem>>
    %dma_start3A_106 = tpu.memref_squeeze %dma_start3A_105 : memref<1x32x256xf32, #tpu.memory_space<vmem>> -> memref<32x256xf32, #tpu.memory_space<vmem>>
    %dma_start3A_107 = arith.constant 0 : i32
    %dma_start3A_108 = tpu.memref_slice %arg4[%dma_start3A_102, %select_n3A, %multiple_of3A_35, %dma_start3A_107] : memref<12x4x256x256xf32, #tpu.memory_space<hbm>> -> memref<1x1x32x256xf32, #tpu.memory_space<hbm>>
    %dma_start3A_109 = tpu.memref_squeeze %dma_start3A_108 : memref<1x1x32x256xf32, #tpu.memory_space<hbm>> -> memref<32x256xf32, #tpu.memory_space<hbm>>
    %dma_start3A_110 = arith.constant 0 : i32
    %dma_start3A_111 = tpu.memref_slice %arg4[%dma_start3A_102, %select_n3A, %multiple_of3A_35, %dma_start3A_110] : memref<12x4x256x256xf32, #tpu.memory_space<hbm>> -> memref<1x1x32x256xf32, #tpu.memory_space<hbm>>
    %dma_start3A_112 = tpu.memref_squeeze %dma_start3A_111 : memref<1x1x32x256xf32, #tpu.memory_space<hbm>> -> memref<32x256xf32, #tpu.memory_space<hbm>>
    %dma_start3A_113 = arith.constant 0 : i32
    %dma_start3A_114 = arith.constant 0 : i32
    %dma_start3A_115 = tpu.memref_slice %arg7[%dma_start3A_101, %dma_start3A_113, %dma_start3A_114] : memref<12x32x256xf32, #tpu.memory_space<vmem>> -> memref<1x32x256xf32, #tpu.memory_space<vmem>>
    %dma_start3A_116 = tpu.memref_squeeze %dma_start3A_115 : memref<1x32x256xf32, #tpu.memory_space<vmem>> -> memref<32x256xf32, #tpu.memory_space<vmem>>
    tpu.enqueue_dma source(%dma_start3A_116 : memref<32x256xf32, #tpu.memory_space<vmem>>) target(%dma_start3A_112 : memref<32x256xf32, #tpu.memory_space<hbm>>) target_semaphore(%arg8 : memref<!tpu.dma_semaphore, #tpu.memory_space<semaphore_mem>>)
    %dma_start3A_117 = arith.constant 5 : i32
    %dma_start3A_118 = arith.constant 5 : i32
    %dma_start3A_119 = arith.constant 0 : i32
    %dma_start3A_120 = arith.constant 0 : i32
    %dma_start3A_121 = tpu.memref_slice %arg7[%dma_start3A_117, %dma_start3A_119, %dma_start3A_120] : memref<12x32x256xf32, #tpu.memory_space<vmem>> -> memref<1x32x256xf32, #tpu.memory_space<vmem>>
    %dma_start3A_122 = tpu.memref_squeeze %dma_start3A_121 : memref<1x32x256xf32, #tpu.memory_space<vmem>> -> memref<32x256xf32, #tpu.memory_space<vmem>>
    %dma_start3A_123 = arith.constant 0 : i32
    %dma_start3A_124 = tpu.memref_slice %arg4[%dma_start3A_118, %select_n3A, %multiple_of3A_35, %dma_start3A_123] : memref<12x4x256x256xf32, #tpu.memory_space<hbm>> -> memref<1x1x32x256xf32, #tpu.memory_space<hbm>>
    %dma_start3A_125 = tpu.memref_squeeze %dma_start3A_124 : memref<1x1x32x256xf32, #tpu.memory_space<hbm>> -> memref<32x256xf32, #tpu.memory_space<hbm>>
    %dma_start3A_126 = arith.constant 0 : i32
    %dma_start3A_127 = tpu.memref_slice %arg4[%dma_start3A_118, %select_n3A, %multiple_of3A_35, %dma_start3A_126] : memref<12x4x256x256xf32, #tpu.memory_space<hbm>> -> memref<1x1x32x256xf32, #tpu.memory_space<hbm>>
    %dma_start3A_128 = tpu.memref_squeeze %dma_start3A_127 : memref<1x1x32x256xf32, #tpu.memory_space<hbm>> -> memref<32x256xf32, #tpu.memory_space<hbm>>
    %dma_start3A_129 = arith.constant 0 : i32
    %dma_start3A_130 = arith.constant 0 : i32
    %dma_start3A_131 = tpu.memref_slice %arg7[%dma_start3A_117, %dma_start3A_129, %dma_start3A_130] : memref<12x32x256xf32, #tpu.memory_space<vmem>> -> memref<1x32x256xf32, #tpu.memory_space<vmem>>
    %dma_start3A_132 = tpu.memref_squeeze %dma_start3A_131 : memref<1x32x256xf32, #tpu.memory_space<vmem>> -> memref<32x256xf32, #tpu.memory_space<vmem>>
    tpu.enqueue_dma source(%dma_start3A_132 : memref<32x256xf32, #tpu.memory_space<vmem>>) target(%dma_start3A_128 : memref<32x256xf32, #tpu.memory_space<hbm>>) target_semaphore(%arg8 : memref<!tpu.dma_semaphore, #tpu.memory_space<semaphore_mem>>)
    %dma_start3A_133 = arith.constant 6 : i32
    %dma_start3A_134 = arith.constant 6 : i32
    %dma_start3A_135 = arith.constant 0 : i32
    %dma_start3A_136 = arith.constant 0 : i32
    %dma_start3A_137 = tpu.memref_slice %arg7[%dma_start3A_133, %dma_start3A_135, %dma_start3A_136] : memref<12x32x256xf32, #tpu.memory_space<vmem>> -> memref<1x32x256xf32, #tpu.memory_space<vmem>>
    %dma_start3A_138 = tpu.memref_squeeze %dma_start3A_137 : memref<1x32x256xf32, #tpu.memory_space<vmem>> -> memref<32x256xf32, #tpu.memory_space<vmem>>
    %dma_start3A_139 = arith.constant 0 : i32
    %dma_start3A_140 = tpu.memref_slice %arg4[%dma_start3A_134, %select_n3A, %multiple_of3A_35, %dma_start3A_139] : memref<12x4x256x256xf32, #tpu.memory_space<hbm>> -> memref<1x1x32x256xf32, #tpu.memory_space<hbm>>
    %dma_start3A_141 = tpu.memref_squeeze %dma_start3A_140 : memref<1x1x32x256xf32, #tpu.memory_space<hbm>> -> memref<32x256xf32, #tpu.memory_space<hbm>>
    %dma_start3A_142 = arith.constant 0 : i32
    %dma_start3A_143 = tpu.memref_slice %arg4[%dma_start3A_134, %select_n3A, %multiple_of3A_35, %dma_start3A_142] : memref<12x4x256x256xf32, #tpu.memory_space<hbm>> -> memref<1x1x32x256xf32, #tpu.memory_space<hbm>>
    %dma_start3A_144 = tpu.memref_squeeze %dma_start3A_143 : memref<1x1x32x256xf32, #tpu.memory_space<hbm>> -> memref<32x256xf32, #tpu.memory_space<hbm>>
    %dma_start3A_145 = arith.constant 0 : i32
    %dma_start3A_146 = arith.constant 0 : i32
    %dma_start3A_147 = tpu.memref_slice %arg7[%dma_start3A_133, %dma_start3A_145, %dma_start3A_146] : memref<12x32x256xf32, #tpu.memory_space<vmem>> -> memref<1x32x256xf32, #tpu.memory_space<vmem>>
    %dma_start3A_148 = tpu.memref_squeeze %dma_start3A_147 : memref<1x32x256xf32, #tpu.memory_space<vmem>> -> memref<32x256xf32, #tpu.memory_space<vmem>>
    tpu.enqueue_dma source(%dma_start3A_148 : memref<32x256xf32, #tpu.memory_space<vmem>>) target(%dma_start3A_144 : memref<32x256xf32, #tpu.memory_space<hbm>>) target_semaphore(%arg8 : memref<!tpu.dma_semaphore, #tpu.memory_space<semaphore_mem>>)
    %dma_start3A_149 = arith.constant 7 : i32
    %dma_start3A_150 = arith.constant 7 : i32
    %dma_start3A_151 = arith.constant 0 : i32
    %dma_start3A_152 = arith.constant 0 : i32
    %dma_start3A_153 = tpu.memref_slice %arg7[%dma_start3A_149, %dma_start3A_151, %dma_start3A_152] : memref<12x32x256xf32, #tpu.memory_space<vmem>> -> memref<1x32x256xf32, #tpu.memory_space<vmem>>
    %dma_start3A_154 = tpu.memref_squeeze %dma_start3A_153 : memref<1x32x256xf32, #tpu.memory_space<vmem>> -> memref<32x256xf32, #tpu.memory_space<vmem>>
    %dma_start3A_155 = arith.constant 0 : i32
    %dma_start3A_156 = tpu.memref_slice %arg4[%dma_start3A_150, %select_n3A, %multiple_of3A_35, %dma_start3A_155] : memref<12x4x256x256xf32, #tpu.memory_space<hbm>> -> memref<1x1x32x256xf32, #tpu.memory_space<hbm>>
    %dma_start3A_157 = tpu.memref_squeeze %dma_start3A_156 : memref<1x1x32x256xf32, #tpu.memory_space<hbm>> -> memref<32x256xf32, #tpu.memory_space<hbm>>
    %dma_start3A_158 = arith.constant 0 : i32
    %dma_start3A_159 = tpu.memref_slice %arg4[%dma_start3A_150, %select_n3A, %multiple_of3A_35, %dma_start3A_158] : memref<12x4x256x256xf32, #tpu.memory_space<hbm>> -> memref<1x1x32x256xf32, #tpu.memory_space<hbm>>
    %dma_start3A_160 = tpu.memref_squeeze %dma_start3A_159 : memref<1x1x32x256xf32, #tpu.memory_space<hbm>> -> memref<32x256xf32, #tpu.memory_space<hbm>>
    %dma_start3A_161 = arith.constant 0 : i32
    %dma_start3A_162 = arith.constant 0 : i32
    %dma_start3A_163 = tpu.memref_slice %arg7[%dma_start3A_149, %dma_start3A_161, %dma_start3A_162] : memref<12x32x256xf32, #tpu.memory_space<vmem>> -> memref<1x32x256xf32, #tpu.memory_space<vmem>>
    %dma_start3A_164 = tpu.memref_squeeze %dma_start3A_163 : memref<1x32x256xf32, #tpu.memory_space<vmem>> -> memref<32x256xf32, #tpu.memory_space<vmem>>
    tpu.enqueue_dma source(%dma_start3A_164 : memref<32x256xf32, #tpu.memory_space<vmem>>) target(%dma_start3A_160 : memref<32x256xf32, #tpu.memory_space<hbm>>) target_semaphore(%arg8 : memref<!tpu.dma_semaphore, #tpu.memory_space<semaphore_mem>>)
    %dma_start3A_165 = arith.constant 8 : i32
    %dma_start3A_166 = arith.constant 8 : i32
    %dma_start3A_167 = arith.constant 0 : i32
    %dma_start3A_168 = arith.constant 0 : i32
    %dma_start3A_169 = tpu.memref_slice %arg7[%dma_start3A_165, %dma_start3A_167, %dma_start3A_168] : memref<12x32x256xf32, #tpu.memory_space<vmem>> -> memref<1x32x256xf32, #tpu.memory_space<vmem>>
    %dma_start3A_170 = tpu.memref_squeeze %dma_start3A_169 : memref<1x32x256xf32, #tpu.memory_space<vmem>> -> memref<32x256xf32, #tpu.memory_space<vmem>>
    %dma_start3A_171 = arith.constant 0 : i32
    %dma_start3A_172 = tpu.memref_slice %arg4[%dma_start3A_166, %select_n3A, %multiple_of3A_35, %dma_start3A_171] : memref<12x4x256x256xf32, #tpu.memory_space<hbm>> -> memref<1x1x32x256xf32, #tpu.memory_space<hbm>>
    %dma_start3A_173 = tpu.memref_squeeze %dma_start3A_172 : memref<1x1x32x256xf32, #tpu.memory_space<hbm>> -> memref<32x256xf32, #tpu.memory_space<hbm>>
    %dma_start3A_174 = arith.constant 0 : i32
    %dma_start3A_175 = tpu.memref_slice %arg4[%dma_start3A_166, %select_n3A, %multiple_of3A_35, %dma_start3A_174] : memref<12x4x256x256xf32, #tpu.memory_space<hbm>> -> memref<1x1x32x256xf32, #tpu.memory_space<hbm>>
    %dma_start3A_176 = tpu.memref_squeeze %dma_start3A_175 : memref<1x1x32x256xf32, #tpu.memory_space<hbm>> -> memref<32x256xf32, #tpu.memory_space<hbm>>
    %dma_start3A_177 = arith.constant 0 : i32
    %dma_start3A_178 = arith.constant 0 : i32
    %dma_start3A_179 = tpu.memref_slice %arg7[%dma_start3A_165, %dma_start3A_177, %dma_start3A_178] : memref<12x32x256xf32, #tpu.memory_space<vmem>> -> memref<1x32x256xf32, #tpu.memory_space<vmem>>
    %dma_start3A_180 = tpu.memref_squeeze %dma_start3A_179 : memref<1x32x256xf32, #tpu.memory_space<vmem>> -> memref<32x256xf32, #tpu.memory_space<vmem>>
    tpu.enqueue_dma source(%dma_start3A_180 : memref<32x256xf32, #tpu.memory_space<vmem>>) target(%dma_start3A_176 : memref<32x256xf32, #tpu.memory_space<hbm>>) target_semaphore(%arg8 : memref<!tpu.dma_semaphore, #tpu.memory_space<semaphore_mem>>)
    %dma_start3A_181 = arith.constant 9 : i32
    %dma_start3A_182 = arith.constant 9 : i32
    %dma_start3A_183 = arith.constant 0 : i32
    %dma_start3A_184 = arith.constant 0 : i32
    %dma_start3A_185 = tpu.memref_slice %arg7[%dma_start3A_181, %dma_start3A_183, %dma_start3A_184] : memref<12x32x256xf32, #tpu.memory_space<vmem>> -> memref<1x32x256xf32, #tpu.memory_space<vmem>>
    %dma_start3A_186 = tpu.memref_squeeze %dma_start3A_185 : memref<1x32x256xf32, #tpu.memory_space<vmem>> -> memref<32x256xf32, #tpu.memory_space<vmem>>
    %dma_start3A_187 = arith.constant 0 : i32
    %dma_start3A_188 = tpu.memref_slice %arg4[%dma_start3A_182, %select_n3A, %multiple_of3A_35, %dma_start3A_187] : memref<12x4x256x256xf32, #tpu.memory_space<hbm>> -> memref<1x1x32x256xf32, #tpu.memory_space<hbm>>
    %dma_start3A_189 = tpu.memref_squeeze %dma_start3A_188 : memref<1x1x32x256xf32, #tpu.memory_space<hbm>> -> memref<32x256xf32, #tpu.memory_space<hbm>>
    %dma_start3A_190 = arith.constant 0 : i32
    %dma_start3A_191 = tpu.memref_slice %arg4[%dma_start3A_182, %select_n3A, %multiple_of3A_35, %dma_start3A_190] : memref<12x4x256x256xf32, #tpu.memory_space<hbm>> -> memref<1x1x32x256xf32, #tpu.memory_space<hbm>>
    %dma_start3A_192 = tpu.memref_squeeze %dma_start3A_191 : memref<1x1x32x256xf32, #tpu.memory_space<hbm>> -> memref<32x256xf32, #tpu.memory_space<hbm>>
    %dma_start3A_193 = arith.constant 0 : i32
    %dma_start3A_194 = arith.constant 0 : i32
    %dma_start3A_195 = tpu.memref_slice %arg7[%dma_start3A_181, %dma_start3A_193, %dma_start3A_194] : memref<12x32x256xf32, #tpu.memory_space<vmem>> -> memref<1x32x256xf32, #tpu.memory_space<vmem>>
    %dma_start3A_196 = tpu.memref_squeeze %dma_start3A_195 : memref<1x32x256xf32, #tpu.memory_space<vmem>> -> memref<32x256xf32, #tpu.memory_space<vmem>>
    tpu.enqueue_dma source(%dma_start3A_196 : memref<32x256xf32, #tpu.memory_space<vmem>>) target(%dma_start3A_192 : memref<32x256xf32, #tpu.memory_space<hbm>>) target_semaphore(%arg8 : memref<!tpu.dma_semaphore, #tpu.memory_space<semaphore_mem>>)
    %dma_start3A_197 = arith.constant 10 : i32
    %dma_start3A_198 = arith.constant 10 : i32
    %dma_start3A_199 = arith.constant 0 : i32
    %dma_start3A_200 = arith.constant 0 : i32
    %dma_start3A_201 = tpu.memref_slice %arg7[%dma_start3A_197, %dma_start3A_199, %dma_start3A_200] : memref<12x32x256xf32, #tpu.memory_space<vmem>> -> memref<1x32x256xf32, #tpu.memory_space<vmem>>
    %dma_start3A_202 = tpu.memref_squeeze %dma_start3A_201 : memref<1x32x256xf32, #tpu.memory_space<vmem>> -> memref<32x256xf32, #tpu.memory_space<vmem>>
    %dma_start3A_203 = arith.constant 0 : i32
    %dma_start3A_204 = tpu.memref_slice %arg4[%dma_start3A_198, %select_n3A, %multiple_of3A_35, %dma_start3A_203] : memref<12x4x256x256xf32, #tpu.memory_space<hbm>> -> memref<1x1x32x256xf32, #tpu.memory_space<hbm>>
    %dma_start3A_205 = tpu.memref_squeeze %dma_start3A_204 : memref<1x1x32x256xf32, #tpu.memory_space<hbm>> -> memref<32x256xf32, #tpu.memory_space<hbm>>
    %dma_start3A_206 = arith.constant 0 : i32
    %dma_start3A_207 = tpu.memref_slice %arg4[%dma_start3A_198, %select_n3A, %multiple_of3A_35, %dma_start3A_206] : memref<12x4x256x256xf32, #tpu.memory_space<hbm>> -> memref<1x1x32x256xf32, #tpu.memory_space<hbm>>
    %dma_start3A_208 = tpu.memref_squeeze %dma_start3A_207 : memref<1x1x32x256xf32, #tpu.memory_space<hbm>> -> memref<32x256xf32, #tpu.memory_space<hbm>>
    %dma_start3A_209 = arith.constant 0 : i32
    %dma_start3A_210 = arith.constant 0 : i32
    %dma_start3A_211 = tpu.memref_slice %arg7[%dma_start3A_197, %dma_start3A_209, %dma_start3A_210] : memref<12x32x256xf32, #tpu.memory_space<vmem>> -> memref<1x32x256xf32, #tpu.memory_space<vmem>>
    %dma_start3A_212 = tpu.memref_squeeze %dma_start3A_211 : memref<1x32x256xf32, #tpu.memory_space<vmem>> -> memref<32x256xf32, #tpu.memory_space<vmem>>
    tpu.enqueue_dma source(%dma_start3A_212 : memref<32x256xf32, #tpu.memory_space<vmem>>) target(%dma_start3A_208 : memref<32x256xf32, #tpu.memory_space<hbm>>) target_semaphore(%arg8 : memref<!tpu.dma_semaphore, #tpu.memory_space<semaphore_mem>>)
    %dma_start3A_213 = arith.constant 11 : i32
    %dma_start3A_214 = arith.constant 11 : i32
    %dma_start3A_215 = arith.constant 0 : i32
    %dma_start3A_216 = arith.constant 0 : i32
    %dma_start3A_217 = tpu.memref_slice %arg7[%dma_start3A_213, %dma_start3A_215, %dma_start3A_216] : memref<12x32x256xf32, #tpu.memory_space<vmem>> -> memref<1x32x256xf32, #tpu.memory_space<vmem>>
    %dma_start3A_218 = tpu.memref_squeeze %dma_start3A_217 : memref<1x32x256xf32, #tpu.memory_space<vmem>> -> memref<32x256xf32, #tpu.memory_space<vmem>>
    %dma_start3A_219 = arith.constant 0 : i32
    %dma_start3A_220 = tpu.memref_slice %arg4[%dma_start3A_214, %select_n3A, %multiple_of3A_35, %dma_start3A_219] : memref<12x4x256x256xf32, #tpu.memory_space<hbm>> -> memref<1x1x32x256xf32, #tpu.memory_space<hbm>>
    %dma_start3A_221 = tpu.memref_squeeze %dma_start3A_220 : memref<1x1x32x256xf32, #tpu.memory_space<hbm>> -> memref<32x256xf32, #tpu.memory_space<hbm>>
    %dma_start3A_222 = arith.constant 0 : i32
    %dma_start3A_223 = tpu.memref_slice %arg4[%dma_start3A_214, %select_n3A, %multiple_of3A_35, %dma_start3A_222] : memref<12x4x256x256xf32, #tpu.memory_space<hbm>> -> memref<1x1x32x256xf32, #tpu.memory_space<hbm>>
    %dma_start3A_224 = tpu.memref_squeeze %dma_start3A_223 : memref<1x1x32x256xf32, #tpu.memory_space<hbm>> -> memref<32x256xf32, #tpu.memory_space<hbm>>
    %dma_start3A_225 = arith.constant 0 : i32
    %dma_start3A_226 = arith.constant 0 : i32
    %dma_start3A_227 = tpu.memref_slice %arg7[%dma_start3A_213, %dma_start3A_225, %dma_start3A_226] : memref<12x32x256xf32, #tpu.memory_space<vmem>> -> memref<1x32x256xf32, #tpu.memory_space<vmem>>
    %dma_start3A_228 = tpu.memref_squeeze %dma_start3A_227 : memref<1x32x256xf32, #tpu.memory_space<vmem>> -> memref<32x256xf32, #tpu.memory_space<vmem>>
    tpu.enqueue_dma source(%dma_start3A_228 : memref<32x256xf32, #tpu.memory_space<vmem>>) target(%dma_start3A_224 : memref<32x256xf32, #tpu.memory_space<hbm>>) target_semaphore(%arg8 : memref<!tpu.dma_semaphore, #tpu.memory_space<semaphore_mem>>)
    %dma_wait3A = arith.constant 0 : i32
    %dma_wait3A_229 = arith.constant 0 : i32
    %dma_wait3A_230 = arith.constant 0 : i32
    %dma_wait3A_231 = arith.constant 0 : i32
    %dma_wait3A_232 = tpu.memref_slice %arg7[%dma_wait3A, %dma_wait3A_230, %dma_wait3A_231] : memref<12x32x256xf32, #tpu.memory_space<vmem>> -> memref<1x32x256xf32, #tpu.memory_space<vmem>>
    %dma_wait3A_233 = tpu.memref_squeeze %dma_wait3A_232 : memref<1x32x256xf32, #tpu.memory_space<vmem>> -> memref<32x256xf32, #tpu.memory_space<vmem>>
    %dma_wait3A_234 = arith.constant 0 : i32
    %dma_wait3A_235 = tpu.memref_slice %arg4[%dma_wait3A_229, %select_n3A, %multiple_of3A_35, %dma_wait3A_234] : memref<12x4x256x256xf32, #tpu.memory_space<hbm>> -> memref<1x1x32x256xf32, #tpu.memory_space<hbm>>
    %dma_wait3A_236 = tpu.memref_squeeze %dma_wait3A_235 : memref<1x1x32x256xf32, #tpu.memory_space<hbm>> -> memref<32x256xf32, #tpu.memory_space<hbm>>
    %dma_wait3A_237 = arith.constant 0 : i32
    %dma_wait3A_238 = tpu.memref_slice %arg4[%dma_wait3A_229, %select_n3A, %multiple_of3A_35, %dma_wait3A_237] : memref<12x4x256x256xf32, #tpu.memory_space<hbm>> -> memref<1x1x32x256xf32, #tpu.memory_space<hbm>>
    %dma_wait3A_239 = tpu.memref_squeeze %dma_wait3A_238 : memref<1x1x32x256xf32, #tpu.memory_space<hbm>> -> memref<32x256xf32, #tpu.memory_space<hbm>>
    %dma_wait3A_240 = arith.constant 0 : i32
    %dma_wait3A_241 = arith.constant 0 : i32
    %dma_wait3A_242 = tpu.memref_slice %arg7[%dma_wait3A, %dma_wait3A_240, %dma_wait3A_241] : memref<12x32x256xf32, #tpu.memory_space<vmem>> -> memref<1x32x256xf32, #tpu.memory_space<vmem>>
    %dma_wait3A_243 = tpu.memref_squeeze %dma_wait3A_242 : memref<1x32x256xf32, #tpu.memory_space<vmem>> -> memref<32x256xf32, #tpu.memory_space<vmem>>
    tpu.wait_dma2 semaphore(%arg8 : memref<!tpu.dma_semaphore, #tpu.memory_space<semaphore_mem>>) src(%dma_wait3A_243 : memref<32x256xf32, #tpu.memory_space<vmem>>) dst(%dma_wait3A_239 : memref<32x256xf32, #tpu.memory_space<hbm>>)
    %dma_wait3A_244 = arith.constant 1 : i32
    %dma_wait3A_245 = arith.constant 1 : i32
    %dma_wait3A_246 = arith.constant 0 : i32
    %dma_wait3A_247 = arith.constant 0 : i32
    %dma_wait3A_248 = tpu.memref_slice %arg7[%dma_wait3A_244, %dma_wait3A_246, %dma_wait3A_247] : memref<12x32x256xf32, #tpu.memory_space<vmem>> -> memref<1x32x256xf32, #tpu.memory_space<vmem>>
    %dma_wait3A_249 = tpu.memref_squeeze %dma_wait3A_248 : memref<1x32x256xf32, #tpu.memory_space<vmem>> -> memref<32x256xf32, #tpu.memory_space<vmem>>
    %dma_wait3A_250 = arith.constant 0 : i32
    %dma_wait3A_251 = tpu.memref_slice %arg4[%dma_wait3A_245, %select_n3A, %multiple_of3A_35, %dma_wait3A_250] : memref<12x4x256x256xf32, #tpu.memory_space<hbm>> -> memref<1x1x32x256xf32, #tpu.memory_space<hbm>>
    %dma_wait3A_252 = tpu.memref_squeeze %dma_wait3A_251 : memref<1x1x32x256xf32, #tpu.memory_space<hbm>> -> memref<32x256xf32, #tpu.memory_space<hbm>>
    %dma_wait3A_253 = arith.constant 0 : i32
    %dma_wait3A_254 = tpu.memref_slice %arg4[%dma_wait3A_245, %select_n3A, %multiple_of3A_35, %dma_wait3A_253] : memref<12x4x256x256xf32, #tpu.memory_space<hbm>> -> memref<1x1x32x256xf32, #tpu.memory_space<hbm>>
    %dma_wait3A_255 = tpu.memref_squeeze %dma_wait3A_254 : memref<1x1x32x256xf32, #tpu.memory_space<hbm>> -> memref<32x256xf32, #tpu.memory_space<hbm>>
    %dma_wait3A_256 = arith.constant 0 : i32
    %dma_wait3A_257 = arith.constant 0 : i32
    %dma_wait3A_258 = tpu.memref_slice %arg7[%dma_wait3A_244, %dma_wait3A_256, %dma_wait3A_257] : memref<12x32x256xf32, #tpu.memory_space<vmem>> -> memref<1x32x256xf32, #tpu.memory_space<vmem>>
    %dma_wait3A_259 = tpu.memref_squeeze %dma_wait3A_258 : memref<1x32x256xf32, #tpu.memory_space<vmem>> -> memref<32x256xf32, #tpu.memory_space<vmem>>
    tpu.wait_dma2 semaphore(%arg8 : memref<!tpu.dma_semaphore, #tpu.memory_space<semaphore_mem>>) src(%dma_wait3A_259 : memref<32x256xf32, #tpu.memory_space<vmem>>) dst(%dma_wait3A_255 : memref<32x256xf32, #tpu.memory_space<hbm>>)
    %dma_wait3A_260 = arith.constant 2 : i32
    %dma_wait3A_261 = arith.constant 2 : i32
    %dma_wait3A_262 = arith.constant 0 : i32
    %dma_wait3A_263 = arith.constant 0 : i32
    %dma_wait3A_264 = tpu.memref_slice %arg7[%dma_wait3A_260, %dma_wait3A_262, %dma_wait3A_263] : memref<12x32x256xf32, #tpu.memory_space<vmem>> -> memref<1x32x256xf32, #tpu.memory_space<vmem>>
    %dma_wait3A_265 = tpu.memref_squeeze %dma_wait3A_264 : memref<1x32x256xf32, #tpu.memory_space<vmem>> -> memref<32x256xf32, #tpu.memory_space<vmem>>
    %dma_wait3A_266 = arith.constant 0 : i32
    %dma_wait3A_267 = tpu.memref_slice %arg4[%dma_wait3A_261, %select_n3A, %multiple_of3A_35, %dma_wait3A_266] : memref<12x4x256x256xf32, #tpu.memory_space<hbm>> -> memref<1x1x32x256xf32, #tpu.memory_space<hbm>>
    %dma_wait3A_268 = tpu.memref_squeeze %dma_wait3A_267 : memref<1x1x32x256xf32, #tpu.memory_space<hbm>> -> memref<32x256xf32, #tpu.memory_space<hbm>>
    %dma_wait3A_269 = arith.constant 0 : i32
    %dma_wait3A_270 = tpu.memref_slice %arg4[%dma_wait3A_261, %select_n3A, %multiple_of3A_35, %dma_wait3A_269] : memref<12x4x256x256xf32, #tpu.memory_space<hbm>> -> memref<1x1x32x256xf32, #tpu.memory_space<hbm>>
    %dma_wait3A_271 = tpu.memref_squeeze %dma_wait3A_270 : memref<1x1x32x256xf32, #tpu.memory_space<hbm>> -> memref<32x256xf32, #tpu.memory_space<hbm>>
    %dma_wait3A_272 = arith.constant 0 : i32
    %dma_wait3A_273 = arith.constant 0 : i32
    %dma_wait3A_274 = tpu.memref_slice %arg7[%dma_wait3A_260, %dma_wait3A_272, %dma_wait3A_273] : memref<12x32x256xf32, #tpu.memory_space<vmem>> -> memref<1x32x256xf32, #tpu.memory_space<vmem>>
    %dma_wait3A_275 = tpu.memref_squeeze %dma_wait3A_274 : memref<1x32x256xf32, #tpu.memory_space<vmem>> -> memref<32x256xf32, #tpu.memory_space<vmem>>
    tpu.wait_dma2 semaphore(%arg8 : memref<!tpu.dma_semaphore, #tpu.memory_space<semaphore_mem>>) src(%dma_wait3A_275 : memref<32x256xf32, #tpu.memory_space<vmem>>) dst(%dma_wait3A_271 : memref<32x256xf32, #tpu.memory_space<hbm>>)
    %dma_wait3A_276 = arith.constant 3 : i32
    %dma_wait3A_277 = arith.constant 3 : i32
    %dma_wait3A_278 = arith.constant 0 : i32
    %dma_wait3A_279 = arith.constant 0 : i32
    %dma_wait3A_280 = tpu.memref_slice %arg7[%dma_wait3A_276, %dma_wait3A_278, %dma_wait3A_279] : memref<12x32x256xf32, #tpu.memory_space<vmem>> -> memref<1x32x256xf32, #tpu.memory_space<vmem>>
    %dma_wait3A_281 = tpu.memref_squeeze %dma_wait3A_280 : memref<1x32x256xf32, #tpu.memory_space<vmem>> -> memref<32x256xf32, #tpu.memory_space<vmem>>
    %dma_wait3A_282 = arith.constant 0 : i32
    %dma_wait3A_283 = tpu.memref_slice %arg4[%dma_wait3A_277, %select_n3A, %multiple_of3A_35, %dma_wait3A_282] : memref<12x4x256x256xf32, #tpu.memory_space<hbm>> -> memref<1x1x32x256xf32, #tpu.memory_space<hbm>>
    %dma_wait3A_284 = tpu.memref_squeeze %dma_wait3A_283 : memref<1x1x32x256xf32, #tpu.memory_space<hbm>> -> memref<32x256xf32, #tpu.memory_space<hbm>>
    %dma_wait3A_285 = arith.constant 0 : i32
    %dma_wait3A_286 = tpu.memref_slice %arg4[%dma_wait3A_277, %select_n3A, %multiple_of3A_35, %dma_wait3A_285] : memref<12x4x256x256xf32, #tpu.memory_space<hbm>> -> memref<1x1x32x256xf32, #tpu.memory_space<hbm>>
    %dma_wait3A_287 = tpu.memref_squeeze %dma_wait3A_286 : memref<1x1x32x256xf32, #tpu.memory_space<hbm>> -> memref<32x256xf32, #tpu.memory_space<hbm>>
    %dma_wait3A_288 = arith.constant 0 : i32
    %dma_wait3A_289 = arith.constant 0 : i32
    %dma_wait3A_290 = tpu.memref_slice %arg7[%dma_wait3A_276, %dma_wait3A_288, %dma_wait3A_289] : memref<12x32x256xf32, #tpu.memory_space<vmem>> -> memref<1x32x256xf32, #tpu.memory_space<vmem>>
    %dma_wait3A_291 = tpu.memref_squeeze %dma_wait3A_290 : memref<1x32x256xf32, #tpu.memory_space<vmem>> -> memref<32x256xf32, #tpu.memory_space<vmem>>
    tpu.wait_dma2 semaphore(%arg8 : memref<!tpu.dma_semaphore, #tpu.memory_space<semaphore_mem>>) src(%dma_wait3A_291 : memref<32x256xf32, #tpu.memory_space<vmem>>) dst(%dma_wait3A_287 : memref<32x256xf32, #tpu.memory_space<hbm>>)
    %dma_wait3A_292 = arith.constant 4 : i32
    %dma_wait3A_293 = arith.constant 4 : i32
    %dma_wait3A_294 = arith.constant 0 : i32
    %dma_wait3A_295 = arith.constant 0 : i32
    %dma_wait3A_296 = tpu.memref_slice %arg7[%dma_wait3A_292, %dma_wait3A_294, %dma_wait3A_295] : memref<12x32x256xf32, #tpu.memory_space<vmem>> -> memref<1x32x256xf32, #tpu.memory_space<vmem>>
    %dma_wait3A_297 = tpu.memref_squeeze %dma_wait3A_296 : memref<1x32x256xf32, #tpu.memory_space<vmem>> -> memref<32x256xf32, #tpu.memory_space<vmem>>
    %dma_wait3A_298 = arith.constant 0 : i32
    %dma_wait3A_299 = tpu.memref_slice %arg4[%dma_wait3A_293, %select_n3A, %multiple_of3A_35, %dma_wait3A_298] : memref<12x4x256x256xf32, #tpu.memory_space<hbm>> -> memref<1x1x32x256xf32, #tpu.memory_space<hbm>>
    %dma_wait3A_300 = tpu.memref_squeeze %dma_wait3A_299 : memref<1x1x32x256xf32, #tpu.memory_space<hbm>> -> memref<32x256xf32, #tpu.memory_space<hbm>>
    %dma_wait3A_301 = arith.constant 0 : i32
    %dma_wait3A_302 = tpu.memref_slice %arg4[%dma_wait3A_293, %select_n3A, %multiple_of3A_35, %dma_wait3A_301] : memref<12x4x256x256xf32, #tpu.memory_space<hbm>> -> memref<1x1x32x256xf32, #tpu.memory_space<hbm>>
    %dma_wait3A_303 = tpu.memref_squeeze %dma_wait3A_302 : memref<1x1x32x256xf32, #tpu.memory_space<hbm>> -> memref<32x256xf32, #tpu.memory_space<hbm>>
    %dma_wait3A_304 = arith.constant 0 : i32
    %dma_wait3A_305 = arith.constant 0 : i32
    %dma_wait3A_306 = tpu.memref_slice %arg7[%dma_wait3A_292, %dma_wait3A_304, %dma_wait3A_305] : memref<12x32x256xf32, #tpu.memory_space<vmem>> -> memref<1x32x256xf32, #tpu.memory_space<vmem>>
    %dma_wait3A_307 = tpu.memref_squeeze %dma_wait3A_306 : memref<1x32x256xf32, #tpu.memory_space<vmem>> -> memref<32x256xf32, #tpu.memory_space<vmem>>
    tpu.wait_dma2 semaphore(%arg8 : memref<!tpu.dma_semaphore, #tpu.memory_space<semaphore_mem>>) src(%dma_wait3A_307 : memref<32x256xf32, #tpu.memory_space<vmem>>) dst(%dma_wait3A_303 : memref<32x256xf32, #tpu.memory_space<hbm>>)
    %dma_wait3A_308 = arith.constant 5 : i32
    %dma_wait3A_309 = arith.constant 5 : i32
    %dma_wait3A_310 = arith.constant 0 : i32
    %dma_wait3A_311 = arith.constant 0 : i32
    %dma_wait3A_312 = tpu.memref_slice %arg7[%dma_wait3A_308, %dma_wait3A_310, %dma_wait3A_311] : memref<12x32x256xf32, #tpu.memory_space<vmem>> -> memref<1x32x256xf32, #tpu.memory_space<vmem>>
    %dma_wait3A_313 = tpu.memref_squeeze %dma_wait3A_312 : memref<1x32x256xf32, #tpu.memory_space<vmem>> -> memref<32x256xf32, #tpu.memory_space<vmem>>
    %dma_wait3A_314 = arith.constant 0 : i32
    %dma_wait3A_315 = tpu.memref_slice %arg4[%dma_wait3A_309, %select_n3A, %multiple_of3A_35, %dma_wait3A_314] : memref<12x4x256x256xf32, #tpu.memory_space<hbm>> -> memref<1x1x32x256xf32, #tpu.memory_space<hbm>>
    %dma_wait3A_316 = tpu.memref_squeeze %dma_wait3A_315 : memref<1x1x32x256xf32, #tpu.memory_space<hbm>> -> memref<32x256xf32, #tpu.memory_space<hbm>>
    %dma_wait3A_317 = arith.constant 0 : i32
    %dma_wait3A_318 = tpu.memref_slice %arg4[%dma_wait3A_309, %select_n3A, %multiple_of3A_35, %dma_wait3A_317] : memref<12x4x256x256xf32, #tpu.memory_space<hbm>> -> memref<1x1x32x256xf32, #tpu.memory_space<hbm>>
    %dma_wait3A_319 = tpu.memref_squeeze %dma_wait3A_318 : memref<1x1x32x256xf32, #tpu.memory_space<hbm>> -> memref<32x256xf32, #tpu.memory_space<hbm>>
    %dma_wait3A_320 = arith.constant 0 : i32
    %dma_wait3A_321 = arith.constant 0 : i32
    %dma_wait3A_322 = tpu.memref_slice %arg7[%dma_wait3A_308, %dma_wait3A_320, %dma_wait3A_321] : memref<12x32x256xf32, #tpu.memory_space<vmem>> -> memref<1x32x256xf32, #tpu.memory_space<vmem>>
    %dma_wait3A_323 = tpu.memref_squeeze %dma_wait3A_322 : memref<1x32x256xf32, #tpu.memory_space<vmem>> -> memref<32x256xf32, #tpu.memory_space<vmem>>
    tpu.wait_dma2 semaphore(%arg8 : memref<!tpu.dma_semaphore, #tpu.memory_space<semaphore_mem>>) src(%dma_wait3A_323 : memref<32x256xf32, #tpu.memory_space<vmem>>) dst(%dma_wait3A_319 : memref<32x256xf32, #tpu.memory_space<hbm>>)
    %dma_wait3A_324 = arith.constant 6 : i32
    %dma_wait3A_325 = arith.constant 6 : i32
    %dma_wait3A_326 = arith.constant 0 : i32
    %dma_wait3A_327 = arith.constant 0 : i32
    %dma_wait3A_328 = tpu.memref_slice %arg7[%dma_wait3A_324, %dma_wait3A_326, %dma_wait3A_327] : memref<12x32x256xf32, #tpu.memory_space<vmem>> -> memref<1x32x256xf32, #tpu.memory_space<vmem>>
    %dma_wait3A_329 = tpu.memref_squeeze %dma_wait3A_328 : memref<1x32x256xf32, #tpu.memory_space<vmem>> -> memref<32x256xf32, #tpu.memory_space<vmem>>
    %dma_wait3A_330 = arith.constant 0 : i32
    %dma_wait3A_331 = tpu.memref_slice %arg4[%dma_wait3A_325, %select_n3A, %multiple_of3A_35, %dma_wait3A_330] : memref<12x4x256x256xf32, #tpu.memory_space<hbm>> -> memref<1x1x32x256xf32, #tpu.memory_space<hbm>>
    %dma_wait3A_332 = tpu.memref_squeeze %dma_wait3A_331 : memref<1x1x32x256xf32, #tpu.memory_space<hbm>> -> memref<32x256xf32, #tpu.memory_space<hbm>>
    %dma_wait3A_333 = arith.constant 0 : i32
    %dma_wait3A_334 = tpu.memref_slice %arg4[%dma_wait3A_325, %select_n3A, %multiple_of3A_35, %dma_wait3A_333] : memref<12x4x256x256xf32, #tpu.memory_space<hbm>> -> memref<1x1x32x256xf32, #tpu.memory_space<hbm>>
    %dma_wait3A_335 = tpu.memref_squeeze %dma_wait3A_334 : memref<1x1x32x256xf32, #tpu.memory_space<hbm>> -> memref<32x256xf32, #tpu.memory_space<hbm>>
    %dma_wait3A_336 = arith.constant 0 : i32
    %dma_wait3A_337 = arith.constant 0 : i32
    %dma_wait3A_338 = tpu.memref_slice %arg7[%dma_wait3A_324, %dma_wait3A_336, %dma_wait3A_337] : memref<12x32x256xf32, #tpu.memory_space<vmem>> -> memref<1x32x256xf32, #tpu.memory_space<vmem>>
    %dma_wait3A_339 = tpu.memref_squeeze %dma_wait3A_338 : memref<1x32x256xf32, #tpu.memory_space<vmem>> -> memref<32x256xf32, #tpu.memory_space<vmem>>
    tpu.wait_dma2 semaphore(%arg8 : memref<!tpu.dma_semaphore, #tpu.memory_space<semaphore_mem>>) src(%dma_wait3A_339 : memref<32x256xf32, #tpu.memory_space<vmem>>) dst(%dma_wait3A_335 : memref<32x256xf32, #tpu.memory_space<hbm>>)
    %dma_wait3A_340 = arith.constant 7 : i32
    %dma_wait3A_341 = arith.constant 7 : i32
    %dma_wait3A_342 = arith.constant 0 : i32
    %dma_wait3A_343 = arith.constant 0 : i32
    %dma_wait3A_344 = tpu.memref_slice %arg7[%dma_wait3A_340, %dma_wait3A_342, %dma_wait3A_343] : memref<12x32x256xf32, #tpu.memory_space<vmem>> -> memref<1x32x256xf32, #tpu.memory_space<vmem>>
    %dma_wait3A_345 = tpu.memref_squeeze %dma_wait3A_344 : memref<1x32x256xf32, #tpu.memory_space<vmem>> -> memref<32x256xf32, #tpu.memory_space<vmem>>
    %dma_wait3A_346 = arith.constant 0 : i32
    %dma_wait3A_347 = tpu.memref_slice %arg4[%dma_wait3A_341, %select_n3A, %multiple_of3A_35, %dma_wait3A_346] : memref<12x4x256x256xf32, #tpu.memory_space<hbm>> -> memref<1x1x32x256xf32, #tpu.memory_space<hbm>>
    %dma_wait3A_348 = tpu.memref_squeeze %dma_wait3A_347 : memref<1x1x32x256xf32, #tpu.memory_space<hbm>> -> memref<32x256xf32, #tpu.memory_space<hbm>>
    %dma_wait3A_349 = arith.constant 0 : i32
    %dma_wait3A_350 = tpu.memref_slice %arg4[%dma_wait3A_341, %select_n3A, %multiple_of3A_35, %dma_wait3A_349] : memref<12x4x256x256xf32, #tpu.memory_space<hbm>> -> memref<1x1x32x256xf32, #tpu.memory_space<hbm>>
    %dma_wait3A_351 = tpu.memref_squeeze %dma_wait3A_350 : memref<1x1x32x256xf32, #tpu.memory_space<hbm>> -> memref<32x256xf32, #tpu.memory_space<hbm>>
    %dma_wait3A_352 = arith.constant 0 : i32
    %dma_wait3A_353 = arith.constant 0 : i32
    %dma_wait3A_354 = tpu.memref_slice %arg7[%dma_wait3A_340, %dma_wait3A_352, %dma_wait3A_353] : memref<12x32x256xf32, #tpu.memory_space<vmem>> -> memref<1x32x256xf32, #tpu.memory_space<vmem>>
    %dma_wait3A_355 = tpu.memref_squeeze %dma_wait3A_354 : memref<1x32x256xf32, #tpu.memory_space<vmem>> -> memref<32x256xf32, #tpu.memory_space<vmem>>
    tpu.wait_dma2 semaphore(%arg8 : memref<!tpu.dma_semaphore, #tpu.memory_space<semaphore_mem>>) src(%dma_wait3A_355 : memref<32x256xf32, #tpu.memory_space<vmem>>) dst(%dma_wait3A_351 : memref<32x256xf32, #tpu.memory_space<hbm>>)
    %dma_wait3A_356 = arith.constant 8 : i32
    %dma_wait3A_357 = arith.constant 8 : i32
    %dma_wait3A_358 = arith.constant 0 : i32
    %dma_wait3A_359 = arith.constant 0 : i32
    %dma_wait3A_360 = tpu.memref_slice %arg7[%dma_wait3A_356, %dma_wait3A_358, %dma_wait3A_359] : memref<12x32x256xf32, #tpu.memory_space<vmem>> -> memref<1x32x256xf32, #tpu.memory_space<vmem>>
    %dma_wait3A_361 = tpu.memref_squeeze %dma_wait3A_360 : memref<1x32x256xf32, #tpu.memory_space<vmem>> -> memref<32x256xf32, #tpu.memory_space<vmem>>
    %dma_wait3A_362 = arith.constant 0 : i32
    %dma_wait3A_363 = tpu.memref_slice %arg4[%dma_wait3A_357, %select_n3A, %multiple_of3A_35, %dma_wait3A_362] : memref<12x4x256x256xf32, #tpu.memory_space<hbm>> -> memref<1x1x32x256xf32, #tpu.memory_space<hbm>>
    %dma_wait3A_364 = tpu.memref_squeeze %dma_wait3A_363 : memref<1x1x32x256xf32, #tpu.memory_space<hbm>> -> memref<32x256xf32, #tpu.memory_space<hbm>>
    %dma_wait3A_365 = arith.constant 0 : i32
    %dma_wait3A_366 = tpu.memref_slice %arg4[%dma_wait3A_357, %select_n3A, %multiple_of3A_35, %dma_wait3A_365] : memref<12x4x256x256xf32, #tpu.memory_space<hbm>> -> memref<1x1x32x256xf32, #tpu.memory_space<hbm>>
    %dma_wait3A_367 = tpu.memref_squeeze %dma_wait3A_366 : memref<1x1x32x256xf32, #tpu.memory_space<hbm>> -> memref<32x256xf32, #tpu.memory_space<hbm>>
    %dma_wait3A_368 = arith.constant 0 : i32
    %dma_wait3A_369 = arith.constant 0 : i32
    %dma_wait3A_370 = tpu.memref_slice %arg7[%dma_wait3A_356, %dma_wait3A_368, %dma_wait3A_369] : memref<12x32x256xf32, #tpu.memory_space<vmem>> -> memref<1x32x256xf32, #tpu.memory_space<vmem>>
    %dma_wait3A_371 = tpu.memref_squeeze %dma_wait3A_370 : memref<1x32x256xf32, #tpu.memory_space<vmem>> -> memref<32x256xf32, #tpu.memory_space<vmem>>
    tpu.wait_dma2 semaphore(%arg8 : memref<!tpu.dma_semaphore, #tpu.memory_space<semaphore_mem>>) src(%dma_wait3A_371 : memref<32x256xf32, #tpu.memory_space<vmem>>) dst(%dma_wait3A_367 : memref<32x256xf32, #tpu.memory_space<hbm>>)
    %dma_wait3A_372 = arith.constant 9 : i32
    %dma_wait3A_373 = arith.constant 9 : i32
    %dma_wait3A_374 = arith.constant 0 : i32
    %dma_wait3A_375 = arith.constant 0 : i32
    %dma_wait3A_376 = tpu.memref_slice %arg7[%dma_wait3A_372, %dma_wait3A_374, %dma_wait3A_375] : memref<12x32x256xf32, #tpu.memory_space<vmem>> -> memref<1x32x256xf32, #tpu.memory_space<vmem>>
    %dma_wait3A_377 = tpu.memref_squeeze %dma_wait3A_376 : memref<1x32x256xf32, #tpu.memory_space<vmem>> -> memref<32x256xf32, #tpu.memory_space<vmem>>
    %dma_wait3A_378 = arith.constant 0 : i32
    %dma_wait3A_379 = tpu.memref_slice %arg4[%dma_wait3A_373, %select_n3A, %multiple_of3A_35, %dma_wait3A_378] : memref<12x4x256x256xf32, #tpu.memory_space<hbm>> -> memref<1x1x32x256xf32, #tpu.memory_space<hbm>>
    %dma_wait3A_380 = tpu.memref_squeeze %dma_wait3A_379 : memref<1x1x32x256xf32, #tpu.memory_space<hbm>> -> memref<32x256xf32, #tpu.memory_space<hbm>>
    %dma_wait3A_381 = arith.constant 0 : i32
    %dma_wait3A_382 = tpu.memref_slice %arg4[%dma_wait3A_373, %select_n3A, %multiple_of3A_35, %dma_wait3A_381] : memref<12x4x256x256xf32, #tpu.memory_space<hbm>> -> memref<1x1x32x256xf32, #tpu.memory_space<hbm>>
    %dma_wait3A_383 = tpu.memref_squeeze %dma_wait3A_382 : memref<1x1x32x256xf32, #tpu.memory_space<hbm>> -> memref<32x256xf32, #tpu.memory_space<hbm>>
    %dma_wait3A_384 = arith.constant 0 : i32
    %dma_wait3A_385 = arith.constant 0 : i32
    %dma_wait3A_386 = tpu.memref_slice %arg7[%dma_wait3A_372, %dma_wait3A_384, %dma_wait3A_385] : memref<12x32x256xf32, #tpu.memory_space<vmem>> -> memref<1x32x256xf32, #tpu.memory_space<vmem>>
    %dma_wait3A_387 = tpu.memref_squeeze %dma_wait3A_386 : memref<1x32x256xf32, #tpu.memory_space<vmem>> -> memref<32x256xf32, #tpu.memory_space<vmem>>
    tpu.wait_dma2 semaphore(%arg8 : memref<!tpu.dma_semaphore, #tpu.memory_space<semaphore_mem>>) src(%dma_wait3A_387 : memref<32x256xf32, #tpu.memory_space<vmem>>) dst(%dma_wait3A_383 : memref<32x256xf32, #tpu.memory_space<hbm>>)
    %dma_wait3A_388 = arith.constant 10 : i32
    %dma_wait3A_389 = arith.constant 10 : i32
    %dma_wait3A_390 = arith.constant 0 : i32
    %dma_wait3A_391 = arith.constant 0 : i32
    %dma_wait3A_392 = tpu.memref_slice %arg7[%dma_wait3A_388, %dma_wait3A_390, %dma_wait3A_391] : memref<12x32x256xf32, #tpu.memory_space<vmem>> -> memref<1x32x256xf32, #tpu.memory_space<vmem>>
    %dma_wait3A_393 = tpu.memref_squeeze %dma_wait3A_392 : memref<1x32x256xf32, #tpu.memory_space<vmem>> -> memref<32x256xf32, #tpu.memory_space<vmem>>
    %dma_wait3A_394 = arith.constant 0 : i32
    %dma_wait3A_395 = tpu.memref_slice %arg4[%dma_wait3A_389, %select_n3A, %multiple_of3A_35, %dma_wait3A_394] : memref<12x4x256x256xf32, #tpu.memory_space<hbm>> -> memref<1x1x32x256xf32, #tpu.memory_space<hbm>>
    %dma_wait3A_396 = tpu.memref_squeeze %dma_wait3A_395 : memref<1x1x32x256xf32, #tpu.memory_space<hbm>> -> memref<32x256xf32, #tpu.memory_space<hbm>>
    %dma_wait3A_397 = arith.constant 0 : i32
    %dma_wait3A_398 = tpu.memref_slice %arg4[%dma_wait3A_389, %select_n3A, %multiple_of3A_35, %dma_wait3A_397] : memref<12x4x256x256xf32, #tpu.memory_space<hbm>> -> memref<1x1x32x256xf32, #tpu.memory_space<hbm>>
    %dma_wait3A_399 = tpu.memref_squeeze %dma_wait3A_398 : memref<1x1x32x256xf32, #tpu.memory_space<hbm>> -> memref<32x256xf32, #tpu.memory_space<hbm>>
    %dma_wait3A_400 = arith.constant 0 : i32
    %dma_wait3A_401 = arith.constant 0 : i32
    %dma_wait3A_402 = tpu.memref_slice %arg7[%dma_wait3A_388, %dma_wait3A_400, %dma_wait3A_401] : memref<12x32x256xf32, #tpu.memory_space<vmem>> -> memref<1x32x256xf32, #tpu.memory_space<vmem>>
    %dma_wait3A_403 = tpu.memref_squeeze %dma_wait3A_402 : memref<1x32x256xf32, #tpu.memory_space<vmem>> -> memref<32x256xf32, #tpu.memory_space<vmem>>
    tpu.wait_dma2 semaphore(%arg8 : memref<!tpu.dma_semaphore, #tpu.memory_space<semaphore_mem>>) src(%dma_wait3A_403 : memref<32x256xf32, #tpu.memory_space<vmem>>) dst(%dma_wait3A_399 : memref<32x256xf32, #tpu.memory_space<hbm>>)
    %dma_wait3A_404 = arith.constant 11 : i32
    %dma_wait3A_405 = arith.constant 11 : i32
    %dma_wait3A_406 = arith.constant 0 : i32
    %dma_wait3A_407 = arith.constant 0 : i32
    %dma_wait3A_408 = tpu.memref_slice %arg7[%dma_wait3A_404, %dma_wait3A_406, %dma_wait3A_407] : memref<12x32x256xf32, #tpu.memory_space<vmem>> -> memref<1x32x256xf32, #tpu.memory_space<vmem>>
    %dma_wait3A_409 = tpu.memref_squeeze %dma_wait3A_408 : memref<1x32x256xf32, #tpu.memory_space<vmem>> -> memref<32x256xf32, #tpu.memory_space<vmem>>
    %dma_wait3A_410 = arith.constant 0 : i32
    %dma_wait3A_411 = tpu.memref_slice %arg4[%dma_wait3A_405, %select_n3A, %multiple_of3A_35, %dma_wait3A_410] : memref<12x4x256x256xf32, #tpu.memory_space<hbm>> -> memref<1x1x32x256xf32, #tpu.memory_space<hbm>>
    %dma_wait3A_412 = tpu.memref_squeeze %dma_wait3A_411 : memref<1x1x32x256xf32, #tpu.memory_space<hbm>> -> memref<32x256xf32, #tpu.memory_space<hbm>>
    %dma_wait3A_413 = arith.constant 0 : i32
    %dma_wait3A_414 = tpu.memref_slice %arg4[%dma_wait3A_405, %select_n3A, %multiple_of3A_35, %dma_wait3A_413] : memref<12x4x256x256xf32, #tpu.memory_space<hbm>> -> memref<1x1x32x256xf32, #tpu.memory_space<hbm>>
    %dma_wait3A_415 = tpu.memref_squeeze %dma_wait3A_414 : memref<1x1x32x256xf32, #tpu.memory_space<hbm>> -> memref<32x256xf32, #tpu.memory_space<hbm>>
    %dma_wait3A_416 = arith.constant 0 : i32
    %dma_wait3A_417 = arith.constant 0 : i32
    %dma_wait3A_418 = tpu.memref_slice %arg7[%dma_wait3A_404, %dma_wait3A_416, %dma_wait3A_417] : memref<12x32x256xf32, #tpu.memory_space<vmem>> -> memref<1x32x256xf32, #tpu.memory_space<vmem>>
    %dma_wait3A_419 = tpu.memref_squeeze %dma_wait3A_418 : memref<1x32x256xf32, #tpu.memory_space<vmem>> -> memref<32x256xf32, #tpu.memory_space<vmem>>
    tpu.wait_dma2 semaphore(%arg8 : memref<!tpu.dma_semaphore, #tpu.memory_space<semaphore_mem>>) src(%dma_wait3A_419 : memref<32x256xf32, #tpu.memory_space<vmem>>) dst(%dma_wait3A_415 : memref<32x256xf32, #tpu.memory_space<hbm>>)
    return
  }
}

module attributes {stable_mosaic.version = 14 : i64} {
  func.func @_tc_add_body(%arg0: i32, %arg1: i32, %arg2: memref<1x1x1024x2048xf32, #tpu.memory_space<vmem>>, %arg3: memref<1x4x256x256xf32, #tpu.memory_space<vmem>>, %arg4: memref<1x1x1024x2048xf32, #tpu.memory_space<vmem>>) attributes {dimension_semantics = [#tpu.dimension_semantics<arbitrary>, #tpu.dimension_semantics<arbitrary>], iteration_bounds = array<i64: 12, 2>, scalar_prefetch = 0 : i64, scratch_operands = 0 : i64, tpu.core_type = #tpu.core_type<tc>, window_params = [{transform_indices = @transform_0, window_bounds = array<i64: 1, 1, 1024, 2048>}, {transform_indices = @transform_1, window_bounds = array<i64: 1, 4, 256, 256>}, {transform_indices = @transform_2, window_bounds = array<i64: 1, 1, 1024, 2048>}]} {
    %mul3A = arith.constant 4 : i32
    %mul3A_0 = arith.muli %arg1, %mul3A : i32
    %add3A = arith.constant 0 : i32
    %add3A_1 = arith.addi %mul3A_0, %add3A : i32
    %sub3A = arith.constant 0 : i32
    %sub3A_2 = arith.subi %add3A_1, %sub3A : i32
    %eq3A = arith.constant 0 : i32
    %eq3A_3 = arith.cmpi eq, %sub3A_2, %eq3A : i32
    %eq3A_4 = arith.constant 1 : i32
    %eq3A_5 = arith.cmpi eq, %sub3A_2, %eq3A_4 : i32
    %lt3A = arith.constant 0 : i32
    %lt3A_6 = arith.cmpi slt, %sub3A_2, %lt3A : i32
    %jit3A = arith.constant 2 : i32
    %jit3A_7 = arith.constant 3 : i32
    %select_n3A = arith.select %lt3A_6, %jit3A, %jit3A_7 : i32
    %jit3A_8 = arith.constant 1 : i32
    %select_n3A_9 = arith.select %eq3A_5, %jit3A_8, %select_n3A : i32
    %jit3A_10 = arith.constant 0 : i32
    %select_n3A_11 = arith.select %eq3A_3, %jit3A_10, %select_n3A_9 : i32
    %get3A = arith.constant 0 : index
    %get3A_12 = arith.constant 0 : index
    %get3A_13 = arith.constant 0 : index
    %get3A_14 = arith.constant 0 : index
    %get3A_15 = vector.load %arg2[%get3A, %get3A_12, %get3A_13, %get3A_14] : memref<1x1x1024x2048xf32, #tpu.memory_space<vmem>>, vector<1x1x256x256xf32>
    %get3A_16 = vector.shape_cast %get3A_15 : vector<1x1x256x256xf32> to vector<256x256xf32>
    %get3A_17 = arith.constant 0 : index
    %get3A_18 = arith.index_cast %select_n3A_11 : i32 to index
    %get3A_19 = arith.constant 0 : index
    %get3A_20 = arith.constant 0 : index
    %get3A_21 = vector.load %arg3[%get3A_17, %get3A_18, %get3A_19, %get3A_20] : memref<1x4x256x256xf32, #tpu.memory_space<vmem>>, vector<1x1x256x256xf32>
    %get3A_22 = vector.shape_cast %get3A_21 : vector<1x1x256x256xf32> to vector<256x256xf32>
    %add3A_23 = arith.addf %get3A_16, %get3A_22 : vector<256x256xf32>
    %swap3A = arith.constant 0 : index
    %swap3A_24 = arith.constant 0 : index
    %swap3A_25 = arith.constant 0 : index
    %swap3A_26 = arith.constant 0 : index
    %swap3A_27 = vector.load %arg4[%swap3A, %swap3A_24, %swap3A_25, %swap3A_26] : memref<1x1x1024x2048xf32, #tpu.memory_space<vmem>>, vector<1x1x256x256xf32>
    %swap3A_28 = vector.shape_cast %swap3A_27 : vector<1x1x256x256xf32> to vector<256x256xf32>
    %swap3A_29 = vector.shape_cast %add3A_23 : vector<256x256xf32> to vector<1x1x256x256xf32>
    tpu.vector_store %arg4[%swap3A, %swap3A_24, %swap3A_25, %swap3A_26], %swap3A_29 {strides = array<i32>} : memref<1x1x1024x2048xf32, #tpu.memory_space<vmem>>, vector<1x1x256x256xf32>,
    %sub3A_30 = arith.constant 1 : i32
    %sub3A_31 = arith.subi %add3A_1, %sub3A_30 : i32
    %eq3A_32 = arith.constant 0 : i32
    %eq3A_33 = arith.cmpi eq, %sub3A_31, %eq3A_32 : i32
    %eq3A_34 = arith.constant 1 : i32
    %eq3A_35 = arith.cmpi eq, %sub3A_31, %eq3A_34 : i32
    %lt3A_36 = arith.constant 0 : i32
    %lt3A_37 = arith.cmpi slt, %sub3A_31, %lt3A_36 : i32
    %jit3A_38 = arith.constant 2 : i32
    %jit3A_39 = arith.constant 3 : i32
    %select_n3A_40 = arith.select %lt3A_37, %jit3A_38, %jit3A_39 : i32
    %jit3A_41 = arith.constant 1 : i32
    %select_n3A_42 = arith.select %eq3A_35, %jit3A_41, %select_n3A_40 : i32
    %jit3A_43 = arith.constant 0 : i32
    %select_n3A_44 = arith.select %eq3A_33, %jit3A_43, %select_n3A_42 : i32
    %get3A_45 = arith.constant 0 : index
    %get3A_46 = arith.constant 0 : index
    %get3A_47 = arith.constant 0 : index
    %get3A_48 = arith.constant 256 : index
    %get3A_49 = vector.load %arg2[%get3A_45, %get3A_46, %get3A_47, %get3A_48] : memref<1x1x1024x2048xf32, #tpu.memory_space<vmem>>, vector<1x1x256x256xf32>
    %get3A_50 = vector.shape_cast %get3A_49 : vector<1x1x256x256xf32> to vector<256x256xf32>
    %get3A_51 = arith.constant 0 : index
    %get3A_52 = arith.index_cast %select_n3A_44 : i32 to index
    %get3A_53 = arith.constant 0 : index
    %get3A_54 = arith.constant 0 : index
    %get3A_55 = vector.load %arg3[%get3A_51, %get3A_52, %get3A_53, %get3A_54] : memref<1x4x256x256xf32, #tpu.memory_space<vmem>>, vector<1x1x256x256xf32>
    %get3A_56 = vector.shape_cast %get3A_55 : vector<1x1x256x256xf32> to vector<256x256xf32>
    %add3A_57 = arith.addf %get3A_50, %get3A_56 : vector<256x256xf32>
    %swap3A_58 = arith.constant 0 : index
    %swap3A_59 = arith.constant 0 : index
    %swap3A_60 = arith.constant 0 : index
    %swap3A_61 = arith.constant 256 : index
    %swap3A_62 = vector.load %arg4[%swap3A_58, %swap3A_59, %swap3A_60, %swap3A_61] : memref<1x1x1024x2048xf32, #tpu.memory_space<vmem>>, vector<1x1x256x256xf32>
    %swap3A_63 = vector.shape_cast %swap3A_62 : vector<1x1x256x256xf32> to vector<256x256xf32>
    %swap3A_64 = vector.shape_cast %add3A_57 : vector<256x256xf32> to vector<1x1x256x256xf32>
    tpu.vector_store %arg4[%swap3A_58, %swap3A_59, %swap3A_60, %swap3A_61], %swap3A_64 {strides = array<i32>} : memref<1x1x1024x2048xf32, #tpu.memory_space<vmem>>, vector<1x1x256x256xf32>,
    %sub3A_65 = arith.constant 2 : i32
    %sub3A_66 = arith.subi %add3A_1, %sub3A_65 : i32
    %eq3A_67 = arith.constant 0 : i32
    %eq3A_68 = arith.cmpi eq, %sub3A_66, %eq3A_67 : i32
    %eq3A_69 = arith.constant 1 : i32
    %eq3A_70 = arith.cmpi eq, %sub3A_66, %eq3A_69 : i32
    %lt3A_71 = arith.constant 0 : i32
    %lt3A_72 = arith.cmpi slt, %sub3A_66, %lt3A_71 : i32
    %jit3A_73 = arith.constant 2 : i32
    %jit3A_74 = arith.constant 3 : i32
    %select_n3A_75 = arith.select %lt3A_72, %jit3A_73, %jit3A_74 : i32
    %jit3A_76 = arith.constant 1 : i32
    %select_n3A_77 = arith.select %eq3A_70, %jit3A_76, %select_n3A_75 : i32
    %jit3A_78 = arith.constant 0 : i32
    %select_n3A_79 = arith.select %eq3A_68, %jit3A_78, %select_n3A_77 : i32
    %get3A_80 = arith.constant 0 : index
    %get3A_81 = arith.constant 0 : index
    %get3A_82 = arith.constant 0 : index
    %get3A_83 = arith.constant 512 : index
    %get3A_84 = vector.load %arg2[%get3A_80, %get3A_81, %get3A_82, %get3A_83] : memref<1x1x1024x2048xf32, #tpu.memory_space<vmem>>, vector<1x1x256x256xf32>
    %get3A_85 = vector.shape_cast %get3A_84 : vector<1x1x256x256xf32> to vector<256x256xf32>
    %get3A_86 = arith.constant 0 : index
    %get3A_87 = arith.index_cast %select_n3A_79 : i32 to index
    %get3A_88 = arith.constant 0 : index
    %get3A_89 = arith.constant 0 : index
    %get3A_90 = vector.load %arg3[%get3A_86, %get3A_87, %get3A_88, %get3A_89] : memref<1x4x256x256xf32, #tpu.memory_space<vmem>>, vector<1x1x256x256xf32>
    %get3A_91 = vector.shape_cast %get3A_90 : vector<1x1x256x256xf32> to vector<256x256xf32>
    %add3A_92 = arith.addf %get3A_85, %get3A_91 : vector<256x256xf32>
    %swap3A_93 = arith.constant 0 : index
    %swap3A_94 = arith.constant 0 : index
    %swap3A_95 = arith.constant 0 : index
    %swap3A_96 = arith.constant 512 : index
    %swap3A_97 = vector.load %arg4[%swap3A_93, %swap3A_94, %swap3A_95, %swap3A_96] : memref<1x1x1024x2048xf32, #tpu.memory_space<vmem>>, vector<1x1x256x256xf32>
    %swap3A_98 = vector.shape_cast %swap3A_97 : vector<1x1x256x256xf32> to vector<256x256xf32>
    %swap3A_99 = vector.shape_cast %add3A_92 : vector<256x256xf32> to vector<1x1x256x256xf32>
    tpu.vector_store %arg4[%swap3A_93, %swap3A_94, %swap3A_95, %swap3A_96], %swap3A_99 {strides = array<i32>} : memref<1x1x1024x2048xf32, #tpu.memory_space<vmem>>, vector<1x1x256x256xf32>,
    %sub3A_100 = arith.constant 3 : i32
    %sub3A_101 = arith.subi %add3A_1, %sub3A_100 : i32
    %eq3A_102 = arith.constant 0 : i32
    %eq3A_103 = arith.cmpi eq, %sub3A_101, %eq3A_102 : i32
    %eq3A_104 = arith.constant 1 : i32
    %eq3A_105 = arith.cmpi eq, %sub3A_101, %eq3A_104 : i32
    %lt3A_106 = arith.constant 0 : i32
    %lt3A_107 = arith.cmpi slt, %sub3A_101, %lt3A_106 : i32
    %jit3A_108 = arith.constant 2 : i32
    %jit3A_109 = arith.constant 3 : i32
    %select_n3A_110 = arith.select %lt3A_107, %jit3A_108, %jit3A_109 : i32
    %jit3A_111 = arith.constant 1 : i32
    %select_n3A_112 = arith.select %eq3A_105, %jit3A_111, %select_n3A_110 : i32
    %jit3A_113 = arith.constant 0 : i32
    %select_n3A_114 = arith.select %eq3A_103, %jit3A_113, %select_n3A_112 : i32
    %get3A_115 = arith.constant 0 : index
    %get3A_116 = arith.constant 0 : index
    %get3A_117 = arith.constant 0 : index
    %get3A_118 = arith.constant 768 : index
    %get3A_119 = vector.load %arg2[%get3A_115, %get3A_116, %get3A_117, %get3A_118] : memref<1x1x1024x2048xf32, #tpu.memory_space<vmem>>, vector<1x1x256x256xf32>
    %get3A_120 = vector.shape_cast %get3A_119 : vector<1x1x256x256xf32> to vector<256x256xf32>
    %get3A_121 = arith.constant 0 : index
    %get3A_122 = arith.index_cast %select_n3A_114 : i32 to index
    %get3A_123 = arith.constant 0 : index
    %get3A_124 = arith.constant 0 : index
    %get3A_125 = vector.load %arg3[%get3A_121, %get3A_122, %get3A_123, %get3A_124] : memref<1x4x256x256xf32, #tpu.memory_space<vmem>>, vector<1x1x256x256xf32>
    %get3A_126 = vector.shape_cast %get3A_125 : vector<1x1x256x256xf32> to vector<256x256xf32>
    %add3A_127 = arith.addf %get3A_120, %get3A_126 : vector<256x256xf32>
    %swap3A_128 = arith.constant 0 : index
    %swap3A_129 = arith.constant 0 : index
    %swap3A_130 = arith.constant 0 : index
    %swap3A_131 = arith.constant 768 : index
    %swap3A_132 = vector.load %arg4[%swap3A_128, %swap3A_129, %swap3A_130, %swap3A_131] : memref<1x1x1024x2048xf32, #tpu.memory_space<vmem>>, vector<1x1x256x256xf32>
    %swap3A_133 = vector.shape_cast %swap3A_132 : vector<1x1x256x256xf32> to vector<256x256xf32>
    %swap3A_134 = vector.shape_cast %add3A_127 : vector<256x256xf32> to vector<1x1x256x256xf32>
    tpu.vector_store %arg4[%swap3A_128, %swap3A_129, %swap3A_130, %swap3A_131], %swap3A_134 {strides = array<i32>} : memref<1x1x1024x2048xf32, #tpu.memory_space<vmem>>, vector<1x1x256x256xf32>,
    %sub3A_135 = arith.constant 4 : i32
    %sub3A_136 = arith.subi %add3A_1, %sub3A_135 : i32
    %eq3A_137 = arith.constant 0 : i32
    %eq3A_138 = arith.cmpi eq, %sub3A_136, %eq3A_137 : i32
    %eq3A_139 = arith.constant 1 : i32
    %eq3A_140 = arith.cmpi eq, %sub3A_136, %eq3A_139 : i32
    %lt3A_141 = arith.constant 0 : i32
    %lt3A_142 = arith.cmpi slt, %sub3A_136, %lt3A_141 : i32
    %jit3A_143 = arith.constant 2 : i32
    %jit3A_144 = arith.constant 3 : i32
    %select_n3A_145 = arith.select %lt3A_142, %jit3A_143, %jit3A_144 : i32
    %jit3A_146 = arith.constant 1 : i32
    %select_n3A_147 = arith.select %eq3A_140, %jit3A_146, %select_n3A_145 : i32
    %jit3A_148 = arith.constant 0 : i32
    %select_n3A_149 = arith.select %eq3A_138, %jit3A_148, %select_n3A_147 : i32
    %get3A_150 = arith.constant 0 : index
    %get3A_151 = arith.constant 0 : index
    %get3A_152 = arith.constant 0 : index
    %get3A_153 = arith.constant 1024 : index
    %get3A_154 = vector.load %arg2[%get3A_150, %get3A_151, %get3A_152, %get3A_153] : memref<1x1x1024x2048xf32, #tpu.memory_space<vmem>>, vector<1x1x256x256xf32>
    %get3A_155 = vector.shape_cast %get3A_154 : vector<1x1x256x256xf32> to vector<256x256xf32>
    %get3A_156 = arith.constant 0 : index
    %get3A_157 = arith.index_cast %select_n3A_149 : i32 to index
    %get3A_158 = arith.constant 0 : index
    %get3A_159 = arith.constant 0 : index
    %get3A_160 = vector.load %arg3[%get3A_156, %get3A_157, %get3A_158, %get3A_159] : memref<1x4x256x256xf32, #tpu.memory_space<vmem>>, vector<1x1x256x256xf32>
    %get3A_161 = vector.shape_cast %get3A_160 : vector<1x1x256x256xf32> to vector<256x256xf32>
    %add3A_162 = arith.addf %get3A_155, %get3A_161 : vector<256x256xf32>
    %swap3A_163 = arith.constant 0 : index
    %swap3A_164 = arith.constant 0 : index
    %swap3A_165 = arith.constant 0 : index
    %swap3A_166 = arith.constant 1024 : index
    %swap3A_167 = vector.load %arg4[%swap3A_163, %swap3A_164, %swap3A_165, %swap3A_166] : memref<1x1x1024x2048xf32, #tpu.memory_space<vmem>>, vector<1x1x256x256xf32>
    %swap3A_168 = vector.shape_cast %swap3A_167 : vector<1x1x256x256xf32> to vector<256x256xf32>
    %swap3A_169 = vector.shape_cast %add3A_162 : vector<256x256xf32> to vector<1x1x256x256xf32>
    tpu.vector_store %arg4[%swap3A_163, %swap3A_164, %swap3A_165, %swap3A_166], %swap3A_169 {strides = array<i32>} : memref<1x1x1024x2048xf32, #tpu.memory_space<vmem>>, vector<1x1x256x256xf32>,
    %sub3A_170 = arith.constant 5 : i32
    %sub3A_171 = arith.subi %add3A_1, %sub3A_170 : i32
    %eq3A_172 = arith.constant 0 : i32
    %eq3A_173 = arith.cmpi eq, %sub3A_171, %eq3A_172 : i32
    %eq3A_174 = arith.constant 1 : i32
    %eq3A_175 = arith.cmpi eq, %sub3A_171, %eq3A_174 : i32
    %lt3A_176 = arith.constant 0 : i32
    %lt3A_177 = arith.cmpi slt, %sub3A_171, %lt3A_176 : i32
    %jit3A_178 = arith.constant 2 : i32
    %jit3A_179 = arith.constant 3 : i32
    %select_n3A_180 = arith.select %lt3A_177, %jit3A_178, %jit3A_179 : i32
    %jit3A_181 = arith.constant 1 : i32
    %select_n3A_182 = arith.select %eq3A_175, %jit3A_181, %select_n3A_180 : i32
    %jit3A_183 = arith.constant 0 : i32
    %select_n3A_184 = arith.select %eq3A_173, %jit3A_183, %select_n3A_182 : i32
    %get3A_185 = arith.constant 0 : index
    %get3A_186 = arith.constant 0 : index
    %get3A_187 = arith.constant 0 : index
    %get3A_188 = arith.constant 1280 : index
    %get3A_189 = vector.load %arg2[%get3A_185, %get3A_186, %get3A_187, %get3A_188] : memref<1x1x1024x2048xf32, #tpu.memory_space<vmem>>, vector<1x1x256x256xf32>
    %get3A_190 = vector.shape_cast %get3A_189 : vector<1x1x256x256xf32> to vector<256x256xf32>
    %get3A_191 = arith.constant 0 : index
    %get3A_192 = arith.index_cast %select_n3A_184 : i32 to index
    %get3A_193 = arith.constant 0 : index
    %get3A_194 = arith.constant 0 : index
    %get3A_195 = vector.load %arg3[%get3A_191, %get3A_192, %get3A_193, %get3A_194] : memref<1x4x256x256xf32, #tpu.memory_space<vmem>>, vector<1x1x256x256xf32>
    %get3A_196 = vector.shape_cast %get3A_195 : vector<1x1x256x256xf32> to vector<256x256xf32>
    %add3A_197 = arith.addf %get3A_190, %get3A_196 : vector<256x256xf32>
    %swap3A_198 = arith.constant 0 : index
    %swap3A_199 = arith.constant 0 : index
    %swap3A_200 = arith.constant 0 : index
    %swap3A_201 = arith.constant 1280 : index
    %swap3A_202 = vector.load %arg4[%swap3A_198, %swap3A_199, %swap3A_200, %swap3A_201] : memref<1x1x1024x2048xf32, #tpu.memory_space<vmem>>, vector<1x1x256x256xf32>
    %swap3A_203 = vector.shape_cast %swap3A_202 : vector<1x1x256x256xf32> to vector<256x256xf32>
    %swap3A_204 = vector.shape_cast %add3A_197 : vector<256x256xf32> to vector<1x1x256x256xf32>
    tpu.vector_store %arg4[%swap3A_198, %swap3A_199, %swap3A_200, %swap3A_201], %swap3A_204 {strides = array<i32>} : memref<1x1x1024x2048xf32, #tpu.memory_space<vmem>>, vector<1x1x256x256xf32>,
    %sub3A_205 = arith.constant 6 : i32
    %sub3A_206 = arith.subi %add3A_1, %sub3A_205 : i32
    %eq3A_207 = arith.constant 0 : i32
    %eq3A_208 = arith.cmpi eq, %sub3A_206, %eq3A_207 : i32
    %eq3A_209 = arith.constant 1 : i32
    %eq3A_210 = arith.cmpi eq, %sub3A_206, %eq3A_209 : i32
    %lt3A_211 = arith.constant 0 : i32
    %lt3A_212 = arith.cmpi slt, %sub3A_206, %lt3A_211 : i32
    %jit3A_213 = arith.constant 2 : i32
    %jit3A_214 = arith.constant 3 : i32
    %select_n3A_215 = arith.select %lt3A_212, %jit3A_213, %jit3A_214 : i32
    %jit3A_216 = arith.constant 1 : i32
    %select_n3A_217 = arith.select %eq3A_210, %jit3A_216, %select_n3A_215 : i32
    %jit3A_218 = arith.constant 0 : i32
    %select_n3A_219 = arith.select %eq3A_208, %jit3A_218, %select_n3A_217 : i32
    %get3A_220 = arith.constant 0 : index
    %get3A_221 = arith.constant 0 : index
    %get3A_222 = arith.constant 0 : index
    %get3A_223 = arith.constant 1536 : index
    %get3A_224 = vector.load %arg2[%get3A_220, %get3A_221, %get3A_222, %get3A_223] : memref<1x1x1024x2048xf32, #tpu.memory_space<vmem>>, vector<1x1x256x256xf32>
    %get3A_225 = vector.shape_cast %get3A_224 : vector<1x1x256x256xf32> to vector<256x256xf32>
    %get3A_226 = arith.constant 0 : index
    %get3A_227 = arith.index_cast %select_n3A_219 : i32 to index
    %get3A_228 = arith.constant 0 : index
    %get3A_229 = arith.constant 0 : index
    %get3A_230 = vector.load %arg3[%get3A_226, %get3A_227, %get3A_228, %get3A_229] : memref<1x4x256x256xf32, #tpu.memory_space<vmem>>, vector<1x1x256x256xf32>
    %get3A_231 = vector.shape_cast %get3A_230 : vector<1x1x256x256xf32> to vector<256x256xf32>
    %add3A_232 = arith.addf %get3A_225, %get3A_231 : vector<256x256xf32>
    %swap3A_233 = arith.constant 0 : index
    %swap3A_234 = arith.constant 0 : index
    %swap3A_235 = arith.constant 0 : index
    %swap3A_236 = arith.constant 1536 : index
    %swap3A_237 = vector.load %arg4[%swap3A_233, %swap3A_234, %swap3A_235, %swap3A_236] : memref<1x1x1024x2048xf32, #tpu.memory_space<vmem>>, vector<1x1x256x256xf32>
    %swap3A_238 = vector.shape_cast %swap3A_237 : vector<1x1x256x256xf32> to vector<256x256xf32>
    %swap3A_239 = vector.shape_cast %add3A_232 : vector<256x256xf32> to vector<1x1x256x256xf32>
    tpu.vector_store %arg4[%swap3A_233, %swap3A_234, %swap3A_235, %swap3A_236], %swap3A_239 {strides = array<i32>} : memref<1x1x1024x2048xf32, #tpu.memory_space<vmem>>, vector<1x1x256x256xf32>,
    %sub3A_240 = arith.constant 7 : i32
    %sub3A_241 = arith.subi %add3A_1, %sub3A_240 : i32
    %eq3A_242 = arith.constant 0 : i32
    %eq3A_243 = arith.cmpi eq, %sub3A_241, %eq3A_242 : i32
    %eq3A_244 = arith.constant 1 : i32
    %eq3A_245 = arith.cmpi eq, %sub3A_241, %eq3A_244 : i32
    %lt3A_246 = arith.constant 0 : i32
    %lt3A_247 = arith.cmpi slt, %sub3A_241, %lt3A_246 : i32
    %jit3A_248 = arith.constant 2 : i32
    %jit3A_249 = arith.constant 3 : i32
    %select_n3A_250 = arith.select %lt3A_247, %jit3A_248, %jit3A_249 : i32
    %jit3A_251 = arith.constant 1 : i32
    %select_n3A_252 = arith.select %eq3A_245, %jit3A_251, %select_n3A_250 : i32
    %jit3A_253 = arith.constant 0 : i32
    %select_n3A_254 = arith.select %eq3A_243, %jit3A_253, %select_n3A_252 : i32
    %get3A_255 = arith.constant 0 : index
    %get3A_256 = arith.constant 0 : index
    %get3A_257 = arith.constant 0 : index
    %get3A_258 = arith.constant 1792 : index
    %get3A_259 = vector.load %arg2[%get3A_255, %get3A_256, %get3A_257, %get3A_258] : memref<1x1x1024x2048xf32, #tpu.memory_space<vmem>>, vector<1x1x256x256xf32>
    %get3A_260 = vector.shape_cast %get3A_259 : vector<1x1x256x256xf32> to vector<256x256xf32>
    %get3A_261 = arith.constant 0 : index
    %get3A_262 = arith.index_cast %select_n3A_254 : i32 to index
    %get3A_263 = arith.constant 0 : index
    %get3A_264 = arith.constant 0 : index
    %get3A_265 = vector.load %arg3[%get3A_261, %get3A_262, %get3A_263, %get3A_264] : memref<1x4x256x256xf32, #tpu.memory_space<vmem>>, vector<1x1x256x256xf32>
    %get3A_266 = vector.shape_cast %get3A_265 : vector<1x1x256x256xf32> to vector<256x256xf32>
    %add3A_267 = arith.addf %get3A_260, %get3A_266 : vector<256x256xf32>
    %swap3A_268 = arith.constant 0 : index
    %swap3A_269 = arith.constant 0 : index
    %swap3A_270 = arith.constant 0 : index
    %swap3A_271 = arith.constant 1792 : index
    %swap3A_272 = vector.load %arg4[%swap3A_268, %swap3A_269, %swap3A_270, %swap3A_271] : memref<1x1x1024x2048xf32, #tpu.memory_space<vmem>>, vector<1x1x256x256xf32>
    %swap3A_273 = vector.shape_cast %swap3A_272 : vector<1x1x256x256xf32> to vector<256x256xf32>
    %swap3A_274 = vector.shape_cast %add3A_267 : vector<256x256xf32> to vector<1x1x256x256xf32>
    tpu.vector_store %arg4[%swap3A_268, %swap3A_269, %swap3A_270, %swap3A_271], %swap3A_274 {strides = array<i32>} : memref<1x1x1024x2048xf32, #tpu.memory_space<vmem>>, vector<1x1x256x256xf32>,
    %mul3A_275 = arith.constant 4 : i32
    %mul3A_276 = arith.muli %arg1, %mul3A_275 : i32
    %add3A_277 = arith.constant 1 : i32
    %add3A_278 = arith.addi %mul3A_276, %add3A_277 : i32
    %sub3A_279 = arith.constant 0 : i32
    %sub3A_280 = arith.subi %add3A_278, %sub3A_279 : i32
    %eq3A_281 = arith.constant 0 : i32
    %eq3A_282 = arith.cmpi eq, %sub3A_280, %eq3A_281 : i32
    %eq3A_283 = arith.constant 1 : i32
    %eq3A_284 = arith.cmpi eq, %sub3A_280, %eq3A_283 : i32
    %lt3A_285 = arith.constant 0 : i32
    %lt3A_286 = arith.cmpi slt, %sub3A_280, %lt3A_285 : i32
    %jit3A_287 = arith.constant 2 : i32
    %jit3A_288 = arith.constant 3 : i32
    %select_n3A_289 = arith.select %lt3A_286, %jit3A_287, %jit3A_288 : i32
    %jit3A_290 = arith.constant 1 : i32
    %select_n3A_291 = arith.select %eq3A_284, %jit3A_290, %select_n3A_289 : i32
    %jit3A_292 = arith.constant 0 : i32
    %select_n3A_293 = arith.select %eq3A_282, %jit3A_292, %select_n3A_291 : i32
    %get3A_294 = arith.constant 0 : index
    %get3A_295 = arith.constant 0 : index
    %get3A_296 = arith.constant 256 : index
    %get3A_297 = arith.constant 0 : index
    %get3A_298 = vector.load %arg2[%get3A_294, %get3A_295, %get3A_296, %get3A_297] : memref<1x1x1024x2048xf32, #tpu.memory_space<vmem>>, vector<1x1x256x256xf32>
    %get3A_299 = vector.shape_cast %get3A_298 : vector<1x1x256x256xf32> to vector<256x256xf32>
    %get3A_300 = arith.constant 0 : index
    %get3A_301 = arith.index_cast %select_n3A_293 : i32 to index
    %get3A_302 = arith.constant 0 : index
    %get3A_303 = arith.constant 0 : index
    %get3A_304 = vector.load %arg3[%get3A_300, %get3A_301, %get3A_302, %get3A_303] : memref<1x4x256x256xf32, #tpu.memory_space<vmem>>, vector<1x1x256x256xf32>
    %get3A_305 = vector.shape_cast %get3A_304 : vector<1x1x256x256xf32> to vector<256x256xf32>
    %add3A_306 = arith.addf %get3A_299, %get3A_305 : vector<256x256xf32>
    %swap3A_307 = arith.constant 0 : index
    %swap3A_308 = arith.constant 0 : index
    %swap3A_309 = arith.constant 256 : index
    %swap3A_310 = arith.constant 0 : index
    %swap3A_311 = vector.load %arg4[%swap3A_307, %swap3A_308, %swap3A_309, %swap3A_310] : memref<1x1x1024x2048xf32, #tpu.memory_space<vmem>>, vector<1x1x256x256xf32>
    %swap3A_312 = vector.shape_cast %swap3A_311 : vector<1x1x256x256xf32> to vector<256x256xf32>
    %swap3A_313 = vector.shape_cast %add3A_306 : vector<256x256xf32> to vector<1x1x256x256xf32>
    tpu.vector_store %arg4[%swap3A_307, %swap3A_308, %swap3A_309, %swap3A_310], %swap3A_313 {strides = array<i32>} : memref<1x1x1024x2048xf32, #tpu.memory_space<vmem>>, vector<1x1x256x256xf32>,
    %sub3A_314 = arith.constant 1 : i32
    %sub3A_315 = arith.subi %add3A_278, %sub3A_314 : i32
    %eq3A_316 = arith.constant 0 : i32
    %eq3A_317 = arith.cmpi eq, %sub3A_315, %eq3A_316 : i32
    %eq3A_318 = arith.constant 1 : i32
    %eq3A_319 = arith.cmpi eq, %sub3A_315, %eq3A_318 : i32
    %lt3A_320 = arith.constant 0 : i32
    %lt3A_321 = arith.cmpi slt, %sub3A_315, %lt3A_320 : i32
    %jit3A_322 = arith.constant 2 : i32
    %jit3A_323 = arith.constant 3 : i32
    %select_n3A_324 = arith.select %lt3A_321, %jit3A_322, %jit3A_323 : i32
    %jit3A_325 = arith.constant 1 : i32
    %select_n3A_326 = arith.select %eq3A_319, %jit3A_325, %select_n3A_324 : i32
    %jit3A_327 = arith.constant 0 : i32
    %select_n3A_328 = arith.select %eq3A_317, %jit3A_327, %select_n3A_326 : i32
    %get3A_329 = arith.constant 0 : index
    %get3A_330 = arith.constant 0 : index
    %get3A_331 = arith.constant 256 : index
    %get3A_332 = arith.constant 256 : index
    %get3A_333 = vector.load %arg2[%get3A_329, %get3A_330, %get3A_331, %get3A_332] : memref<1x1x1024x2048xf32, #tpu.memory_space<vmem>>, vector<1x1x256x256xf32>
    %get3A_334 = vector.shape_cast %get3A_333 : vector<1x1x256x256xf32> to vector<256x256xf32>
    %get3A_335 = arith.constant 0 : index
    %get3A_336 = arith.index_cast %select_n3A_328 : i32 to index
    %get3A_337 = arith.constant 0 : index
    %get3A_338 = arith.constant 0 : index
    %get3A_339 = vector.load %arg3[%get3A_335, %get3A_336, %get3A_337, %get3A_338] : memref<1x4x256x256xf32, #tpu.memory_space<vmem>>, vector<1x1x256x256xf32>
    %get3A_340 = vector.shape_cast %get3A_339 : vector<1x1x256x256xf32> to vector<256x256xf32>
    %add3A_341 = arith.addf %get3A_334, %get3A_340 : vector<256x256xf32>
    %swap3A_342 = arith.constant 0 : index
    %swap3A_343 = arith.constant 0 : index
    %swap3A_344 = arith.constant 256 : index
    %swap3A_345 = arith.constant 256 : index
    %swap3A_346 = vector.load %arg4[%swap3A_342, %swap3A_343, %swap3A_344, %swap3A_345] : memref<1x1x1024x2048xf32, #tpu.memory_space<vmem>>, vector<1x1x256x256xf32>
    %swap3A_347 = vector.shape_cast %swap3A_346 : vector<1x1x256x256xf32> to vector<256x256xf32>
    %swap3A_348 = vector.shape_cast %add3A_341 : vector<256x256xf32> to vector<1x1x256x256xf32>
    tpu.vector_store %arg4[%swap3A_342, %swap3A_343, %swap3A_344, %swap3A_345], %swap3A_348 {strides = array<i32>} : memref<1x1x1024x2048xf32, #tpu.memory_space<vmem>>, vector<1x1x256x256xf32>,
    %sub3A_349 = arith.constant 2 : i32
    %sub3A_350 = arith.subi %add3A_278, %sub3A_349 : i32
    %eq3A_351 = arith.constant 0 : i32
    %eq3A_352 = arith.cmpi eq, %sub3A_350, %eq3A_351 : i32
    %eq3A_353 = arith.constant 1 : i32
    %eq3A_354 = arith.cmpi eq, %sub3A_350, %eq3A_353 : i32
    %lt3A_355 = arith.constant 0 : i32
    %lt3A_356 = arith.cmpi slt, %sub3A_350, %lt3A_355 : i32
    %jit3A_357 = arith.constant 2 : i32
    %jit3A_358 = arith.constant 3 : i32
    %select_n3A_359 = arith.select %lt3A_356, %jit3A_357, %jit3A_358 : i32
    %jit3A_360 = arith.constant 1 : i32
    %select_n3A_361 = arith.select %eq3A_354, %jit3A_360, %select_n3A_359 : i32
    %jit3A_362 = arith.constant 0 : i32
    %select_n3A_363 = arith.select %eq3A_352, %jit3A_362, %select_n3A_361 : i32
    %get3A_364 = arith.constant 0 : index
    %get3A_365 = arith.constant 0 : index
    %get3A_366 = arith.constant 256 : index
    %get3A_367 = arith.constant 512 : index
    %get3A_368 = vector.load %arg2[%get3A_364, %get3A_365, %get3A_366, %get3A_367] : memref<1x1x1024x2048xf32, #tpu.memory_space<vmem>>, vector<1x1x256x256xf32>
    %get3A_369 = vector.shape_cast %get3A_368 : vector<1x1x256x256xf32> to vector<256x256xf32>
    %get3A_370 = arith.constant 0 : index
    %get3A_371 = arith.index_cast %select_n3A_363 : i32 to index
    %get3A_372 = arith.constant 0 : index
    %get3A_373 = arith.constant 0 : index
    %get3A_374 = vector.load %arg3[%get3A_370, %get3A_371, %get3A_372, %get3A_373] : memref<1x4x256x256xf32, #tpu.memory_space<vmem>>, vector<1x1x256x256xf32>
    %get3A_375 = vector.shape_cast %get3A_374 : vector<1x1x256x256xf32> to vector<256x256xf32>
    %add3A_376 = arith.addf %get3A_369, %get3A_375 : vector<256x256xf32>
    %swap3A_377 = arith.constant 0 : index
    %swap3A_378 = arith.constant 0 : index
    %swap3A_379 = arith.constant 256 : index
    %swap3A_380 = arith.constant 512 : index
    %swap3A_381 = vector.load %arg4[%swap3A_377, %swap3A_378, %swap3A_379, %swap3A_380] : memref<1x1x1024x2048xf32, #tpu.memory_space<vmem>>, vector<1x1x256x256xf32>
    %swap3A_382 = vector.shape_cast %swap3A_381 : vector<1x1x256x256xf32> to vector<256x256xf32>
    %swap3A_383 = vector.shape_cast %add3A_376 : vector<256x256xf32> to vector<1x1x256x256xf32>
    tpu.vector_store %arg4[%swap3A_377, %swap3A_378, %swap3A_379, %swap3A_380], %swap3A_383 {strides = array<i32>} : memref<1x1x1024x2048xf32, #tpu.memory_space<vmem>>, vector<1x1x256x256xf32>,
    %sub3A_384 = arith.constant 3 : i32
    %sub3A_385 = arith.subi %add3A_278, %sub3A_384 : i32
    %eq3A_386 = arith.constant 0 : i32
    %eq3A_387 = arith.cmpi eq, %sub3A_385, %eq3A_386 : i32
    %eq3A_388 = arith.constant 1 : i32
    %eq3A_389 = arith.cmpi eq, %sub3A_385, %eq3A_388 : i32
    %lt3A_390 = arith.constant 0 : i32
    %lt3A_391 = arith.cmpi slt, %sub3A_385, %lt3A_390 : i32
    %jit3A_392 = arith.constant 2 : i32
    %jit3A_393 = arith.constant 3 : i32
    %select_n3A_394 = arith.select %lt3A_391, %jit3A_392, %jit3A_393 : i32
    %jit3A_395 = arith.constant 1 : i32
    %select_n3A_396 = arith.select %eq3A_389, %jit3A_395, %select_n3A_394 : i32
    %jit3A_397 = arith.constant 0 : i32
    %select_n3A_398 = arith.select %eq3A_387, %jit3A_397, %select_n3A_396 : i32
    %get3A_399 = arith.constant 0 : index
    %get3A_400 = arith.constant 0 : index
    %get3A_401 = arith.constant 256 : index
    %get3A_402 = arith.constant 768 : index
    %get3A_403 = vector.load %arg2[%get3A_399, %get3A_400, %get3A_401, %get3A_402] : memref<1x1x1024x2048xf32, #tpu.memory_space<vmem>>, vector<1x1x256x256xf32>
    %get3A_404 = vector.shape_cast %get3A_403 : vector<1x1x256x256xf32> to vector<256x256xf32>
    %get3A_405 = arith.constant 0 : index
    %get3A_406 = arith.index_cast %select_n3A_398 : i32 to index
    %get3A_407 = arith.constant 0 : index
    %get3A_408 = arith.constant 0 : index
    %get3A_409 = vector.load %arg3[%get3A_405, %get3A_406, %get3A_407, %get3A_408] : memref<1x4x256x256xf32, #tpu.memory_space<vmem>>, vector<1x1x256x256xf32>
    %get3A_410 = vector.shape_cast %get3A_409 : vector<1x1x256x256xf32> to vector<256x256xf32>
    %add3A_411 = arith.addf %get3A_404, %get3A_410 : vector<256x256xf32>
    %swap3A_412 = arith.constant 0 : index
    %swap3A_413 = arith.constant 0 : index
    %swap3A_414 = arith.constant 256 : index
    %swap3A_415 = arith.constant 768 : index
    %swap3A_416 = vector.load %arg4[%swap3A_412, %swap3A_413, %swap3A_414, %swap3A_415] : memref<1x1x1024x2048xf32, #tpu.memory_space<vmem>>, vector<1x1x256x256xf32>
    %swap3A_417 = vector.shape_cast %swap3A_416 : vector<1x1x256x256xf32> to vector<256x256xf32>
    %swap3A_418 = vector.shape_cast %add3A_411 : vector<256x256xf32> to vector<1x1x256x256xf32>
    tpu.vector_store %arg4[%swap3A_412, %swap3A_413, %swap3A_414, %swap3A_415], %swap3A_418 {strides = array<i32>} : memref<1x1x1024x2048xf32, #tpu.memory_space<vmem>>, vector<1x1x256x256xf32>,
    %sub3A_419 = arith.constant 4 : i32
    %sub3A_420 = arith.subi %add3A_278, %sub3A_419 : i32
    %eq3A_421 = arith.constant 0 : i32
    %eq3A_422 = arith.cmpi eq, %sub3A_420, %eq3A_421 : i32
    %eq3A_423 = arith.constant 1 : i32
    %eq3A_424 = arith.cmpi eq, %sub3A_420, %eq3A_423 : i32
    %lt3A_425 = arith.constant 0 : i32
    %lt3A_426 = arith.cmpi slt, %sub3A_420, %lt3A_425 : i32
    %jit3A_427 = arith.constant 2 : i32
    %jit3A_428 = arith.constant 3 : i32
    %select_n3A_429 = arith.select %lt3A_426, %jit3A_427, %jit3A_428 : i32
    %jit3A_430 = arith.constant 1 : i32
    %select_n3A_431 = arith.select %eq3A_424, %jit3A_430, %select_n3A_429 : i32
    %jit3A_432 = arith.constant 0 : i32
    %select_n3A_433 = arith.select %eq3A_422, %jit3A_432, %select_n3A_431 : i32
    %get3A_434 = arith.constant 0 : index
    %get3A_435 = arith.constant 0 : index
    %get3A_436 = arith.constant 256 : index
    %get3A_437 = arith.constant 1024 : index
    %get3A_438 = vector.load %arg2[%get3A_434, %get3A_435, %get3A_436, %get3A_437] : memref<1x1x1024x2048xf32, #tpu.memory_space<vmem>>, vector<1x1x256x256xf32>
    %get3A_439 = vector.shape_cast %get3A_438 : vector<1x1x256x256xf32> to vector<256x256xf32>
    %get3A_440 = arith.constant 0 : index
    %get3A_441 = arith.index_cast %select_n3A_433 : i32 to index
    %get3A_442 = arith.constant 0 : index
    %get3A_443 = arith.constant 0 : index
    %get3A_444 = vector.load %arg3[%get3A_440, %get3A_441, %get3A_442, %get3A_443] : memref<1x4x256x256xf32, #tpu.memory_space<vmem>>, vector<1x1x256x256xf32>
    %get3A_445 = vector.shape_cast %get3A_444 : vector<1x1x256x256xf32> to vector<256x256xf32>
    %add3A_446 = arith.addf %get3A_439, %get3A_445 : vector<256x256xf32>
    %swap3A_447 = arith.constant 0 : index
    %swap3A_448 = arith.constant 0 : index
    %swap3A_449 = arith.constant 256 : index
    %swap3A_450 = arith.constant 1024 : index
    %swap3A_451 = vector.load %arg4[%swap3A_447, %swap3A_448, %swap3A_449, %swap3A_450] : memref<1x1x1024x2048xf32, #tpu.memory_space<vmem>>, vector<1x1x256x256xf32>
    %swap3A_452 = vector.shape_cast %swap3A_451 : vector<1x1x256x256xf32> to vector<256x256xf32>
    %swap3A_453 = vector.shape_cast %add3A_446 : vector<256x256xf32> to vector<1x1x256x256xf32>
    tpu.vector_store %arg4[%swap3A_447, %swap3A_448, %swap3A_449, %swap3A_450], %swap3A_453 {strides = array<i32>} : memref<1x1x1024x2048xf32, #tpu.memory_space<vmem>>, vector<1x1x256x256xf32>,
    %sub3A_454 = arith.constant 5 : i32
    %sub3A_455 = arith.subi %add3A_278, %sub3A_454 : i32
    %eq3A_456 = arith.constant 0 : i32
    %eq3A_457 = arith.cmpi eq, %sub3A_455, %eq3A_456 : i32
    %eq3A_458 = arith.constant 1 : i32
    %eq3A_459 = arith.cmpi eq, %sub3A_455, %eq3A_458 : i32
    %lt3A_460 = arith.constant 0 : i32
    %lt3A_461 = arith.cmpi slt, %sub3A_455, %lt3A_460 : i32
    %jit3A_462 = arith.constant 2 : i32
    %jit3A_463 = arith.constant 3 : i32
    %select_n3A_464 = arith.select %lt3A_461, %jit3A_462, %jit3A_463 : i32
    %jit3A_465 = arith.constant 1 : i32
    %select_n3A_466 = arith.select %eq3A_459, %jit3A_465, %select_n3A_464 : i32
    %jit3A_467 = arith.constant 0 : i32
    %select_n3A_468 = arith.select %eq3A_457, %jit3A_467, %select_n3A_466 : i32
    %get3A_469 = arith.constant 0 : index
    %get3A_470 = arith.constant 0 : index
    %get3A_471 = arith.constant 256 : index
    %get3A_472 = arith.constant 1280 : index
    %get3A_473 = vector.load %arg2[%get3A_469, %get3A_470, %get3A_471, %get3A_472] : memref<1x1x1024x2048xf32, #tpu.memory_space<vmem>>, vector<1x1x256x256xf32>
    %get3A_474 = vector.shape_cast %get3A_473 : vector<1x1x256x256xf32> to vector<256x256xf32>
    %get3A_475 = arith.constant 0 : index
    %get3A_476 = arith.index_cast %select_n3A_468 : i32 to index
    %get3A_477 = arith.constant 0 : index
    %get3A_478 = arith.constant 0 : index
    %get3A_479 = vector.load %arg3[%get3A_475, %get3A_476, %get3A_477, %get3A_478] : memref<1x4x256x256xf32, #tpu.memory_space<vmem>>, vector<1x1x256x256xf32>
    %get3A_480 = vector.shape_cast %get3A_479 : vector<1x1x256x256xf32> to vector<256x256xf32>
    %add3A_481 = arith.addf %get3A_474, %get3A_480 : vector<256x256xf32>
    %swap3A_482 = arith.constant 0 : index
    %swap3A_483 = arith.constant 0 : index
    %swap3A_484 = arith.constant 256 : index
    %swap3A_485 = arith.constant 1280 : index
    %swap3A_486 = vector.load %arg4[%swap3A_482, %swap3A_483, %swap3A_484, %swap3A_485] : memref<1x1x1024x2048xf32, #tpu.memory_space<vmem>>, vector<1x1x256x256xf32>
    %swap3A_487 = vector.shape_cast %swap3A_486 : vector<1x1x256x256xf32> to vector<256x256xf32>
    %swap3A_488 = vector.shape_cast %add3A_481 : vector<256x256xf32> to vector<1x1x256x256xf32>
    tpu.vector_store %arg4[%swap3A_482, %swap3A_483, %swap3A_484, %swap3A_485], %swap3A_488 {strides = array<i32>} : memref<1x1x1024x2048xf32, #tpu.memory_space<vmem>>, vector<1x1x256x256xf32>,
    %sub3A_489 = arith.constant 6 : i32
    %sub3A_490 = arith.subi %add3A_278, %sub3A_489 : i32
    %eq3A_491 = arith.constant 0 : i32
    %eq3A_492 = arith.cmpi eq, %sub3A_490, %eq3A_491 : i32
    %eq3A_493 = arith.constant 1 : i32
    %eq3A_494 = arith.cmpi eq, %sub3A_490, %eq3A_493 : i32
    %lt3A_495 = arith.constant 0 : i32
    %lt3A_496 = arith.cmpi slt, %sub3A_490, %lt3A_495 : i32
    %jit3A_497 = arith.constant 2 : i32
    %jit3A_498 = arith.constant 3 : i32
    %select_n3A_499 = arith.select %lt3A_496, %jit3A_497, %jit3A_498 : i32
    %jit3A_500 = arith.constant 1 : i32
    %select_n3A_501 = arith.select %eq3A_494, %jit3A_500, %select_n3A_499 : i32
    %jit3A_502 = arith.constant 0 : i32
    %select_n3A_503 = arith.select %eq3A_492, %jit3A_502, %select_n3A_501 : i32
    %get3A_504 = arith.constant 0 : index
    %get3A_505 = arith.constant 0 : index
    %get3A_506 = arith.constant 256 : index
    %get3A_507 = arith.constant 1536 : index
    %get3A_508 = vector.load %arg2[%get3A_504, %get3A_505, %get3A_506, %get3A_507] : memref<1x1x1024x2048xf32, #tpu.memory_space<vmem>>, vector<1x1x256x256xf32>
    %get3A_509 = vector.shape_cast %get3A_508 : vector<1x1x256x256xf32> to vector<256x256xf32>
    %get3A_510 = arith.constant 0 : index
    %get3A_511 = arith.index_cast %select_n3A_503 : i32 to index
    %get3A_512 = arith.constant 0 : index
    %get3A_513 = arith.constant 0 : index
    %get3A_514 = vector.load %arg3[%get3A_510, %get3A_511, %get3A_512, %get3A_513] : memref<1x4x256x256xf32, #tpu.memory_space<vmem>>, vector<1x1x256x256xf32>
    %get3A_515 = vector.shape_cast %get3A_514 : vector<1x1x256x256xf32> to vector<256x256xf32>
    %add3A_516 = arith.addf %get3A_509, %get3A_515 : vector<256x256xf32>
    %swap3A_517 = arith.constant 0 : index
    %swap3A_518 = arith.constant 0 : index
    %swap3A_519 = arith.constant 256 : index
    %swap3A_520 = arith.constant 1536 : index
    %swap3A_521 = vector.load %arg4[%swap3A_517, %swap3A_518, %swap3A_519, %swap3A_520] : memref<1x1x1024x2048xf32, #tpu.memory_space<vmem>>, vector<1x1x256x256xf32>
    %swap3A_522 = vector.shape_cast %swap3A_521 : vector<1x1x256x256xf32> to vector<256x256xf32>
    %swap3A_523 = vector.shape_cast %add3A_516 : vector<256x256xf32> to vector<1x1x256x256xf32>
    tpu.vector_store %arg4[%swap3A_517, %swap3A_518, %swap3A_519, %swap3A_520], %swap3A_523 {strides = array<i32>} : memref<1x1x1024x2048xf32, #tpu.memory_space<vmem>>, vector<1x1x256x256xf32>,
    %sub3A_524 = arith.constant 7 : i32
    %sub3A_525 = arith.subi %add3A_278, %sub3A_524 : i32
    %eq3A_526 = arith.constant 0 : i32
    %eq3A_527 = arith.cmpi eq, %sub3A_525, %eq3A_526 : i32
    %eq3A_528 = arith.constant 1 : i32
    %eq3A_529 = arith.cmpi eq, %sub3A_525, %eq3A_528 : i32
    %lt3A_530 = arith.constant 0 : i32
    %lt3A_531 = arith.cmpi slt, %sub3A_525, %lt3A_530 : i32
    %jit3A_532 = arith.constant 2 : i32
    %jit3A_533 = arith.constant 3 : i32
    %select_n3A_534 = arith.select %lt3A_531, %jit3A_532, %jit3A_533 : i32
    %jit3A_535 = arith.constant 1 : i32
    %select_n3A_536 = arith.select %eq3A_529, %jit3A_535, %select_n3A_534 : i32
    %jit3A_537 = arith.constant 0 : i32
    %select_n3A_538 = arith.select %eq3A_527, %jit3A_537, %select_n3A_536 : i32
    %get3A_539 = arith.constant 0 : index
    %get3A_540 = arith.constant 0 : index
    %get3A_541 = arith.constant 256 : index
    %get3A_542 = arith.constant 1792 : index
    %get3A_543 = vector.load %arg2[%get3A_539, %get3A_540, %get3A_541, %get3A_542] : memref<1x1x1024x2048xf32, #tpu.memory_space<vmem>>, vector<1x1x256x256xf32>
    %get3A_544 = vector.shape_cast %get3A_543 : vector<1x1x256x256xf32> to vector<256x256xf32>
    %get3A_545 = arith.constant 0 : index
    %get3A_546 = arith.index_cast %select_n3A_538 : i32 to index
    %get3A_547 = arith.constant 0 : index
    %get3A_548 = arith.constant 0 : index
    %get3A_549 = vector.load %arg3[%get3A_545, %get3A_546, %get3A_547, %get3A_548] : memref<1x4x256x256xf32, #tpu.memory_space<vmem>>, vector<1x1x256x256xf32>
    %get3A_550 = vector.shape_cast %get3A_549 : vector<1x1x256x256xf32> to vector<256x256xf32>
    %add3A_551 = arith.addf %get3A_544, %get3A_550 : vector<256x256xf32>
    %swap3A_552 = arith.constant 0 : index
    %swap3A_553 = arith.constant 0 : index
    %swap3A_554 = arith.constant 256 : index
    %swap3A_555 = arith.constant 1792 : index
    %swap3A_556 = vector.load %arg4[%swap3A_552, %swap3A_553, %swap3A_554, %swap3A_555] : memref<1x1x1024x2048xf32, #tpu.memory_space<vmem>>, vector<1x1x256x256xf32>
    %swap3A_557 = vector.shape_cast %swap3A_556 : vector<1x1x256x256xf32> to vector<256x256xf32>
    %swap3A_558 = vector.shape_cast %add3A_551 : vector<256x256xf32> to vector<1x1x256x256xf32>
    tpu.vector_store %arg4[%swap3A_552, %swap3A_553, %swap3A_554, %swap3A_555], %swap3A_558 {strides = array<i32>} : memref<1x1x1024x2048xf32, #tpu.memory_space<vmem>>, vector<1x1x256x256xf32>,
    %mul3A_559 = arith.constant 4 : i32
    %mul3A_560 = arith.muli %arg1, %mul3A_559 : i32
    %add3A_561 = arith.constant 2 : i32
    %add3A_562 = arith.addi %mul3A_560, %add3A_561 : i32
    %sub3A_563 = arith.constant 0 : i32
    %sub3A_564 = arith.subi %add3A_562, %sub3A_563 : i32
    %eq3A_565 = arith.constant 0 : i32
    %eq3A_566 = arith.cmpi eq, %sub3A_564, %eq3A_565 : i32
    %eq3A_567 = arith.constant 1 : i32
    %eq3A_568 = arith.cmpi eq, %sub3A_564, %eq3A_567 : i32
    %lt3A_569 = arith.constant 0 : i32
    %lt3A_570 = arith.cmpi slt, %sub3A_564, %lt3A_569 : i32
    %jit3A_571 = arith.constant 2 : i32
    %jit3A_572 = arith.constant 3 : i32
    %select_n3A_573 = arith.select %lt3A_570, %jit3A_571, %jit3A_572 : i32
    %jit3A_574 = arith.constant 1 : i32
    %select_n3A_575 = arith.select %eq3A_568, %jit3A_574, %select_n3A_573 : i32
    %jit3A_576 = arith.constant 0 : i32
    %select_n3A_577 = arith.select %eq3A_566, %jit3A_576, %select_n3A_575 : i32
    %get3A_578 = arith.constant 0 : index
    %get3A_579 = arith.constant 0 : index
    %get3A_580 = arith.constant 512 : index
    %get3A_581 = arith.constant 0 : index
    %get3A_582 = vector.load %arg2[%get3A_578, %get3A_579, %get3A_580, %get3A_581] : memref<1x1x1024x2048xf32, #tpu.memory_space<vmem>>, vector<1x1x256x256xf32>
    %get3A_583 = vector.shape_cast %get3A_582 : vector<1x1x256x256xf32> to vector<256x256xf32>
    %get3A_584 = arith.constant 0 : index
    %get3A_585 = arith.index_cast %select_n3A_577 : i32 to index
    %get3A_586 = arith.constant 0 : index
    %get3A_587 = arith.constant 0 : index
    %get3A_588 = vector.load %arg3[%get3A_584, %get3A_585, %get3A_586, %get3A_587] : memref<1x4x256x256xf32, #tpu.memory_space<vmem>>, vector<1x1x256x256xf32>
    %get3A_589 = vector.shape_cast %get3A_588 : vector<1x1x256x256xf32> to vector<256x256xf32>
    %add3A_590 = arith.addf %get3A_583, %get3A_589 : vector<256x256xf32>
    %swap3A_591 = arith.constant 0 : index
    %swap3A_592 = arith.constant 0 : index
    %swap3A_593 = arith.constant 512 : index
    %swap3A_594 = arith.constant 0 : index
    %swap3A_595 = vector.load %arg4[%swap3A_591, %swap3A_592, %swap3A_593, %swap3A_594] : memref<1x1x1024x2048xf32, #tpu.memory_space<vmem>>, vector<1x1x256x256xf32>
    %swap3A_596 = vector.shape_cast %swap3A_595 : vector<1x1x256x256xf32> to vector<256x256xf32>
    %swap3A_597 = vector.shape_cast %add3A_590 : vector<256x256xf32> to vector<1x1x256x256xf32>
    tpu.vector_store %arg4[%swap3A_591, %swap3A_592, %swap3A_593, %swap3A_594], %swap3A_597 {strides = array<i32>} : memref<1x1x1024x2048xf32, #tpu.memory_space<vmem>>, vector<1x1x256x256xf32>,
    %sub3A_598 = arith.constant 1 : i32
    %sub3A_599 = arith.subi %add3A_562, %sub3A_598 : i32
    %eq3A_600 = arith.constant 0 : i32
    %eq3A_601 = arith.cmpi eq, %sub3A_599, %eq3A_600 : i32
    %eq3A_602 = arith.constant 1 : i32
    %eq3A_603 = arith.cmpi eq, %sub3A_599, %eq3A_602 : i32
    %lt3A_604 = arith.constant 0 : i32
    %lt3A_605 = arith.cmpi slt, %sub3A_599, %lt3A_604 : i32
    %jit3A_606 = arith.constant 2 : i32
    %jit3A_607 = arith.constant 3 : i32
    %select_n3A_608 = arith.select %lt3A_605, %jit3A_606, %jit3A_607 : i32
    %jit3A_609 = arith.constant 1 : i32
    %select_n3A_610 = arith.select %eq3A_603, %jit3A_609, %select_n3A_608 : i32
    %jit3A_611 = arith.constant 0 : i32
    %select_n3A_612 = arith.select %eq3A_601, %jit3A_611, %select_n3A_610 : i32
    %get3A_613 = arith.constant 0 : index
    %get3A_614 = arith.constant 0 : index
    %get3A_615 = arith.constant 512 : index
    %get3A_616 = arith.constant 256 : index
    %get3A_617 = vector.load %arg2[%get3A_613, %get3A_614, %get3A_615, %get3A_616] : memref<1x1x1024x2048xf32, #tpu.memory_space<vmem>>, vector<1x1x256x256xf32>
    %get3A_618 = vector.shape_cast %get3A_617 : vector<1x1x256x256xf32> to vector<256x256xf32>
    %get3A_619 = arith.constant 0 : index
    %get3A_620 = arith.index_cast %select_n3A_612 : i32 to index
    %get3A_621 = arith.constant 0 : index
    %get3A_622 = arith.constant 0 : index
    %get3A_623 = vector.load %arg3[%get3A_619, %get3A_620, %get3A_621, %get3A_622] : memref<1x4x256x256xf32, #tpu.memory_space<vmem>>, vector<1x1x256x256xf32>
    %get3A_624 = vector.shape_cast %get3A_623 : vector<1x1x256x256xf32> to vector<256x256xf32>
    %add3A_625 = arith.addf %get3A_618, %get3A_624 : vector<256x256xf32>
    %swap3A_626 = arith.constant 0 : index
    %swap3A_627 = arith.constant 0 : index
    %swap3A_628 = arith.constant 512 : index
    %swap3A_629 = arith.constant 256 : index
    %swap3A_630 = vector.load %arg4[%swap3A_626, %swap3A_627, %swap3A_628, %swap3A_629] : memref<1x1x1024x2048xf32, #tpu.memory_space<vmem>>, vector<1x1x256x256xf32>
    %swap3A_631 = vector.shape_cast %swap3A_630 : vector<1x1x256x256xf32> to vector<256x256xf32>
    %swap3A_632 = vector.shape_cast %add3A_625 : vector<256x256xf32> to vector<1x1x256x256xf32>
    tpu.vector_store %arg4[%swap3A_626, %swap3A_627, %swap3A_628, %swap3A_629], %swap3A_632 {strides = array<i32>} : memref<1x1x1024x2048xf32, #tpu.memory_space<vmem>>, vector<1x1x256x256xf32>,
    %sub3A_633 = arith.constant 2 : i32
    %sub3A_634 = arith.subi %add3A_562, %sub3A_633 : i32
    %eq3A_635 = arith.constant 0 : i32
    %eq3A_636 = arith.cmpi eq, %sub3A_634, %eq3A_635 : i32
    %eq3A_637 = arith.constant 1 : i32
    %eq3A_638 = arith.cmpi eq, %sub3A_634, %eq3A_637 : i32
    %lt3A_639 = arith.constant 0 : i32
    %lt3A_640 = arith.cmpi slt, %sub3A_634, %lt3A_639 : i32
    %jit3A_641 = arith.constant 2 : i32
    %jit3A_642 = arith.constant 3 : i32
    %select_n3A_643 = arith.select %lt3A_640, %jit3A_641, %jit3A_642 : i32
    %jit3A_644 = arith.constant 1 : i32
    %select_n3A_645 = arith.select %eq3A_638, %jit3A_644, %select_n3A_643 : i32
    %jit3A_646 = arith.constant 0 : i32
    %select_n3A_647 = arith.select %eq3A_636, %jit3A_646, %select_n3A_645 : i32
    %get3A_648 = arith.constant 0 : index
    %get3A_649 = arith.constant 0 : index
    %get3A_650 = arith.constant 512 : index
    %get3A_651 = arith.constant 512 : index
    %get3A_652 = vector.load %arg2[%get3A_648, %get3A_649, %get3A_650, %get3A_651] : memref<1x1x1024x2048xf32, #tpu.memory_space<vmem>>, vector<1x1x256x256xf32>
    %get3A_653 = vector.shape_cast %get3A_652 : vector<1x1x256x256xf32> to vector<256x256xf32>
    %get3A_654 = arith.constant 0 : index
    %get3A_655 = arith.index_cast %select_n3A_647 : i32 to index
    %get3A_656 = arith.constant 0 : index
    %get3A_657 = arith.constant 0 : index
    %get3A_658 = vector.load %arg3[%get3A_654, %get3A_655, %get3A_656, %get3A_657] : memref<1x4x256x256xf32, #tpu.memory_space<vmem>>, vector<1x1x256x256xf32>
    %get3A_659 = vector.shape_cast %get3A_658 : vector<1x1x256x256xf32> to vector<256x256xf32>
    %add3A_660 = arith.addf %get3A_653, %get3A_659 : vector<256x256xf32>
    %swap3A_661 = arith.constant 0 : index
    %swap3A_662 = arith.constant 0 : index
    %swap3A_663 = arith.constant 512 : index
    %swap3A_664 = arith.constant 512 : index
    %swap3A_665 = vector.load %arg4[%swap3A_661, %swap3A_662, %swap3A_663, %swap3A_664] : memref<1x1x1024x2048xf32, #tpu.memory_space<vmem>>, vector<1x1x256x256xf32>
    %swap3A_666 = vector.shape_cast %swap3A_665 : vector<1x1x256x256xf32> to vector<256x256xf32>
    %swap3A_667 = vector.shape_cast %add3A_660 : vector<256x256xf32> to vector<1x1x256x256xf32>
    tpu.vector_store %arg4[%swap3A_661, %swap3A_662, %swap3A_663, %swap3A_664], %swap3A_667 {strides = array<i32>} : memref<1x1x1024x2048xf32, #tpu.memory_space<vmem>>, vector<1x1x256x256xf32>,
    %sub3A_668 = arith.constant 3 : i32
    %sub3A_669 = arith.subi %add3A_562, %sub3A_668 : i32
    %eq3A_670 = arith.constant 0 : i32
    %eq3A_671 = arith.cmpi eq, %sub3A_669, %eq3A_670 : i32
    %eq3A_672 = arith.constant 1 : i32
    %eq3A_673 = arith.cmpi eq, %sub3A_669, %eq3A_672 : i32
    %lt3A_674 = arith.constant 0 : i32
    %lt3A_675 = arith.cmpi slt, %sub3A_669, %lt3A_674 : i32
    %jit3A_676 = arith.constant 2 : i32
    %jit3A_677 = arith.constant 3 : i32
    %select_n3A_678 = arith.select %lt3A_675, %jit3A_676, %jit3A_677 : i32
    %jit3A_679 = arith.constant 1 : i32
    %select_n3A_680 = arith.select %eq3A_673, %jit3A_679, %select_n3A_678 : i32
    %jit3A_681 = arith.constant 0 : i32
    %select_n3A_682 = arith.select %eq3A_671, %jit3A_681, %select_n3A_680 : i32
    %get3A_683 = arith.constant 0 : index
    %get3A_684 = arith.constant 0 : index
    %get3A_685 = arith.constant 512 : index
    %get3A_686 = arith.constant 768 : index
    %get3A_687 = vector.load %arg2[%get3A_683, %get3A_684, %get3A_685, %get3A_686] : memref<1x1x1024x2048xf32, #tpu.memory_space<vmem>>, vector<1x1x256x256xf32>
    %get3A_688 = vector.shape_cast %get3A_687 : vector<1x1x256x256xf32> to vector<256x256xf32>
    %get3A_689 = arith.constant 0 : index
    %get3A_690 = arith.index_cast %select_n3A_682 : i32 to index
    %get3A_691 = arith.constant 0 : index
    %get3A_692 = arith.constant 0 : index
    %get3A_693 = vector.load %arg3[%get3A_689, %get3A_690, %get3A_691, %get3A_692] : memref<1x4x256x256xf32, #tpu.memory_space<vmem>>, vector<1x1x256x256xf32>
    %get3A_694 = vector.shape_cast %get3A_693 : vector<1x1x256x256xf32> to vector<256x256xf32>
    %add3A_695 = arith.addf %get3A_688, %get3A_694 : vector<256x256xf32>
    %swap3A_696 = arith.constant 0 : index
    %swap3A_697 = arith.constant 0 : index
    %swap3A_698 = arith.constant 512 : index
    %swap3A_699 = arith.constant 768 : index
    %swap3A_700 = vector.load %arg4[%swap3A_696, %swap3A_697, %swap3A_698, %swap3A_699] : memref<1x1x1024x2048xf32, #tpu.memory_space<vmem>>, vector<1x1x256x256xf32>
    %swap3A_701 = vector.shape_cast %swap3A_700 : vector<1x1x256x256xf32> to vector<256x256xf32>
    %swap3A_702 = vector.shape_cast %add3A_695 : vector<256x256xf32> to vector<1x1x256x256xf32>
    tpu.vector_store %arg4[%swap3A_696, %swap3A_697, %swap3A_698, %swap3A_699], %swap3A_702 {strides = array<i32>} : memref<1x1x1024x2048xf32, #tpu.memory_space<vmem>>, vector<1x1x256x256xf32>,
    %sub3A_703 = arith.constant 4 : i32
    %sub3A_704 = arith.subi %add3A_562, %sub3A_703 : i32
    %eq3A_705 = arith.constant 0 : i32
    %eq3A_706 = arith.cmpi eq, %sub3A_704, %eq3A_705 : i32
    %eq3A_707 = arith.constant 1 : i32
    %eq3A_708 = arith.cmpi eq, %sub3A_704, %eq3A_707 : i32
    %lt3A_709 = arith.constant 0 : i32
    %lt3A_710 = arith.cmpi slt, %sub3A_704, %lt3A_709 : i32
    %jit3A_711 = arith.constant 2 : i32
    %jit3A_712 = arith.constant 3 : i32
    %select_n3A_713 = arith.select %lt3A_710, %jit3A_711, %jit3A_712 : i32
    %jit3A_714 = arith.constant 1 : i32
    %select_n3A_715 = arith.select %eq3A_708, %jit3A_714, %select_n3A_713 : i32
    %jit3A_716 = arith.constant 0 : i32
    %select_n3A_717 = arith.select %eq3A_706, %jit3A_716, %select_n3A_715 : i32
    %get3A_718 = arith.constant 0 : index
    %get3A_719 = arith.constant 0 : index
    %get3A_720 = arith.constant 512 : index
    %get3A_721 = arith.constant 1024 : index
    %get3A_722 = vector.load %arg2[%get3A_718, %get3A_719, %get3A_720, %get3A_721] : memref<1x1x1024x2048xf32, #tpu.memory_space<vmem>>, vector<1x1x256x256xf32>
    %get3A_723 = vector.shape_cast %get3A_722 : vector<1x1x256x256xf32> to vector<256x256xf32>
    %get3A_724 = arith.constant 0 : index
    %get3A_725 = arith.index_cast %select_n3A_717 : i32 to index
    %get3A_726 = arith.constant 0 : index
    %get3A_727 = arith.constant 0 : index
    %get3A_728 = vector.load %arg3[%get3A_724, %get3A_725, %get3A_726, %get3A_727] : memref<1x4x256x256xf32, #tpu.memory_space<vmem>>, vector<1x1x256x256xf32>
    %get3A_729 = vector.shape_cast %get3A_728 : vector<1x1x256x256xf32> to vector<256x256xf32>
    %add3A_730 = arith.addf %get3A_723, %get3A_729 : vector<256x256xf32>
    %swap3A_731 = arith.constant 0 : index
    %swap3A_732 = arith.constant 0 : index
    %swap3A_733 = arith.constant 512 : index
    %swap3A_734 = arith.constant 1024 : index
    %swap3A_735 = vector.load %arg4[%swap3A_731, %swap3A_732, %swap3A_733, %swap3A_734] : memref<1x1x1024x2048xf32, #tpu.memory_space<vmem>>, vector<1x1x256x256xf32>
    %swap3A_736 = vector.shape_cast %swap3A_735 : vector<1x1x256x256xf32> to vector<256x256xf32>
    %swap3A_737 = vector.shape_cast %add3A_730 : vector<256x256xf32> to vector<1x1x256x256xf32>
    tpu.vector_store %arg4[%swap3A_731, %swap3A_732, %swap3A_733, %swap3A_734], %swap3A_737 {strides = array<i32>} : memref<1x1x1024x2048xf32, #tpu.memory_space<vmem>>, vector<1x1x256x256xf32>,
    %sub3A_738 = arith.constant 5 : i32
    %sub3A_739 = arith.subi %add3A_562, %sub3A_738 : i32
    %eq3A_740 = arith.constant 0 : i32
    %eq3A_741 = arith.cmpi eq, %sub3A_739, %eq3A_740 : i32
    %eq3A_742 = arith.constant 1 : i32
    %eq3A_743 = arith.cmpi eq, %sub3A_739, %eq3A_742 : i32
    %lt3A_744 = arith.constant 0 : i32
    %lt3A_745 = arith.cmpi slt, %sub3A_739, %lt3A_744 : i32
    %jit3A_746 = arith.constant 2 : i32
    %jit3A_747 = arith.constant 3 : i32
    %select_n3A_748 = arith.select %lt3A_745, %jit3A_746, %jit3A_747 : i32
    %jit3A_749 = arith.constant 1 : i32
    %select_n3A_750 = arith.select %eq3A_743, %jit3A_749, %select_n3A_748 : i32
    %jit3A_751 = arith.constant 0 : i32
    %select_n3A_752 = arith.select %eq3A_741, %jit3A_751, %select_n3A_750 : i32
    %get3A_753 = arith.constant 0 : index
    %get3A_754 = arith.constant 0 : index
    %get3A_755 = arith.constant 512 : index
    %get3A_756 = arith.constant 1280 : index
    %get3A_757 = vector.load %arg2[%get3A_753, %get3A_754, %get3A_755, %get3A_756] : memref<1x1x1024x2048xf32, #tpu.memory_space<vmem>>, vector<1x1x256x256xf32>
    %get3A_758 = vector.shape_cast %get3A_757 : vector<1x1x256x256xf32> to vector<256x256xf32>
    %get3A_759 = arith.constant 0 : index
    %get3A_760 = arith.index_cast %select_n3A_752 : i32 to index
    %get3A_761 = arith.constant 0 : index
    %get3A_762 = arith.constant 0 : index
    %get3A_763 = vector.load %arg3[%get3A_759, %get3A_760, %get3A_761, %get3A_762] : memref<1x4x256x256xf32, #tpu.memory_space<vmem>>, vector<1x1x256x256xf32>
    %get3A_764 = vector.shape_cast %get3A_763 : vector<1x1x256x256xf32> to vector<256x256xf32>
    %add3A_765 = arith.addf %get3A_758, %get3A_764 : vector<256x256xf32>
    %swap3A_766 = arith.constant 0 : index
    %swap3A_767 = arith.constant 0 : index
    %swap3A_768 = arith.constant 512 : index
    %swap3A_769 = arith.constant 1280 : index
    %swap3A_770 = vector.load %arg4[%swap3A_766, %swap3A_767, %swap3A_768, %swap3A_769] : memref<1x1x1024x2048xf32, #tpu.memory_space<vmem>>, vector<1x1x256x256xf32>
    %swap3A_771 = vector.shape_cast %swap3A_770 : vector<1x1x256x256xf32> to vector<256x256xf32>
    %swap3A_772 = vector.shape_cast %add3A_765 : vector<256x256xf32> to vector<1x1x256x256xf32>
    tpu.vector_store %arg4[%swap3A_766, %swap3A_767, %swap3A_768, %swap3A_769], %swap3A_772 {strides = array<i32>} : memref<1x1x1024x2048xf32, #tpu.memory_space<vmem>>, vector<1x1x256x256xf32>,
    %sub3A_773 = arith.constant 6 : i32
    %sub3A_774 = arith.subi %add3A_562, %sub3A_773 : i32
    %eq3A_775 = arith.constant 0 : i32
    %eq3A_776 = arith.cmpi eq, %sub3A_774, %eq3A_775 : i32
    %eq3A_777 = arith.constant 1 : i32
    %eq3A_778 = arith.cmpi eq, %sub3A_774, %eq3A_777 : i32
    %lt3A_779 = arith.constant 0 : i32
    %lt3A_780 = arith.cmpi slt, %sub3A_774, %lt3A_779 : i32
    %jit3A_781 = arith.constant 2 : i32
    %jit3A_782 = arith.constant 3 : i32
    %select_n3A_783 = arith.select %lt3A_780, %jit3A_781, %jit3A_782 : i32
    %jit3A_784 = arith.constant 1 : i32
    %select_n3A_785 = arith.select %eq3A_778, %jit3A_784, %select_n3A_783 : i32
    %jit3A_786 = arith.constant 0 : i32
    %select_n3A_787 = arith.select %eq3A_776, %jit3A_786, %select_n3A_785 : i32
    %get3A_788 = arith.constant 0 : index
    %get3A_789 = arith.constant 0 : index
    %get3A_790 = arith.constant 512 : index
    %get3A_791 = arith.constant 1536 : index
    %get3A_792 = vector.load %arg2[%get3A_788, %get3A_789, %get3A_790, %get3A_791] : memref<1x1x1024x2048xf32, #tpu.memory_space<vmem>>, vector<1x1x256x256xf32>
    %get3A_793 = vector.shape_cast %get3A_792 : vector<1x1x256x256xf32> to vector<256x256xf32>
    %get3A_794 = arith.constant 0 : index
    %get3A_795 = arith.index_cast %select_n3A_787 : i32 to index
    %get3A_796 = arith.constant 0 : index
    %get3A_797 = arith.constant 0 : index
    %get3A_798 = vector.load %arg3[%get3A_794, %get3A_795, %get3A_796, %get3A_797] : memref<1x4x256x256xf32, #tpu.memory_space<vmem>>, vector<1x1x256x256xf32>
    %get3A_799 = vector.shape_cast %get3A_798 : vector<1x1x256x256xf32> to vector<256x256xf32>
    %add3A_800 = arith.addf %get3A_793, %get3A_799 : vector<256x256xf32>
    %swap3A_801 = arith.constant 0 : index
    %swap3A_802 = arith.constant 0 : index
    %swap3A_803 = arith.constant 512 : index
    %swap3A_804 = arith.constant 1536 : index
    %swap3A_805 = vector.load %arg4[%swap3A_801, %swap3A_802, %swap3A_803, %swap3A_804] : memref<1x1x1024x2048xf32, #tpu.memory_space<vmem>>, vector<1x1x256x256xf32>
    %swap3A_806 = vector.shape_cast %swap3A_805 : vector<1x1x256x256xf32> to vector<256x256xf32>
    %swap3A_807 = vector.shape_cast %add3A_800 : vector<256x256xf32> to vector<1x1x256x256xf32>
    tpu.vector_store %arg4[%swap3A_801, %swap3A_802, %swap3A_803, %swap3A_804], %swap3A_807 {strides = array<i32>} : memref<1x1x1024x2048xf32, #tpu.memory_space<vmem>>, vector<1x1x256x256xf32>,
    %sub3A_808 = arith.constant 7 : i32
    %sub3A_809 = arith.subi %add3A_562, %sub3A_808 : i32
    %eq3A_810 = arith.constant 0 : i32
    %eq3A_811 = arith.cmpi eq, %sub3A_809, %eq3A_810 : i32
    %eq3A_812 = arith.constant 1 : i32
    %eq3A_813 = arith.cmpi eq, %sub3A_809, %eq3A_812 : i32
    %lt3A_814 = arith.constant 0 : i32
    %lt3A_815 = arith.cmpi slt, %sub3A_809, %lt3A_814 : i32
    %jit3A_816 = arith.constant 2 : i32
    %jit3A_817 = arith.constant 3 : i32
    %select_n3A_818 = arith.select %lt3A_815, %jit3A_816, %jit3A_817 : i32
    %jit3A_819 = arith.constant 1 : i32
    %select_n3A_820 = arith.select %eq3A_813, %jit3A_819, %select_n3A_818 : i32
    %jit3A_821 = arith.constant 0 : i32
    %select_n3A_822 = arith.select %eq3A_811, %jit3A_821, %select_n3A_820 : i32
    %get3A_823 = arith.constant 0 : index
    %get3A_824 = arith.constant 0 : index
    %get3A_825 = arith.constant 512 : index
    %get3A_826 = arith.constant 1792 : index
    %get3A_827 = vector.load %arg2[%get3A_823, %get3A_824, %get3A_825, %get3A_826] : memref<1x1x1024x2048xf32, #tpu.memory_space<vmem>>, vector<1x1x256x256xf32>
    %get3A_828 = vector.shape_cast %get3A_827 : vector<1x1x256x256xf32> to vector<256x256xf32>
    %get3A_829 = arith.constant 0 : index
    %get3A_830 = arith.index_cast %select_n3A_822 : i32 to index
    %get3A_831 = arith.constant 0 : index
    %get3A_832 = arith.constant 0 : index
    %get3A_833 = vector.load %arg3[%get3A_829, %get3A_830, %get3A_831, %get3A_832] : memref<1x4x256x256xf32, #tpu.memory_space<vmem>>, vector<1x1x256x256xf32>
    %get3A_834 = vector.shape_cast %get3A_833 : vector<1x1x256x256xf32> to vector<256x256xf32>
    %add3A_835 = arith.addf %get3A_828, %get3A_834 : vector<256x256xf32>
    %swap3A_836 = arith.constant 0 : index
    %swap3A_837 = arith.constant 0 : index
    %swap3A_838 = arith.constant 512 : index
    %swap3A_839 = arith.constant 1792 : index
    %swap3A_840 = vector.load %arg4[%swap3A_836, %swap3A_837, %swap3A_838, %swap3A_839] : memref<1x1x1024x2048xf32, #tpu.memory_space<vmem>>, vector<1x1x256x256xf32>
    %swap3A_841 = vector.shape_cast %swap3A_840 : vector<1x1x256x256xf32> to vector<256x256xf32>
    %swap3A_842 = vector.shape_cast %add3A_835 : vector<256x256xf32> to vector<1x1x256x256xf32>
    tpu.vector_store %arg4[%swap3A_836, %swap3A_837, %swap3A_838, %swap3A_839], %swap3A_842 {strides = array<i32>} : memref<1x1x1024x2048xf32, #tpu.memory_space<vmem>>, vector<1x1x256x256xf32>,
    %mul3A_843 = arith.constant 4 : i32
    %mul3A_844 = arith.muli %arg1, %mul3A_843 : i32
    %add3A_845 = arith.constant 3 : i32
    %add3A_846 = arith.addi %mul3A_844, %add3A_845 : i32
    %sub3A_847 = arith.constant 0 : i32
    %sub3A_848 = arith.subi %add3A_846, %sub3A_847 : i32
    %eq3A_849 = arith.constant 0 : i32
    %eq3A_850 = arith.cmpi eq, %sub3A_848, %eq3A_849 : i32
    %eq3A_851 = arith.constant 1 : i32
    %eq3A_852 = arith.cmpi eq, %sub3A_848, %eq3A_851 : i32
    %lt3A_853 = arith.constant 0 : i32
    %lt3A_854 = arith.cmpi slt, %sub3A_848, %lt3A_853 : i32
    %jit3A_855 = arith.constant 2 : i32
    %jit3A_856 = arith.constant 3 : i32
    %select_n3A_857 = arith.select %lt3A_854, %jit3A_855, %jit3A_856 : i32
    %jit3A_858 = arith.constant 1 : i32
    %select_n3A_859 = arith.select %eq3A_852, %jit3A_858, %select_n3A_857 : i32
    %jit3A_860 = arith.constant 0 : i32
    %select_n3A_861 = arith.select %eq3A_850, %jit3A_860, %select_n3A_859 : i32
    %get3A_862 = arith.constant 0 : index
    %get3A_863 = arith.constant 0 : index
    %get3A_864 = arith.constant 768 : index
    %get3A_865 = arith.constant 0 : index
    %get3A_866 = vector.load %arg2[%get3A_862, %get3A_863, %get3A_864, %get3A_865] : memref<1x1x1024x2048xf32, #tpu.memory_space<vmem>>, vector<1x1x256x256xf32>
    %get3A_867 = vector.shape_cast %get3A_866 : vector<1x1x256x256xf32> to vector<256x256xf32>
    %get3A_868 = arith.constant 0 : index
    %get3A_869 = arith.index_cast %select_n3A_861 : i32 to index
    %get3A_870 = arith.constant 0 : index
    %get3A_871 = arith.constant 0 : index
    %get3A_872 = vector.load %arg3[%get3A_868, %get3A_869, %get3A_870, %get3A_871] : memref<1x4x256x256xf32, #tpu.memory_space<vmem>>, vector<1x1x256x256xf32>
    %get3A_873 = vector.shape_cast %get3A_872 : vector<1x1x256x256xf32> to vector<256x256xf32>
    %add3A_874 = arith.addf %get3A_867, %get3A_873 : vector<256x256xf32>
    %swap3A_875 = arith.constant 0 : index
    %swap3A_876 = arith.constant 0 : index
    %swap3A_877 = arith.constant 768 : index
    %swap3A_878 = arith.constant 0 : index
    %swap3A_879 = vector.load %arg4[%swap3A_875, %swap3A_876, %swap3A_877, %swap3A_878] : memref<1x1x1024x2048xf32, #tpu.memory_space<vmem>>, vector<1x1x256x256xf32>
    %swap3A_880 = vector.shape_cast %swap3A_879 : vector<1x1x256x256xf32> to vector<256x256xf32>
    %swap3A_881 = vector.shape_cast %add3A_874 : vector<256x256xf32> to vector<1x1x256x256xf32>
    tpu.vector_store %arg4[%swap3A_875, %swap3A_876, %swap3A_877, %swap3A_878], %swap3A_881 {strides = array<i32>} : memref<1x1x1024x2048xf32, #tpu.memory_space<vmem>>, vector<1x1x256x256xf32>,
    %sub3A_882 = arith.constant 1 : i32
    %sub3A_883 = arith.subi %add3A_846, %sub3A_882 : i32
    %eq3A_884 = arith.constant 0 : i32
    %eq3A_885 = arith.cmpi eq, %sub3A_883, %eq3A_884 : i32
    %eq3A_886 = arith.constant 1 : i32
    %eq3A_887 = arith.cmpi eq, %sub3A_883, %eq3A_886 : i32
    %lt3A_888 = arith.constant 0 : i32
    %lt3A_889 = arith.cmpi slt, %sub3A_883, %lt3A_888 : i32
    %jit3A_890 = arith.constant 2 : i32
    %jit3A_891 = arith.constant 3 : i32
    %select_n3A_892 = arith.select %lt3A_889, %jit3A_890, %jit3A_891 : i32
    %jit3A_893 = arith.constant 1 : i32
    %select_n3A_894 = arith.select %eq3A_887, %jit3A_893, %select_n3A_892 : i32
    %jit3A_895 = arith.constant 0 : i32
    %select_n3A_896 = arith.select %eq3A_885, %jit3A_895, %select_n3A_894 : i32
    %get3A_897 = arith.constant 0 : index
    %get3A_898 = arith.constant 0 : index
    %get3A_899 = arith.constant 768 : index
    %get3A_900 = arith.constant 256 : index
    %get3A_901 = vector.load %arg2[%get3A_897, %get3A_898, %get3A_899, %get3A_900] : memref<1x1x1024x2048xf32, #tpu.memory_space<vmem>>, vector<1x1x256x256xf32>
    %get3A_902 = vector.shape_cast %get3A_901 : vector<1x1x256x256xf32> to vector<256x256xf32>
    %get3A_903 = arith.constant 0 : index
    %get3A_904 = arith.index_cast %select_n3A_896 : i32 to index
    %get3A_905 = arith.constant 0 : index
    %get3A_906 = arith.constant 0 : index
    %get3A_907 = vector.load %arg3[%get3A_903, %get3A_904, %get3A_905, %get3A_906] : memref<1x4x256x256xf32, #tpu.memory_space<vmem>>, vector<1x1x256x256xf32>
    %get3A_908 = vector.shape_cast %get3A_907 : vector<1x1x256x256xf32> to vector<256x256xf32>
    %add3A_909 = arith.addf %get3A_902, %get3A_908 : vector<256x256xf32>
    %swap3A_910 = arith.constant 0 : index
    %swap3A_911 = arith.constant 0 : index
    %swap3A_912 = arith.constant 768 : index
    %swap3A_913 = arith.constant 256 : index
    %swap3A_914 = vector.load %arg4[%swap3A_910, %swap3A_911, %swap3A_912, %swap3A_913] : memref<1x1x1024x2048xf32, #tpu.memory_space<vmem>>, vector<1x1x256x256xf32>
    %swap3A_915 = vector.shape_cast %swap3A_914 : vector<1x1x256x256xf32> to vector<256x256xf32>
    %swap3A_916 = vector.shape_cast %add3A_909 : vector<256x256xf32> to vector<1x1x256x256xf32>
    tpu.vector_store %arg4[%swap3A_910, %swap3A_911, %swap3A_912, %swap3A_913], %swap3A_916 {strides = array<i32>} : memref<1x1x1024x2048xf32, #tpu.memory_space<vmem>>, vector<1x1x256x256xf32>,
    %sub3A_917 = arith.constant 2 : i32
    %sub3A_918 = arith.subi %add3A_846, %sub3A_917 : i32
    %eq3A_919 = arith.constant 0 : i32
    %eq3A_920 = arith.cmpi eq, %sub3A_918, %eq3A_919 : i32
    %eq3A_921 = arith.constant 1 : i32
    %eq3A_922 = arith.cmpi eq, %sub3A_918, %eq3A_921 : i32
    %lt3A_923 = arith.constant 0 : i32
    %lt3A_924 = arith.cmpi slt, %sub3A_918, %lt3A_923 : i32
    %jit3A_925 = arith.constant 2 : i32
    %jit3A_926 = arith.constant 3 : i32
    %select_n3A_927 = arith.select %lt3A_924, %jit3A_925, %jit3A_926 : i32
    %jit3A_928 = arith.constant 1 : i32
    %select_n3A_929 = arith.select %eq3A_922, %jit3A_928, %select_n3A_927 : i32
    %jit3A_930 = arith.constant 0 : i32
    %select_n3A_931 = arith.select %eq3A_920, %jit3A_930, %select_n3A_929 : i32
    %get3A_932 = arith.constant 0 : index
    %get3A_933 = arith.constant 0 : index
    %get3A_934 = arith.constant 768 : index
    %get3A_935 = arith.constant 512 : index
    %get3A_936 = vector.load %arg2[%get3A_932, %get3A_933, %get3A_934, %get3A_935] : memref<1x1x1024x2048xf32, #tpu.memory_space<vmem>>, vector<1x1x256x256xf32>
    %get3A_937 = vector.shape_cast %get3A_936 : vector<1x1x256x256xf32> to vector<256x256xf32>
    %get3A_938 = arith.constant 0 : index
    %get3A_939 = arith.index_cast %select_n3A_931 : i32 to index
    %get3A_940 = arith.constant 0 : index
    %get3A_941 = arith.constant 0 : index
    %get3A_942 = vector.load %arg3[%get3A_938, %get3A_939, %get3A_940, %get3A_941] : memref<1x4x256x256xf32, #tpu.memory_space<vmem>>, vector<1x1x256x256xf32>
    %get3A_943 = vector.shape_cast %get3A_942 : vector<1x1x256x256xf32> to vector<256x256xf32>
    %add3A_944 = arith.addf %get3A_937, %get3A_943 : vector<256x256xf32>
    %swap3A_945 = arith.constant 0 : index
    %swap3A_946 = arith.constant 0 : index
    %swap3A_947 = arith.constant 768 : index
    %swap3A_948 = arith.constant 512 : index
    %swap3A_949 = vector.load %arg4[%swap3A_945, %swap3A_946, %swap3A_947, %swap3A_948] : memref<1x1x1024x2048xf32, #tpu.memory_space<vmem>>, vector<1x1x256x256xf32>
    %swap3A_950 = vector.shape_cast %swap3A_949 : vector<1x1x256x256xf32> to vector<256x256xf32>
    %swap3A_951 = vector.shape_cast %add3A_944 : vector<256x256xf32> to vector<1x1x256x256xf32>
    tpu.vector_store %arg4[%swap3A_945, %swap3A_946, %swap3A_947, %swap3A_948], %swap3A_951 {strides = array<i32>} : memref<1x1x1024x2048xf32, #tpu.memory_space<vmem>>, vector<1x1x256x256xf32>,
    %sub3A_952 = arith.constant 3 : i32
    %sub3A_953 = arith.subi %add3A_846, %sub3A_952 : i32
    %eq3A_954 = arith.constant 0 : i32
    %eq3A_955 = arith.cmpi eq, %sub3A_953, %eq3A_954 : i32
    %eq3A_956 = arith.constant 1 : i32
    %eq3A_957 = arith.cmpi eq, %sub3A_953, %eq3A_956 : i32
    %lt3A_958 = arith.constant 0 : i32
    %lt3A_959 = arith.cmpi slt, %sub3A_953, %lt3A_958 : i32
    %jit3A_960 = arith.constant 2 : i32
    %jit3A_961 = arith.constant 3 : i32
    %select_n3A_962 = arith.select %lt3A_959, %jit3A_960, %jit3A_961 : i32
    %jit3A_963 = arith.constant 1 : i32
    %select_n3A_964 = arith.select %eq3A_957, %jit3A_963, %select_n3A_962 : i32
    %jit3A_965 = arith.constant 0 : i32
    %select_n3A_966 = arith.select %eq3A_955, %jit3A_965, %select_n3A_964 : i32
    %get3A_967 = arith.constant 0 : index
    %get3A_968 = arith.constant 0 : index
    %get3A_969 = arith.constant 768 : index
    %get3A_970 = arith.constant 768 : index
    %get3A_971 = vector.load %arg2[%get3A_967, %get3A_968, %get3A_969, %get3A_970] : memref<1x1x1024x2048xf32, #tpu.memory_space<vmem>>, vector<1x1x256x256xf32>
    %get3A_972 = vector.shape_cast %get3A_971 : vector<1x1x256x256xf32> to vector<256x256xf32>
    %get3A_973 = arith.constant 0 : index
    %get3A_974 = arith.index_cast %select_n3A_966 : i32 to index
    %get3A_975 = arith.constant 0 : index
    %get3A_976 = arith.constant 0 : index
    %get3A_977 = vector.load %arg3[%get3A_973, %get3A_974, %get3A_975, %get3A_976] : memref<1x4x256x256xf32, #tpu.memory_space<vmem>>, vector<1x1x256x256xf32>
    %get3A_978 = vector.shape_cast %get3A_977 : vector<1x1x256x256xf32> to vector<256x256xf32>
    %add3A_979 = arith.addf %get3A_972, %get3A_978 : vector<256x256xf32>
    %swap3A_980 = arith.constant 0 : index
    %swap3A_981 = arith.constant 0 : index
    %swap3A_982 = arith.constant 768 : index
    %swap3A_983 = arith.constant 768 : index
    %swap3A_984 = vector.load %arg4[%swap3A_980, %swap3A_981, %swap3A_982, %swap3A_983] : memref<1x1x1024x2048xf32, #tpu.memory_space<vmem>>, vector<1x1x256x256xf32>
    %swap3A_985 = vector.shape_cast %swap3A_984 : vector<1x1x256x256xf32> to vector<256x256xf32>
    %swap3A_986 = vector.shape_cast %add3A_979 : vector<256x256xf32> to vector<1x1x256x256xf32>
    tpu.vector_store %arg4[%swap3A_980, %swap3A_981, %swap3A_982, %swap3A_983], %swap3A_986 {strides = array<i32>} : memref<1x1x1024x2048xf32, #tpu.memory_space<vmem>>, vector<1x1x256x256xf32>,
    %sub3A_987 = arith.constant 4 : i32
    %sub3A_988 = arith.subi %add3A_846, %sub3A_987 : i32
    %eq3A_989 = arith.constant 0 : i32
    %eq3A_990 = arith.cmpi eq, %sub3A_988, %eq3A_989 : i32
    %eq3A_991 = arith.constant 1 : i32
    %eq3A_992 = arith.cmpi eq, %sub3A_988, %eq3A_991 : i32
    %lt3A_993 = arith.constant 0 : i32
    %lt3A_994 = arith.cmpi slt, %sub3A_988, %lt3A_993 : i32
    %jit3A_995 = arith.constant 2 : i32
    %jit3A_996 = arith.constant 3 : i32
    %select_n3A_997 = arith.select %lt3A_994, %jit3A_995, %jit3A_996 : i32
    %jit3A_998 = arith.constant 1 : i32
    %select_n3A_999 = arith.select %eq3A_992, %jit3A_998, %select_n3A_997 : i32
    %jit3A_1000 = arith.constant 0 : i32
    %select_n3A_1001 = arith.select %eq3A_990, %jit3A_1000, %select_n3A_999 : i32
    %get3A_1002 = arith.constant 0 : index
    %get3A_1003 = arith.constant 0 : index
    %get3A_1004 = arith.constant 768 : index
    %get3A_1005 = arith.constant 1024 : index
    %get3A_1006 = vector.load %arg2[%get3A_1002, %get3A_1003, %get3A_1004, %get3A_1005] : memref<1x1x1024x2048xf32, #tpu.memory_space<vmem>>, vector<1x1x256x256xf32>
    %get3A_1007 = vector.shape_cast %get3A_1006 : vector<1x1x256x256xf32> to vector<256x256xf32>
    %get3A_1008 = arith.constant 0 : index
    %get3A_1009 = arith.index_cast %select_n3A_1001 : i32 to index
    %get3A_1010 = arith.constant 0 : index
    %get3A_1011 = arith.constant 0 : index
    %get3A_1012 = vector.load %arg3[%get3A_1008, %get3A_1009, %get3A_1010, %get3A_1011] : memref<1x4x256x256xf32, #tpu.memory_space<vmem>>, vector<1x1x256x256xf32>
    %get3A_1013 = vector.shape_cast %get3A_1012 : vector<1x1x256x256xf32> to vector<256x256xf32>
    %add3A_1014 = arith.addf %get3A_1007, %get3A_1013 : vector<256x256xf32>
    %swap3A_1015 = arith.constant 0 : index
    %swap3A_1016 = arith.constant 0 : index
    %swap3A_1017 = arith.constant 768 : index
    %swap3A_1018 = arith.constant 1024 : index
    %swap3A_1019 = vector.load %arg4[%swap3A_1015, %swap3A_1016, %swap3A_1017, %swap3A_1018] : memref<1x1x1024x2048xf32, #tpu.memory_space<vmem>>, vector<1x1x256x256xf32>
    %swap3A_1020 = vector.shape_cast %swap3A_1019 : vector<1x1x256x256xf32> to vector<256x256xf32>
    %swap3A_1021 = vector.shape_cast %add3A_1014 : vector<256x256xf32> to vector<1x1x256x256xf32>
    tpu.vector_store %arg4[%swap3A_1015, %swap3A_1016, %swap3A_1017, %swap3A_1018], %swap3A_1021 {strides = array<i32>} : memref<1x1x1024x2048xf32, #tpu.memory_space<vmem>>, vector<1x1x256x256xf32>,
    %sub3A_1022 = arith.constant 5 : i32
    %sub3A_1023 = arith.subi %add3A_846, %sub3A_1022 : i32
    %eq3A_1024 = arith.constant 0 : i32
    %eq3A_1025 = arith.cmpi eq, %sub3A_1023, %eq3A_1024 : i32
    %eq3A_1026 = arith.constant 1 : i32
    %eq3A_1027 = arith.cmpi eq, %sub3A_1023, %eq3A_1026 : i32
    %lt3A_1028 = arith.constant 0 : i32
    %lt3A_1029 = arith.cmpi slt, %sub3A_1023, %lt3A_1028 : i32
    %jit3A_1030 = arith.constant 2 : i32
    %jit3A_1031 = arith.constant 3 : i32
    %select_n3A_1032 = arith.select %lt3A_1029, %jit3A_1030, %jit3A_1031 : i32
    %jit3A_1033 = arith.constant 1 : i32
    %select_n3A_1034 = arith.select %eq3A_1027, %jit3A_1033, %select_n3A_1032 : i32
    %jit3A_1035 = arith.constant 0 : i32
    %select_n3A_1036 = arith.select %eq3A_1025, %jit3A_1035, %select_n3A_1034 : i32
    %get3A_1037 = arith.constant 0 : index
    %get3A_1038 = arith.constant 0 : index
    %get3A_1039 = arith.constant 768 : index
    %get3A_1040 = arith.constant 1280 : index
    %get3A_1041 = vector.load %arg2[%get3A_1037, %get3A_1038, %get3A_1039, %get3A_1040] : memref<1x1x1024x2048xf32, #tpu.memory_space<vmem>>, vector<1x1x256x256xf32>
    %get3A_1042 = vector.shape_cast %get3A_1041 : vector<1x1x256x256xf32> to vector<256x256xf32>
    %get3A_1043 = arith.constant 0 : index
    %get3A_1044 = arith.index_cast %select_n3A_1036 : i32 to index
    %get3A_1045 = arith.constant 0 : index
    %get3A_1046 = arith.constant 0 : index
    %get3A_1047 = vector.load %arg3[%get3A_1043, %get3A_1044, %get3A_1045, %get3A_1046] : memref<1x4x256x256xf32, #tpu.memory_space<vmem>>, vector<1x1x256x256xf32>
    %get3A_1048 = vector.shape_cast %get3A_1047 : vector<1x1x256x256xf32> to vector<256x256xf32>
    %add3A_1049 = arith.addf %get3A_1042, %get3A_1048 : vector<256x256xf32>
    %swap3A_1050 = arith.constant 0 : index
    %swap3A_1051 = arith.constant 0 : index
    %swap3A_1052 = arith.constant 768 : index
    %swap3A_1053 = arith.constant 1280 : index
    %swap3A_1054 = vector.load %arg4[%swap3A_1050, %swap3A_1051, %swap3A_1052, %swap3A_1053] : memref<1x1x1024x2048xf32, #tpu.memory_space<vmem>>, vector<1x1x256x256xf32>
    %swap3A_1055 = vector.shape_cast %swap3A_1054 : vector<1x1x256x256xf32> to vector<256x256xf32>
    %swap3A_1056 = vector.shape_cast %add3A_1049 : vector<256x256xf32> to vector<1x1x256x256xf32>
    tpu.vector_store %arg4[%swap3A_1050, %swap3A_1051, %swap3A_1052, %swap3A_1053], %swap3A_1056 {strides = array<i32>} : memref<1x1x1024x2048xf32, #tpu.memory_space<vmem>>, vector<1x1x256x256xf32>,
    %sub3A_1057 = arith.constant 6 : i32
    %sub3A_1058 = arith.subi %add3A_846, %sub3A_1057 : i32
    %eq3A_1059 = arith.constant 0 : i32
    %eq3A_1060 = arith.cmpi eq, %sub3A_1058, %eq3A_1059 : i32
    %eq3A_1061 = arith.constant 1 : i32
    %eq3A_1062 = arith.cmpi eq, %sub3A_1058, %eq3A_1061 : i32
    %lt3A_1063 = arith.constant 0 : i32
    %lt3A_1064 = arith.cmpi slt, %sub3A_1058, %lt3A_1063 : i32
    %jit3A_1065 = arith.constant 2 : i32
    %jit3A_1066 = arith.constant 3 : i32
    %select_n3A_1067 = arith.select %lt3A_1064, %jit3A_1065, %jit3A_1066 : i32
    %jit3A_1068 = arith.constant 1 : i32
    %select_n3A_1069 = arith.select %eq3A_1062, %jit3A_1068, %select_n3A_1067 : i32
    %jit3A_1070 = arith.constant 0 : i32
    %select_n3A_1071 = arith.select %eq3A_1060, %jit3A_1070, %select_n3A_1069 : i32
    %get3A_1072 = arith.constant 0 : index
    %get3A_1073 = arith.constant 0 : index
    %get3A_1074 = arith.constant 768 : index
    %get3A_1075 = arith.constant 1536 : index
    %get3A_1076 = vector.load %arg2[%get3A_1072, %get3A_1073, %get3A_1074, %get3A_1075] : memref<1x1x1024x2048xf32, #tpu.memory_space<vmem>>, vector<1x1x256x256xf32>
    %get3A_1077 = vector.shape_cast %get3A_1076 : vector<1x1x256x256xf32> to vector<256x256xf32>
    %get3A_1078 = arith.constant 0 : index
    %get3A_1079 = arith.index_cast %select_n3A_1071 : i32 to index
    %get3A_1080 = arith.constant 0 : index
    %get3A_1081 = arith.constant 0 : index
    %get3A_1082 = vector.load %arg3[%get3A_1078, %get3A_1079, %get3A_1080, %get3A_1081] : memref<1x4x256x256xf32, #tpu.memory_space<vmem>>, vector<1x1x256x256xf32>
    %get3A_1083 = vector.shape_cast %get3A_1082 : vector<1x1x256x256xf32> to vector<256x256xf32>
    %add3A_1084 = arith.addf %get3A_1077, %get3A_1083 : vector<256x256xf32>
    %swap3A_1085 = arith.constant 0 : index
    %swap3A_1086 = arith.constant 0 : index
    %swap3A_1087 = arith.constant 768 : index
    %swap3A_1088 = arith.constant 1536 : index
    %swap3A_1089 = vector.load %arg4[%swap3A_1085, %swap3A_1086, %swap3A_1087, %swap3A_1088] : memref<1x1x1024x2048xf32, #tpu.memory_space<vmem>>, vector<1x1x256x256xf32>
    %swap3A_1090 = vector.shape_cast %swap3A_1089 : vector<1x1x256x256xf32> to vector<256x256xf32>
    %swap3A_1091 = vector.shape_cast %add3A_1084 : vector<256x256xf32> to vector<1x1x256x256xf32>
    tpu.vector_store %arg4[%swap3A_1085, %swap3A_1086, %swap3A_1087, %swap3A_1088], %swap3A_1091 {strides = array<i32>} : memref<1x1x1024x2048xf32, #tpu.memory_space<vmem>>, vector<1x1x256x256xf32>,
    %sub3A_1092 = arith.constant 7 : i32
    %sub3A_1093 = arith.subi %add3A_846, %sub3A_1092 : i32
    %eq3A_1094 = arith.constant 0 : i32
    %eq3A_1095 = arith.cmpi eq, %sub3A_1093, %eq3A_1094 : i32
    %eq3A_1096 = arith.constant 1 : i32
    %eq3A_1097 = arith.cmpi eq, %sub3A_1093, %eq3A_1096 : i32
    %lt3A_1098 = arith.constant 0 : i32
    %lt3A_1099 = arith.cmpi slt, %sub3A_1093, %lt3A_1098 : i32
    %jit3A_1100 = arith.constant 2 : i32
    %jit3A_1101 = arith.constant 3 : i32
    %select_n3A_1102 = arith.select %lt3A_1099, %jit3A_1100, %jit3A_1101 : i32
    %jit3A_1103 = arith.constant 1 : i32
    %select_n3A_1104 = arith.select %eq3A_1097, %jit3A_1103, %select_n3A_1102 : i32
    %jit3A_1105 = arith.constant 0 : i32
    %select_n3A_1106 = arith.select %eq3A_1095, %jit3A_1105, %select_n3A_1104 : i32
    %get3A_1107 = arith.constant 0 : index
    %get3A_1108 = arith.constant 0 : index
    %get3A_1109 = arith.constant 768 : index
    %get3A_1110 = arith.constant 1792 : index
    %get3A_1111 = vector.load %arg2[%get3A_1107, %get3A_1108, %get3A_1109, %get3A_1110] : memref<1x1x1024x2048xf32, #tpu.memory_space<vmem>>, vector<1x1x256x256xf32>
    %get3A_1112 = vector.shape_cast %get3A_1111 : vector<1x1x256x256xf32> to vector<256x256xf32>
    %get3A_1113 = arith.constant 0 : index
    %get3A_1114 = arith.index_cast %select_n3A_1106 : i32 to index
    %get3A_1115 = arith.constant 0 : index
    %get3A_1116 = arith.constant 0 : index
    %get3A_1117 = vector.load %arg3[%get3A_1113, %get3A_1114, %get3A_1115, %get3A_1116] : memref<1x4x256x256xf32, #tpu.memory_space<vmem>>, vector<1x1x256x256xf32>
    %get3A_1118 = vector.shape_cast %get3A_1117 : vector<1x1x256x256xf32> to vector<256x256xf32>
    %add3A_1119 = arith.addf %get3A_1112, %get3A_1118 : vector<256x256xf32>
    %swap3A_1120 = arith.constant 0 : index
    %swap3A_1121 = arith.constant 0 : index
    %swap3A_1122 = arith.constant 768 : index
    %swap3A_1123 = arith.constant 1792 : index
    %swap3A_1124 = vector.load %arg4[%swap3A_1120, %swap3A_1121, %swap3A_1122, %swap3A_1123] : memref<1x1x1024x2048xf32, #tpu.memory_space<vmem>>, vector<1x1x256x256xf32>
    %swap3A_1125 = vector.shape_cast %swap3A_1124 : vector<1x1x256x256xf32> to vector<256x256xf32>
    %swap3A_1126 = vector.shape_cast %add3A_1119 : vector<256x256xf32> to vector<1x1x256x256xf32>
    tpu.vector_store %arg4[%swap3A_1120, %swap3A_1121, %swap3A_1122, %swap3A_1123], %swap3A_1126 {strides = array<i32>} : memref<1x1x1024x2048xf32, #tpu.memory_space<vmem>>, vector<1x1x256x256xf32>,
    return
  }
  func.func @transform_0(%arg0: i32, %arg1: i32) -> (i32, i32, i32, i32) {
    %c0_i32 = arith.constant 0 : i32
    %c0_i32_0 = arith.constant 0 : i32
    %c0_i32_1 = arith.constant 0 : i32
    return %c0_i32, %arg0, %arg1, %c0_i32_0 : i32, i32, i32, i32
  }
  func.func @transform_1(%arg0: i32, %arg1: i32) -> (i32, i32, i32, i32) {
    %c0_i32 = arith.constant 0 : i32
    %c0_i32_0 = arith.constant 0 : i32
    %c0_i32_1 = arith.constant 0 : i32
    %c0_i32_2 = arith.constant 0 : i32
    return %arg0, %c0_i32, %c0_i32_0, %c0_i32_1 : i32, i32, i32, i32
  }
  func.func @transform_2(%arg0: i32, %arg1: i32) -> (i32, i32, i32, i32) {
    %c0_i32 = arith.constant 0 : i32
    %c0_i32_0 = arith.constant 0 : i32
    %c0_i32_1 = arith.constant 0 : i32
    return %c0_i32, %arg0, %arg1, %c0_i32_0 : i32, i32, i32, i32
  }
}

</mosaic_0001>

<sc_bundles>
// kernel: kernel.4.cloned.1.call-start
scs
__scs_entry_jumppad:
0x0: {  	(pc) =	sbr.rel $0x88, $3  }
0x1: {  	(tag) =	ssettag $0x0;
	lr =	simm.s32 $0x1  }
0x2: {  	[smem:$0x3F9F] =	sst lr;
	_ =	strace $0xD0000000  }
0x3: {  	_ = 	snop  }
0x4: {  	_ = 	snop  }
0x5: {  	_ = 	snop  }
0x6: {  	_ = 	snop  }
0x7: {  	_ = 	snop  }
__scs_overlays_trampoline_lowered:
0x8: {  	[smem:$0x3FAE] =	sst s0  }
0x9: {  	[smem:$0x3FAF] =	sst s1  }
0xa: {  	[smem:$0x3FB0] =	sst s2  }
0xb: {  	[smem:$0x3FB1] =	sst s3  }
0xc: {  	[smem:$0x3FB2] =	sst s4  }
0xd: {  	[smem:$0x3FB3] =	sst s5  }
0xe: {  	[smem:$0x3FB4] =	sst s6  }
0xf: {  	[smem:$0x3FB5] =	sst s7  }
0x10: {  	[smem:$0x3FB6] =	sst s8  }
0x11: {  	[smem:$0x3FB7] =	sst s9;
	s0 =	simm.s32 @!p0 $0x0  }
0x12: {  	s1 =	sld [smem:$0x3F9D];
	s0 =	simm.s32 @p0 $0x1  }
0x13: {  	[smem:$0x3FB8] =	sst s0;
	s0 =	simm.s32 @!p1 $0x0  }
0x14: {  	s2 =	sld [smem:$0x3F9C];
	s0 =	simm.s32 @p1 $0x1  }
0x15: {  	[smem:$0x3FB9] =	sst s0;
	s0 =	simm.s32 @!p2 $0x0  }
0x16: {  	s3 =	sld [smem:$0x3FDB];
	s0 =	simm.s32 @p2 $0x1  }
0x17: {  	s4 =	simm.s32 $0x1BF5;
	[smem:$0x3FBB] =	sst s0  }
0x18: {  	s0 =	sld [smem:$0x3F9E];
	_ =	swait.ge [sflag:s4], $0x0  }
0x19: {  	s7 =	sld [smem:$0x3F9F]  }
0x1a: {  	s8 =	sadd.s32 $0xFFFFE003, lr  }
0x1b: {  	s9 =	sadd.s32 $0xFFFFFEF7, lr;
	s5 =	simm.s32 $0xFFFFFFFF;
	p2 =	slt.u32 s8, $0xFFFFF086  }
0x1c: {  	p1 =	slt.u32 s9, $0xF7A;
	s5 =	simm.s32 @!p2 $0x0  }
0x1d: {  	s5 =	simm.s32 @p1 $0x1;
	p0 =	seq.s32 s7, s2  }
0x1e: {  	s7 =	smul.u32 @!p0 $0xF7A, s2;
	p2 =	seq.s32 @!p0 s5, $0x0  }
0x1f: {  	s9 =	smul.u32 $0xF7A, s1;
	s8 =	simm.s32 @!p0 $0x1BF5;
	p2 =	por !p2, p0  }
0x20: {  	[sflag:s8] =	ssyncset.s32 @!p0 $0xFFFFF086;
	s6 =	sadd.s32 @!p0 s3, s7;
	s7 =	simm.s32 @!p0 $0x108  }
0x21: {  	s3 =	sadd.s32 s3, s9;
	s6 =	sadd.s32 @!p0 $0x88, s6;
	s7 =	simm.s32 @p2 $0x1082  }
0x22: {  	[simem:s7], [sflag:s8] =	dma.local @!p0 [hbm:s6], $0xF7A  }
0x23: {  	s9 =	sor.u32 $0xD0000000, s2;
	s6 =	simm.s32 $0x108;
	_ =	swait.ge @!p0 [sflag:s8], $0x0  }
0x24: {  	s3 =	sadd.s32 $0x88, s3;
	s6 =	simm.s32 @!p1 $0x1082;
	[sflag:s4] =	ssyncset.s32 $0xFFFFF086  }
0x25: {  	[simem:s6], [sflag:s4] =	dma.local [hbm:s3], $0xF7A  }
0x26: {  	[smem:$0x3F9F] =	sst s1;
	(tag) =	ssettag s2;
	_ =	strace s9  }
0x27: {  	s1 =	sld [smem:$0x3FAF]  }
0x28: {  	s2 =	sld [smem:$0x3FB0]  }
0x29: {  	s4 =	sld [smem:$0x3FB2]  }
0x2a: {  	p0 =	seq.s32 s5, $0x0;
	s5 =	sld [smem:$0x3FB3]  }
0x2b: {  	s6 =	sld [smem:$0x3FB4]  }
0x2c: {  	s7 =	sld [smem:$0x3FB5]  }
0x2d: {  	s3 =	simm.s32 $0x108;
	s8 =	sld [smem:$0x3FB6]  }
0x2e: {  	s3 =	simm.s32 @!p0 $0x1082;
	s9 =	sld [smem:$0x3FB7]  }
0x2f: {  	lr =	sadd.s32 s0, s3;
	s0 =	sld [smem:$0x3FAE]  }
0x30: {  	s3 =	sld [smem:$0x3FB1]  }
0x31: {  	[smem:$0x3FBA] =	sst s10  }
0x32: {  	s10 =	sld [smem:$0x3FB8];
	_ =	sdelay $0x3  }
0x33: {  	p0 =	seq.s32 s10, $0x1;
	s10 =	sld [smem:$0x3FBA];
	_ =	sdelay $0x3  }
0x34: {  	[smem:$0x3FBA] =	sst s10  }
0x35: {  	s10 =	sld [smem:$0x3FB9];
	_ =	sdelay $0x3  }
0x36: {  	p1 =	seq.s32 s10, $0x1;
	s10 =	sld [smem:$0x3FBA];
	_ =	sdelay $0x3  }
0x37: {  	[smem:$0x3FBA] =	sst s10  }
0x38: {  	s10 =	sld [smem:$0x3FBB]  }
0x39: {  	_ = 	snop;
	(pc) =	sbr.ind lr, $3  }
0x3a: {  	_ = 	snop  }
0x3b: {  	_ = 	snop  }
0x3c: {  	p2 =	seq.s32 s10, $0x1;
	s10 =	sld [smem:$0x3FBA]  }
0x3d: {  	_ =	shalt  }
0x3e: {  	_ =	shalt  }
0x3f: {  	_ =	shalt  }
0x40: {  	_ =	shalt  }
0x41: {  	_ =	shalt  }
0x42: {  	_ =	shalt  }
0x43: {  	_ =	shalt  }
0x44: {  	_ =	shalt  }
0x45: {  	_ =	shalt  }
0x46: {  	_ =	shalt  }
0x47: {  	_ =	shalt  }
0x48: {  	_ =	shalt  }
0x49: {  	_ =	shalt  }
0x4a: {  	_ =	shalt  }
0x4b: {  	_ =	shalt  }
0x4c: {  	_ =	shalt  }
0x4d: {  	_ =	shalt  }
0x4e: {  	_ =	shalt  }
0x4f: {  	_ =	shalt  }
0x50: {  	_ =	shalt  }
0x51: {  	_ =	shalt  }
0x52: {  	_ =	shalt  }
0x53: {  	_ =	shalt  }
0x54: {  	_ =	shalt  }
0x55: {  	_ =	shalt  }
0x56: {  	_ =	shalt  }
0x57: {  	_ =	shalt  }
0x58: {  	_ =	shalt  }
0x59: {  	_ =	shalt  }
0x5a: {  	_ =	shalt  }
0x5b: {  	_ =	shalt  }
0x5c: {  	_ =	shalt  }
0x5d: {  	_ =	shalt  }
0x5e: {  	_ =	shalt  }
0x5f: {  	_ =	shalt  }
0x60: {  	_ =	shalt  }
0x61: {  	_ =	shalt  }
0x62: {  	_ =	shalt  }
0x63: {  	_ =	shalt  }
0x64: {  	_ =	shalt  }
0x65: {  	_ =	shalt  }
0x66: {  	_ =	shalt  }
0x67: {  	_ =	shalt  }
0x68: {  	_ =	shalt  }
0x69: {  	_ =	shalt  }
0x6a: {  	_ =	shalt  }
0x6b: {  	_ =	shalt  }
0x6c: {  	_ =	shalt  }
0x6d: {  	_ =	shalt  }
0x6e: {  	_ =	shalt  }
0x6f: {  	_ =	shalt  }
0x70: {  	_ =	shalt  }
0x71: {  	_ =	shalt  }
0x72: {  	_ =	shalt  }
0x73: {  	_ =	shalt  }
0x74: {  	_ =	shalt  }
0x75: {  	_ =	shalt  }
0x76: {  	_ =	shalt  }
0x77: {  	_ =	shalt  }
0x78: {  	_ =	shalt  }
0x79: {  	_ =	shalt  }
0x7a: {  	_ =	shalt  }
0x7b: {  	_ =	shalt  }
0x7c: {  	_ =	shalt  }
0x7d: {  	_ =	shalt  }
0x7e: {  	_ =	shalt  }
0x7f: {  	_ =	shalt  }
0x80: {  	_ =	shalt  }
0x81: {  	_ =	shalt  }
0x82: {  	_ =	shalt  }
0x83: {  	_ =	shalt  }
0x84: {  	_ =	shalt  }
0x85: {  	_ =	shalt  }
0x86: {  	_ =	shalt  }
0x87: {  	_ =	shalt  }
.Lfunc_end0:
.L_simem_size_0:
called_computation_lowered:
.L_overlay_start_0:
0x88: {  	s2 =	sld [smem:$0x3FD9]  }
0x89: {  	s3 =	sld [smem:$0x3FFE];
	_ =	sdelay $0x1  }
0x8a: {  	s1 =	srdreg.scid  }
0x8b: {  	s0 =	sand.u32 $0x1, s1  }
0x8c: {  	s17 =	sshll.u32 s0, $0xA;
	s2 =	sadd.s32 s3, s2  }
0x8d: {  	s2 =	sadd.s32 s2, s17  }
0x8e: {  	[smem:$0x3FC6] =	sst s2  }
0x8f: {  	_ = 	snop  }
0x90: {  	s2 =	sld [smem:$0x3FD0];
	(tm) =	ssettm $0x1  }
0x91: {  	s18 =	sld [smem:$0x3FFB];
	_ =	sdelay $0x3  }
0x92: {  	_ =	strace s18  }
0x93: {  	s3 =	sld [smem:$0x3FFC];
	_ =	sdelay $0x3  }
0x94: {  	_ =	strace s3  }
0x95: {  	s3 =	sld [smem:$0x3FFD];
	_ =	sdelay $0x3  }
0x96: {  	_ =	strace s3  }
0x97: {  	_ =	strace $0x8FFFFFFF  }
0x98: {  	s19 =	sld [smem:$0x3FDB];
	_ =	sdelay $0x1  }
0x99: {  	s4 =	simm.s32 $_scs_section_size  }
0x9a: {  	s5 =	simm.s32 $_size__tile_overlayer_lowered;
	s6 =	simm.s32 $_tile_overlayer_lowered  }
0x9b: {  	s22 =	simm.s32 $0x1BFF;
	s21 =	sshll.u32 s6, $0x1;
	s3 =	sadd.s32 s4, s19  }
0x9c: {  	s7 =	simm.s32 $0x0;
	s20 =	sshll.u32 s5, $0x1;
	s5 =	sadd.s32 s21, s3  }
0x9d: {  	[timem:s7], [sflag:s22] =	dma.local [hbm:s5], s20  }
0x9e: {  	_ =	swait.ge [sflag:s22], s20  }
0x9f: {  	s4 =	ssub.s32 $0x0, s20;
	[sflag:s22] =	ssyncset.done $0x0  }
0xa0: {  	[sflag:s22] =	ssyncadd.s32 s4;
	_ =	sdelay $0x1  }
0xa1: {  	s23 =	simm.s32 $0x1B8B  }
0xa2: {  	_ =	swait.ge [sflag:s23], $0x1  }
0xa3: {  	[sflag:s23] =	ssyncset.done $0x0  }
0xa4: {  	s25 =	simm.s32 $0x1B8E;
	s24 =	sld [smem:$0x3FFE];
	[sflag:s23] =	ssyncadd.s32 $0xFFFFFFFF  }
0xa5: {  	s26 =	simm.s32 $execute0_lowered;
	[smem:$0x3FD2] =	sst s25  }
0xa6: {  	s5 =	sshll.u32 s26, $0x1;
	_ =	strace $0x80000046;
	[dreg:$0x1] =	wrdreg $0xFFFFFFFF  }
0xa7: {  	s28 =	simm.s32 $_size_execute0_lowered;
	s3 =	sadd.s32 s3, s5;
	[dreg:$0x0] =	wrdreg $0x0  }
0xa8: {  	s5 =	sshll.u32 s28, $0x1;
	[dreg:$0x2] =	wrdreg s3  }
0xa9: {  	[dreg:$0x3] =	wrdreg s5  }
0xaa: {  	[dreg:$0x4] =	wrdreg $0xC0  }
0xab: {  	_ =	task [dreg:s7], $0x5FFFF  }
0xac: {  	[dreg:$0x1] =	wrdreg $0xFFFFFFFF  }
0xad: {  	[dreg:$0x0] =	wrdreg $0x60  }
0xae: {  	[dreg:$0x2] =	wrdreg s24  }
0xaf: {  	[dreg:$0x3] =	wrdreg s2  }
0xb0: {  	[dreg:$0x4] =	wrdreg $0x9  }
0xb1: {  	_ =	task.clear_ibuf [dreg:s7], $0x5FFFF;
	_ =	strace $0x90000046  }
0xb2: {  	s29 =	simm.s32 $0x9;
	_ =	strace $0x80000048  }
0xb3: {  	_ =	swait.ge [sflag:s29], $0x1  }
0xb4: {  	[sflag:s29] =	ssyncadd.s32 $0xFFFFFFFF  }
0xb5: {  	_ =	strace $0x90000048  }
0xb6: {  	_ =	sfence  }
0xb7: {  	s30 =	sld [smem:$0x0];
	_ =	sdelay $0x2  }
0xb8: {  	s31 =	sshll.u32 s1, $0xD;
	s1 =	sshrl.u32 s1, $0x2  }
0xb9: {  	s3 =	sand.u32 $0x4000, s31;
	s1 =	sadd.s32 s1, s30  }
0xba: {  	s0 =	sor.u32 s3, s0;
	s1 =	sshll.u32 s1, $0x11  }
0xbb: {  	s0 =	sor.u32 s1, s0  }
0xbc: {  	s0 =	sadd.s32 $0x8F2B, s0  }
0xbd: {  	[sflag:s0] =	ssyncadd.remote.s32 $0x1  }
0xbe: {  	_ =	sfence.sel $0xFFFF  }
0xbf: {  	[dreg:$0x0] =	wrdreg $0xFFFFFFFF;
	(pc) =	sbr.abs _section_cstart, $3  }
0xc0: {  	[dreg:$0x1] =	wrdreg $0xFFFFFFFF  }
0xc1: {  	_ =	task.clear_ibuf [dreg:s7], $0x2FFFF;
	_ =	strace $0x9FFFFFFF  }
0xc2: {  	(tm) =	ssettm $0x7FFFFFFF  }
0xc3: {  	_ =	shalt  }
tec
execute0_lowered:
.L_overlay_start_1:
0x0: {  	(tag) =	ssettag $0x1  }
0x1: {  	s0 =	rddreg [dreg:$0x0];
	s3 =	srdreg.scid  }
0x2: {  	s1 =	rddreg [dreg:$0x1];
	s4 =	stileid.u32;
	s3 =	sand.u32 $0x1, s3  }
0x3: {  	s2 =	simm.s32 $0x0;
	s4 =	sshll.u32 s4, $0xB;
	s5 =	sshll.u32 s3, $0xA  }
0x4: {  	[smem:$0x7FF] =	sst s2;
	s4 =	sor.u32 s5, s4  }
0x5: {  	s6 =	sadd.s32 $0x400, s0;
	_ =	strace $0x80000047;
	s0 =	sadd.s32 s4, s0  }
0x6: {  	[dreg:$0x3] =	wrdreg s6;
	s4 =	sadd.s32 s1, s4;
	s0 =	sadd.s32 $0x600, s0  }
0x7: {  	s20 =	sadd.s32 $0x8000, s4;
	[dreg:$0x4] =	wrdreg s0  }
0x8: {  	s21 =	sadd.s32 $0x10000, s4;
	[dreg:$0x5] =	wrdreg s20  }
0x9: {  	s22 =	sadd.s32 $0x18000, s4;
	[dreg:$0x6] =	wrdreg s21  }
0xa: {  	s23 =	sadd.s32 $0x20000, s4;
	[dreg:$0x7] =	wrdreg s22  }
0xb: {  	s24 =	sadd.s32 $0x28000, s4;
	[dreg:$0x8] =	wrdreg s23  }
0xc: {  	s25 =	sadd.s32 $0x30000, s4;
	[dreg:$0x9] =	wrdreg s24  }
0xd: {  	s3 =	ssub.s32 $0x2, s3;
	s26 =	sadd.s32 $0x38000, s4;
	[dreg:$0xa] =	wrdreg s25  }
0xe: {  	s18 =	sshrl.u32 s3, $0x1;
	s28 =	sadd.s32 $0x40000, s4;
	[dreg:$0xb] =	wrdreg s26  }
0xf: {  	s19 =	ssub.s32 s3, s18;
	s29 =	sadd.s32 $0x48000, s4;
	[dreg:$0xc] =	wrdreg s28  }
0x10: {  	s18 =	simm.s32 $0x2;
	s30 =	sadd.s32 $0x50000, s4;
	[dreg:$0xd] =	wrdreg s29  }
0x11: {  	s1 =	simm.s32 $0x1;
	s31 =	sadd.s32 $0x58000, s4;
	[dreg:$0xe] =	wrdreg s30  }
0x12: {  	s17 =	smax.u32 s19, $0x1;
	s19 =	simm.s32 $0x0;
	[dreg:$0xf] =	wrdreg s31  }
.LBB2_1:
0x13: {  	s0 =	rddreg [dreg:$0x3]  }
0x14: {  	[tilespmem:s2], [sflag:$0x2] =	stream.linear.gather [hbm4b:s0+s2], $0x180, $0x38;
	[tilespmem:$0x1A180] =	vst v63  }
0x15: {  	_ =	swait.ge [sflag:s18], $0x180  }
0x16: {  	[sflag:s18] =	ssyncset.done $0x0  }
0x17: {  	s3 =	simm.s32 $0x180;
	s14 =	rddreg [dreg:$0x4];
	[sflag:s18] =	ssyncadd.s32 $0xFFFFFE80  }
0x18: {  	[tilespmem:s3], [sflag:$0x2] =	stream.linear.gather [hbm4b:s14+s2], $0x2000, $0x38;
	[tilespmem:$0x1A180] =	vst v63  }
0x19: {  	_ =	swait.ge [sflag:s18], $0x2000  }
0x1a: {  	[sflag:s18] =	ssyncset.done $0x0  }
0x1b: {  	s15 =	simm.s32 $0x1A0;
	[sflag:s18] =	ssyncadd.s32 $0xFFFFE000  }
0x1c: {  	v7 =	vld [tilespmem:s15+$0x10]  }
0x1d: {  	v0 =	vld [tilespmem:s15+$0xFFFFFFF0];
	_ =	sdelay $0x1  }
0x1e: {  	v1 =	vld [tilespmem:s15+$0x0]  }
0x1f: {  	v6 =	vld [tilespmem:s15+$0xFFFFFFE0];
	_ =	sdelay $0x3  }
0x20: {  	v2 =	vld.idx.msk [tilespmem:v7+s2+$0x0], $0xffff  }
0x21: {  	s16 =	simm.s32 $0x0;
	v4 =	vadd.s32 $0x20, v7;
	v3 =	vld.idx.msk [tilespmem:v0+s2+$0x0], $0xffff  }
0x22: {  	s21 =	simm.s32 $0x30;
	s22 =	sand.u32 $0x1F00, s16;
	v5 =	vadd.s32 $0x20, v0  }
0x23: {  	s5 =	simm.s32 $0x10;
	s21 =	sand.u32 $0xF0, s21;
	s6 =	sadd.s32 $0x2180, s22;
	v8 =	vld.idx.msk [tilespmem:v1+s2+$0x0], $0xffff  }
0x24: {  	s20 =	sand.u32 $0xD0, s5;
	s3 =	sadd.s32 s21, s6;
	v9 =	vadd.s32 $0x20, v1;
	v10 =	vld.idx.msk [tilespmem:v6+s2+$0x0], $0xffff  }
0x25: {  	s23 =	simm.s32 $0x20;
	s5 =	sadd.s32 s20, s6;
	[tilespmem:s3+$0x0] =	vst v2;
	v2 =	vadd.s32 $0x20, v6  }
0x26: {  	s25 =	sand.u32 $0xE0, s23;
	[tilespmem:s5+$0x0] =	vst v3;
	v3 =	vld.idx.msk [tilespmem:v4+s2+$0x0], $0xffff  }
0x27: {  	s23 =	sand.u32 $0xC0, s16;
	s24 =	sadd.s32 s25, s6;
	v4 =	vld.idx.msk [tilespmem:v5+s2+$0x0], $0xffff;
	v5 =	vadd.s32 $0x40, v7  }
0x28: {  	s26 =	sadd.s32 s23, s6;
	v11 =	vadd.s32 $0x40, v0;
	[tilespmem:s24+$0x0] =	vst v8  }
0x29: {  	s29 =	sadd.s32 $0x4180, s22;
	[tilespmem:s26+$0x0] =	vst v10;
	v8 =	vld.idx.msk [tilespmem:v9+s2+$0x0], $0xffff  }
0x2a: {  	s6 =	sadd.s32 s21, s29;
	v9 =	vadd.s32 $0x40, v1;
	v2 =	vld.idx.msk [tilespmem:v2+s2+$0x0], $0xffff  }
0x2b: {  	s7 =	sadd.s32 s20, s29;
	[tilespmem:s6+$0x0] =	vst v3;
	v3 =	vadd.s32 $0x40, v6  }
0x2c: {  	[tilespmem:s7+$0x0] =	vst v4;
	v4 =	vld.idx.msk [tilespmem:v5+s2+$0x0], $0xffff  }
0x2d: {  	s8 =	sadd.s32 s25, s29;
	v10 =	vadd.s32 $0x60, v7;
	v5 =	vld.idx.msk [tilespmem:v11+s2+$0x0], $0xffff  }
0x2e: {  	s0 =	sadd.s32 s23, s29;
	[tilespmem:s8+$0x0] =	vst v8;
	v11 =	vadd.s32 $0x60, v0  }
0x2f: {  	s9 =	sadd.s32 $0x6180, s22;
	[tilespmem:s0+$0x0] =	vst v2;
	v2 =	vld.idx.msk [tilespmem:v9+s2+$0x0], $0xffff  }
0x30: {  	s10 =	sadd.s32 s21, s9;
	v8 =	vadd.s32 $0x60, v1;
	v3 =	vld.idx.msk [tilespmem:v3+s2+$0x0], $0xffff  }
0x31: {  	s11 =	sadd.s32 s20, s9;
	[tilespmem:s10+$0x0] =	vst v4;
	v4 =	vadd.s32 $0x60, v6  }
0x32: {  	[tilespmem:s11+$0x0] =	vst v5;
	v5 =	vld.idx.msk [tilespmem:v10+s2+$0x0], $0xffff  }
0x33: {  	s12 =	sadd.s32 s25, s9;
	v9 =	vld.idx.msk [tilespmem:v11+s2+$0x0], $0xffff;
	v10 =	vadd.s32 $0x80, v7  }
0x34: {  	s3 =	sadd.s32 s23, s9;
	v11 =	vadd.s32 $0x80, v0;
	[tilespmem:s12+$0x0] =	vst v2  }
0x35: {  	s13 =	sadd.s32 $0x8180, s22;
	[tilespmem:s3+$0x0] =	vst v3;
	v2 =	vld.idx.msk [tilespmem:v8+s2+$0x0], $0xffff  }
0x36: {  	s14 =	sadd.s32 s21, s13;
	v3 =	vadd.s32 $0x80, v1;
	v4 =	vld.idx.msk [tilespmem:v4+s2+$0x0], $0xffff  }
0x37: {  	s15 =	sadd.s32 s20, s13;
	[tilespmem:s14+$0x0] =	vst v5;
	v5 =	vadd.s32 $0x80, v6  }
0x38: {  	[tilespmem:s15+$0x0] =	vst v9;
	v8 =	vld.idx.msk [tilespmem:v10+s2+$0x0], $0xffff  }
0x39: {  	s16 =	sadd.s32 s25, s13;
	v9 =	vld.idx.msk [tilespmem:v11+s2+$0x0], $0xffff;
	v10 =	vadd.s32 $0xA0, v7  }
0x3a: {  	s0 =	sadd.s32 s23, s13;
	v11 =	vadd.s32 $0xA0, v0;
	[tilespmem:s16+$0x0] =	vst v2  }
0x3b: {  	s24 =	sadd.s32 $0xA180, s22;
	[tilespmem:s0+$0x0] =	vst v4;
	v2 =	vld.idx.msk [tilespmem:v3+s2+$0x0], $0xffff  }
0x3c: {  	s26 =	sadd.s32 s21, s24;
	v3 =	vadd.s32 $0xA0, v1;
	v4 =	vld.idx.msk [tilespmem:v5+s2+$0x0], $0xffff  }
0x3d: {  	s29 =	sadd.s32 s20, s24;
	v5 =	vadd.s32 $0xA0, v6;
	[tilespmem:s26+$0x0] =	vst v8  }
0x3e: {  	[tilespmem:s29+$0x0] =	vst v9;
	v8 =	vld.idx.msk [tilespmem:v10+s2+$0x0], $0xffff  }
0x3f: {  	s5 =	sadd.s32 s25, s24;
	v9 =	vld.idx.msk [tilespmem:v11+s2+$0x0], $0xffff;
	v10 =	vadd.s32 $0xC0, v7  }
0x40: {  	s3 =	sadd.s32 s23, s24;
	v11 =	vadd.s32 $0xC0, v0;
	[tilespmem:s5+$0x0] =	vst v2  }
0x41: {  	s6 =	sadd.s32 $0xC180, s22;
	[tilespmem:s3+$0x0] =	vst v4;
	v12 =	vld.idx.msk [tilespmem:v3+s2+$0x0], $0xffff  }
0x42: {  	s9 =	simm.s32 $0x1E0;
	s7 =	sadd.s32 s21, s6;
	v4 =	vld.idx.msk [tilespmem:v5+s2+$0x0], $0xffff  }
0x43: {  	s8 =	sadd.s32 s20, s6;
	v5 =	vld [tilespmem:s9+$0x10];
	[tilespmem:s7+$0x0] =	vst v8  }
0x44: {  	[tilespmem:s8+$0x0] =	vst v9;
	v9 =	vadd.s32 $0xC0, v6;
	v8 =	vld.idx.msk [tilespmem:v10+s2+$0x0], $0xffff  }
0x45: {  	v13 =	vadd.s32 $0xC0, v1;
	v10 =	vld.idx.msk [tilespmem:v11+s2+$0x0], $0xffff  }
0x46: {  	s0 =	sadd.s32 s25, s6;
	v3 =	vld [tilespmem:s9+$0x0];
	v11 =	vadd.s32 $0xE0, v7  }
0x47: {  	v14 =	vadd.s32 $0xE0, v0;
	s10 =	sadd.s32 s23, s6;
	s11 =	sadd.s32 $0xE180, s22;
	v2 =	vld [tilespmem:s9+$0xFFFFFFF0];
	[tilespmem:s0+$0x0] =	vst v12  }
0x48: {  	s12 =	sadd.s32 s21, s11;
	[tilespmem:s10+$0x0] =	vst v4;
	v4 =	vld [tilespmem:s9+$0xFFFFFFE0]  }
0x49: {  	s13 =	sadd.s32 s20, s11;
	v9 =	vld.idx.msk [tilespmem:v9+s2+$0x0], $0xffff;
	[tilespmem:s12+$0x0] =	vst v8  }
0x4a: {  	[tilespmem:s13+$0x0] =	vst v10;
	v10 =	vld.idx.msk [tilespmem:v13+s2+$0x0], $0xffff  }
0x4b: {  	v13 =	vadd.s32 $0xE0, v6;
	v8 =	vld.idx.msk [tilespmem:v11+s2+$0x0], $0xffff  }
0x4c: {  	v11 =	vld.idx.msk [tilespmem:v14+s2+$0x0], $0xffff  }
0x4d: {  	v15 =	vadd.s32 $0xE0, v1;
	s15 =	simm.s32 $0x40;
	v14 =	vld.idx.msk [tilespmem:v5+s2+$0x0], $0xffff  }
0x4e: {  	s24 =	simm.s32 $0x60;
	s14 =	sadd.s32 s23, s11;
	s31 =	sand.u32 $0x1F00, s15;
	v12 =	vadd.s32 $0x100, v7;
	v17 =	vld.idx.msk [tilespmem:v3+s2+$0x0], $0xffff  }
0x4f: {  	s6 =	sadd.s32 s25, s11;
	s5 =	sadd.s32 $0x10180, s22;
	s8 =	simm.s32 $0x70;
	v18 =	vadd.s32 $0x20, v5;
	v16 =	vld.idx.msk [tilespmem:v2+s2+$0x0], $0xffff;
	[tilespmem:s14+$0x0] =	vst v9  }
0x50: {  	s7 =	sadd.s32 s21, s5;
	v19 =	vadd.s32 $0x20, v2;
	s0 =	sand.u32 $0xF0, s8;
	s9 =	sadd.s32 $0x2180, s31;
	[tilespmem:s6+$0x0] =	vst v10;
	v10 =	vld.idx.msk [tilespmem:v13+s2+$0x0], $0xffff  }
0x51: {  	s16 =	simm.s32 $0x50;
	s29 =	sand.u32 $0xE0, s24;
	s26 =	sadd.s32 s0, s9;
	v20 =	vld.idx.msk [tilespmem:v4+s2+$0x0], $0xffff;
	[tilespmem:s7+$0x0] =	vst v8;
	v8 =	vadd.s32 $0x20, v3  }
0x52: {  	s28 =	sand.u32 $0xD0, s16;
	s6 =	sadd.s32 s29, s9;
	[tilespmem:s26+$0x0] =	vst v14;
	v13 =	vld.idx.msk [tilespmem:v15+s2+$0x0], $0xffff;
	v15 =	vadd.s32 $0x100, v6  }
0x53: {  	s7 =	sadd.s32 s28, s9;
	[tilespmem:s6+$0x0] =	vst v17;
	v9 =	vld.idx.msk [tilespmem:v12+s2+$0x0], $0xffff;
	v12 =	vadd.s32 $0x20, v4  }
0x54: {  	s11 =	sadd.s32 s20, s5;
	[tilespmem:s7+$0x0] =	vst v16;
	v16 =	vld.idx.msk [tilespmem:v18+s2+$0x0], $0xffff;
	v18 =	vadd.s32 $0x100, v0  }
0x55: {  	s30 =	sand.u32 $0xC0, s15;
	s10 =	sadd.s32 s23, s5;
	v14 =	vadd.s32 $0x120, v7;
	[tilespmem:s11+$0x0] =	vst v11;
	v19 =	vld.idx.msk [tilespmem:v19+s2+$0x0], $0xffff  }
0x56: {  	s8 =	sadd.s32 s30, s9;
	s6 =	sadd.s32 $0x12180, s22;
	v17 =	vadd.s32 $0x40, v5;
	[tilespmem:s10+$0x0] =	vst v10;
	v8 =	vld.idx.msk [tilespmem:v8+s2+$0x0], $0xffff  }
0x57: {  	s9 =	sadd.s32 s21, s6;
	[tilespmem:s8+$0x0] =	vst v20;
	v20 =	vadd.s32 $0x40, v2;
	v15 =	vld.idx.msk [tilespmem:v15+s2+$0x0], $0xffff  }
0x58: {  	s5 =	sadd.s32 s25, s5;
	s12 =	sadd.s32 $0x4180, s31;
	v12 =	vld.idx.msk [tilespmem:v12+s2+$0x0], $0xffff;
	[tilespmem:s9+$0x0] =	vst v9;
	v9 =	vadd.s32 $0x40, v3  }
0x59: {  	s13 =	sadd.s32 s0, s12;
	[tilespmem:s5+$0x0] =	vst v13;
	v11 =	vld.idx.msk [tilespmem:v18+s2+$0x0], $0xffff;
	v18 =	vadd.s32 $0x100, v1  }
0x5a: {  	s14 =	sadd.s32 s28, s12;
	[tilespmem:s13+$0x0] =	vst v16;
	v10 =	vld.idx.msk [tilespmem:v14+s2+$0x0], $0xffff;
	v14 =	vadd.s32 $0x40, v4  }
0x5b: {  	s15 =	sadd.s32 s29, s12;
	[tilespmem:s14+$0x0] =	vst v19;
	v17 =	vld.idx.msk [tilespmem:v17+s2+$0x0], $0xffff;
	v19 =	vadd.s32 $0x120, v6  }
0x5c: {  	s24 =	sadd.s32 s23, s6;
	v16 =	vadd.s32 $0x140, v7;
	v20 =	vld.idx.msk [tilespmem:v20+s2+$0x0], $0xffff;
	[tilespmem:s15+$0x0] =	vst v8  }
0x5d: {  	s3 =	sadd.s32 $0x14180, s22;
	s8 =	sadd.s32 s30, s12;
	[tilespmem:s24+$0x0] =	vst v15;
	v8 =	vld.idx.msk [tilespmem:v9+s2+$0x0], $0xffff;
	v9 =	vadd.s32 $0x60, v5  }
0x5e: {  	s16 =	sadd.s32 s21, s3;
	s26 =	sadd.s32 $0x6180, s31;
	[tilespmem:s8+$0x0] =	vst v12;
	v12 =	vadd.s32 $0x60, v2;
	v15 =	vld.idx.msk [tilespmem:v18+s2+$0x0], $0xffff  }
0x5f: {  	s9 =	sadd.s32 s0, s26;
	v18 =	vadd.s32 $0x120, v0;
	v14 =	vld.idx.msk [tilespmem:v14+s2+$0x0], $0xffff;
	[tilespmem:s16+$0x0] =	vst v10  }
0x60: {  	s14 =	sadd.s32 s20, s6;
	v10 =	vadd.s32 $0x60, v3;
	[tilespmem:s9+$0x0] =	vst v17;
	v17 =	vld.idx.msk [tilespmem:v19+s2+$0x0], $0xffff  }
0x61: {  	s10 =	sadd.s32 s28, s26;
	[tilespmem:s14+$0x0] =	vst v11;
	v13 =	vld.idx.msk [tilespmem:v16+s2+$0x0], $0xffff;
	v16 =	vadd.s32 $0x60, v4  }
0x62: {  	s11 =	sadd.s32 s29, s26;
	v7 =	vadd.s32 $0x160, v7;
	[tilespmem:s10+$0x0] =	vst v20;
	v9 =	vld.idx.msk [tilespmem:v9+s2+$0x0], $0xffff  }
0x63: {  	s6 =	sadd.s32 s25, s6;
	v19 =	vadd.s32 $0x120, v1;
	v12 =	vld.idx.msk [tilespmem:v12+s2+$0x0], $0xffff;
	[tilespmem:s11+$0x0] =	vst v8  }
0x64: {  	s12 =	sadd.s32 s30, s26;
	s5 =	sadd.s32 $0x16180, s22;
	v18 =	vld.idx.msk [tilespmem:v18+s2+$0x0], $0xffff;
	[tilespmem:s6+$0x0] =	vst v15;
	v15 =	vadd.s32 $0x140, v6  }
0x65: {  	s13 =	sadd.s32 s21, s5;
	[tilespmem:s12+$0x0] =	vst v14;
	v8 =	vld.idx.msk [tilespmem:v10+s2+$0x0], $0xffff;
	v10 =	vadd.s32 $0x80, v5  }
0x66: {  	s15 =	sadd.s32 $0x8180, s31;
	s9 =	sadd.s32 s23, s3;
	v14 =	vadd.s32 $0x80, v2;
	v16 =	vld.idx.msk [tilespmem:v16+s2+$0x0], $0xffff;
	[tilespmem:s13+$0x0] =	vst v13  }
0x67: {  	s16 =	sadd.s32 s0, s15;
	[tilespmem:s9+$0x0] =	vst v17;
	v7 =	vld.idx.msk [tilespmem:v7+s2+$0x0], $0xffff  }
0x68: {  	[tilespmem:s16+$0x0] =	vst v9;
	v9 =	vld.idx.msk [tilespmem:v19+s2+$0x0], $0xffff  }
0x69: {  	s24 =	sadd.s32 s28, s15;
	v13 =	vadd.s32 $0x80, v3;
	v15 =	vld.idx.msk [tilespmem:v15+s2+$0x0], $0xffff  }
0x6a: {  	v11 =	vadd.s32 $0x80, v4;
	s10 =	sadd.s32 s20, s3;
	[tilespmem:s24+$0x0] =	vst v12;
	v10 =	vld.idx.msk [tilespmem:v10+s2+$0x0], $0xffff  }
0x6b: {  	v19 =	vadd.s32 $0x140, v0;
	[tilespmem:s10+$0x0] =	vst v18;
	s10 =	simm.s32 $0x220;
	v12 =	vld.idx.msk [tilespmem:v14+s2+$0x0], $0xffff  }
0x6c: {  	s26 =	sadd.s32 s29, s15;
	v18 =	vadd.s32 $0x140, v1;
	v21 =	vld [tilespmem:s10+$0x0]  }
0x6d: {  	s7 =	sadd.s32 s30, s15;
	v6 =	vadd.s32 $0x160, v6;
	[tilespmem:s26+$0x0] =	vst v8;
	v22 =	vld [tilespmem:s10+$0xFFFFFFE0]  }
0x6e: {  	s3 =	sadd.s32 s25, s3;
	s11 =	sadd.s32 $0xA180, s31;
	v8 =	vadd.s32 $0xA0, v5;
	[tilespmem:s7+$0x0] =	vst v16;
	v13 =	vld.idx.msk [tilespmem:v13+s2+$0x0], $0xffff  }
0x6f: {  	s12 =	sadd.s32 s0, s11;
	v11 =	vld.idx.msk [tilespmem:v11+s2+$0x0], $0xffff;
	[tilespmem:s3+$0x0] =	vst v9  }
0x70: {  	s16 =	sadd.s32 s23, s5;
	v14 =	vadd.s32 $0xA0, v2;
	[tilespmem:s12+$0x0] =	vst v10;
	v10 =	vld.idx.msk [tilespmem:v19+s2+$0x0], $0xffff  }
0x71: {  	v16 =	vadd.s32 $0xA0, v3;
	[tilespmem:s16+$0x0] =	vst v15;
	v9 =	vld.idx.msk [tilespmem:v18+s2+$0x0], $0xffff  }
0x72: {  	v17 =	vadd.s32 $0xA0, v4;
	v6 =	vld.idx.msk [tilespmem:v6+s2+$0x0], $0xffff  }
0x73: {  	s13 =	sadd.s32 s28, s11;
	v0 =	vadd.s32 $0x160, v0;
	v8 =	vld.idx.msk [tilespmem:v8+s2+$0x0], $0xffff  }
0x74: {  	s14 =	sadd.s32 s29, s11;
	[tilespmem:s13+$0x0] =	vst v12;
	v19 =	vld [tilespmem:s10+$0xFFFFFFF0]  }
0x75: {  	s15 =	sadd.s32 s30, s11;
	v12 =	vld.idx.msk [tilespmem:v14+s2+$0x0], $0xffff;
	[tilespmem:s14+$0x0] =	vst v13;
	v13 =	vadd.s32 $0xC0, v5  }
0x76: {  	s24 =	sadd.s32 s20, s5;
	s26 =	sadd.s32 $0xC180, s31;
	v14 =	vadd.s32 $0xC0, v2;
	[tilespmem:s15+$0x0] =	vst v11;
	v11 =	vld.idx.msk [tilespmem:v16+s2+$0x0], $0xffff  }
0x77: {  	s8 =	sadd.s32 s0, s26;
	v16 =	vld.idx.msk [tilespmem:v17+s2+$0x0], $0xffff;
	[tilespmem:s24+$0x0] =	vst v10  }
0x78: {  	v1 =	vadd.s32 $0x160, v1;
	[tilespmem:s8+$0x0] =	vst v8;
	v8 =	vld.idx.msk [tilespmem:v0+s2+$0x0], $0xffff  }
0x79: {  	s9 =	sadd.s32 s28, s26;
	v15 =	vadd.s32 $0xC0, v3;
	s3 =	sadd.s32 $0x18180, s22;
	v0 =	vld [tilespmem:s10+$0x10]  }
0x7a: {  	s16 =	sadd.s32 s21, s3;
	[tilespmem:s9+$0x0] =	vst v12;
	v12 =	vadd.s32 $0xC0, v4;
	v10 =	vld.idx.msk [tilespmem:v13+s2+$0x0], $0xffff  }
0x7b: {  	s5 =	sadd.s32 s25, s5;
	[tilespmem:s16+$0x0] =	vst v7;
	v13 =	vld.idx.msk [tilespmem:v14+s2+$0x0], $0xffff;
	v14 =	vadd.s32 $0xE0, v5  }
0x7c: {  	s14 =	sadd.s32 s29, s26;
	v18 =	vld.idx.msk [tilespmem:v22+s2+$0x0], $0xffff;
	[tilespmem:s5+$0x0] =	vst v9  }
0x7d: {  	s11 =	sadd.s32 s30, s26;
	s12 =	sadd.s32 $0xE180, s31;
	v20 =	vld.idx.msk [tilespmem:v1+s2+$0x0], $0xffff;
	[tilespmem:s14+$0x0] =	vst v11  }
0x7e: {  	s13 =	sadd.s32 s0, s12;
	v17 =	vadd.s32 $0xE0, v2;
	[tilespmem:s11+$0x0] =	vst v16;
	v11 =	vld.idx.msk [tilespmem:v15+s2+$0x0], $0xffff  }
0x7f: {  	s21 =	sadd.s32 s23, s3;
	v12 =	vld.idx.msk [tilespmem:v12+s2+$0x0], $0xffff;
	[tilespmem:s13+$0x0] =	vst v10  }
0x80: {  	s15 =	sadd.s32 s28, s12;
	[tilespmem:s21+$0x0] =	vst v6;
	v10 =	vld.idx.msk [tilespmem:v14+s2+$0x0], $0xffff;
	v14 =	vadd.s32 $0xE0, v4  }
0x81: {  	s6 =	sadd.s32 $0x10180, s31;
	s22 =	sadd.s32 s20, s3;
	v6 =	vld.idx.msk [tilespmem:v19+s2+$0x0], $0xffff;
	[tilespmem:s15+$0x0] =	vst v13;
	v13 =	vadd.s32 $0x100, v5  }
0x82: {  	s23 =	sadd.s32 s30, s12;
	s24 =	simm.s32 $0x80;
	s8 =	sadd.s32 s29, s12;
	v15 =	vadd.s32 $0xE0, v3;
	[tilespmem:s22+$0x0] =	vst v8;
	v9 =	vld.idx.msk [tilespmem:v0+s2+$0x0], $0xffff  }
0x83: {  	s26 =	simm.s32 $0xB0;
	s20 =	sand.u32 $0x1F00, s24;
	s12 =	simm.s32 $0x90;
	v7 =	vld.idx.msk [tilespmem:v17+s2+$0x0], $0xffff;
	v17 =	vadd.s32 $0x20, v19;
	[tilespmem:s8+$0x0] =	vst v11  }
0x84: {  	s21 =	sand.u32 $0xD0, s12;
	s11 =	sadd.s32 s0, s6;
	v8 =	vld.idx.msk [tilespmem:v21+s2+$0x0], $0xffff;
	v16 =	vadd.s32 $0x20, v0;
	s13 =	sadd.s32 $0x2180, s20;
	[tilespmem:s23+$0x0] =	vst v12  }
0x85: {  	s9 =	sadd.s32 s21, s13;
	s23 =	sand.u32 $0xF0, s26;
	[tilespmem:s11+$0x0] =	vst v10;
	v10 =	vadd.s32 $0x20, v21;
	v11 =	vld.idx.msk [tilespmem:v14+s2+$0x0], $0xffff  }
0x86: {  	s10 =	simm.s32 $0xA0;
	s24 =	sand.u32 $0xC0, s24;
	[tilespmem:s9+$0x0] =	vst v6;
	s14 =	sadd.s32 s23, s13;
	v12 =	vld.idx.msk [tilespmem:v13+s2+$0x0], $0xffff;
	v13 =	vadd.s32 $0x20, v22  }
0x87: {  	s22 =	sand.u32 $0xE0, s10;
	s16 =	sadd.s32 s24, s13;
	[tilespmem:s14+$0x0] =	vst v9;
	v9 =	vld.idx.msk [tilespmem:v15+s2+$0x0], $0xffff;
	v15 =	vadd.s32 $0x100, v4  }
0x88: {  	s15 =	sadd.s32 s22, s13;
	[tilespmem:s16+$0x0] =	vst v18;
	v14 =	vadd.s32 $0x120, v5;
	v17 =	vld.idx.msk [tilespmem:v17+s2+$0x0], $0xffff  }
0x89: {  	[tilespmem:s15+$0x0] =	vst v8;
	s11 =	sadd.s32 s28, s6;
	v6 =	vld.idx.msk [tilespmem:v16+s2+$0x0], $0xffff;
	v16 =	vadd.s32 $0x100, v2  }
0x8a: {  	s7 =	sadd.s32 $0x12180, s31;
	s10 =	sadd.s32 s30, s6;
	v18 =	vadd.s32 $0x40, v19;
	[tilespmem:s11+$0x0] =	vst v7;
	v8 =	vld.idx.msk [tilespmem:v10+s2+$0x0], $0xffff  }
0x8b: {  	s12 =	sadd.s32 $0x4180, s20;
	s9 =	sadd.s32 s0, s7;
	v10 =	vadd.s32 $0x40, v0;
	[tilespmem:s10+$0x0] =	vst v11;
	v13 =	vld.idx.msk [tilespmem:v13+s2+$0x0], $0xffff  }
0x8c: {  	s14 =	sadd.s32 s21, s12;
	[tilespmem:s9+$0x0] =	vst v12;
	v12 =	vadd.s32 $0x40, v21;
	v7 =	vld.idx.msk [tilespmem:v15+s2+$0x0], $0xffff  }
0x8d: {  	s13 =	sadd.s32 s23, s12;
	[tilespmem:s14+$0x0] =	vst v17;
	v11 =	vld.idx.msk [tilespmem:v14+s2+$0x0], $0xffff;
	v14 =	vadd.s32 $0x40, v22  }
0x8e: {  	s6 =	sadd.s32 s29, s6;
	[tilespmem:s13+$0x0] =	vst v6;
	v6 =	vld.idx.msk [tilespmem:v16+s2+$0x0], $0xffff;
	v16 =	vadd.s32 $0x100, v3  }
0x8f: {  	s15 =	sadd.s32 s22, s12;
	v15 =	vadd.s32 $0x140, v5;
	v18 =	vld.idx.msk [tilespmem:v18+s2+$0x0], $0xffff;
	[tilespmem:s6+$0x0] =	vst v9  }
0x90: {  	s8 =	sadd.s32 s24, s12;
	v17 =	vadd.s32 $0x120, v4;
	v10 =	vld.idx.msk [tilespmem:v10+s2+$0x0], $0xffff;
	[tilespmem:s15+$0x0] =	vst v8  }
0x91: {  	s5 =	sadd.s32 $0x14180, s31;
	s9 =	sadd.s32 s30, s7;
	[tilespmem:s8+$0x0] =	vst v13;
	v8 =	vld.idx.msk [tilespmem:v12+s2+$0x0], $0xffff;
	v12 =	vadd.s32 $0x60, v0  }
0x92: {  	s16 =	sadd.s32 s0, s5;
	s10 =	sadd.s32 $0x6180, s20;
	v13 =	vadd.s32 $0x60, v19;
	[tilespmem:s9+$0x0] =	vst v7;
	v14 =	vld.idx.msk [tilespmem:v14+s2+$0x0], $0xffff  }
0x93: {  	s12 =	sadd.s32 s21, s10;
	[tilespmem:s16+$0x0] =	vst v11;
	v11 =	vadd.s32 $0x60, v21;
	v7 =	vld.idx.msk [tilespmem:v16+s2+$0x0], $0xffff  }
0x94: {  	s11 =	sadd.s32 s23, s10;
	[tilespmem:s12+$0x0] =	vst v18;
	v16 =	vadd.s32 $0x120, v2;
	v9 =	vld.idx.msk [tilespmem:v15+s2+$0x0], $0xffff  }
0x95: {  	s16 =	sadd.s32 s28, s7;
	v15 =	vadd.s32 $0x60, v22;
	[tilespmem:s11+$0x0] =	vst v10;
	v10 =	vld.idx.msk [tilespmem:v17+s2+$0x0], $0xffff  }
0x96: {  	v5 =	vadd.s32 $0x160, v5;
	s13 =	sadd.s32 s22, s10;
	[tilespmem:s16+$0x0] =	vst v6;
	v12 =	vld.idx.msk [tilespmem:v12+s2+$0x0], $0xffff  }
0x97: {  	s14 =	sadd.s32 s24, s10;
	v17 =	vadd.s32 $0x120, v3;
	v13 =	vld.idx.msk [tilespmem:v13+s2+$0x0], $0xffff;
	[tilespmem:s13+$0x0] =	vst v8  }
0x98: {  	s6 =	sadd.s32 $0x16180, s31;
	s7 =	sadd.s32 s29, s7;
	[tilespmem:s14+$0x0] =	vst v14;
	v8 =	vld.idx.msk [tilespmem:v11+s2+$0x0], $0xffff;
	v11 =	vadd.s32 $0x80, v0  }
0x99: {  	s15 =	sadd.s32 s0, s6;
	s9 =	sadd.s32 $0x8180, s20;
	v14 =	vadd.s32 $0x80, v19;
	[tilespmem:s7+$0x0] =	vst v7;
	v7 =	vld.idx.msk [tilespmem:v16+s2+$0x0], $0xffff  }
0x9a: {  	s10 =	sadd.s32 s23, s9;
	v16 =	vadd.s32 $0x140, v4;
	[tilespmem:s15+$0x0] =	vst v9;
	v9 =	vld.idx.msk [tilespmem:v15+s2+$0x0], $0xffff  }
0x9b: {  	s11 =	sadd.s32 s21, s9;
	v15 =	vadd.s32 $0x80, v21;
	v5 =	vld.idx.msk [tilespmem:v5+s2+$0x0], $0xffff;
	[tilespmem:s10+$0x0] =	vst v12  }
0x9c: {  	s12 =	sadd.s32 s22, s9;
	v6 =	vadd.s32 $0x80, v22;
	v12 =	vld.idx.msk [tilespmem:v17+s2+$0x0], $0xffff;
	[tilespmem:s11+$0x0] =	vst v13  }
0x9d: {  	s13 =	sadd.s32 s30, s5;
	v11 =	vld.idx.msk [tilespmem:v11+s2+$0x0], $0xffff;
	[tilespmem:s12+$0x0] =	vst v8;
	v8 =	vadd.s32 $0x140, v2  }
0x9e: {  	v23 =	vadd.s32 $0x140, v3;
	s14 =	sadd.s32 s28, s5;
	[tilespmem:s13+$0x0] =	vst v10;
	v13 =	vld.idx.msk [tilespmem:v14+s2+$0x0], $0xffff  }
0x9f: {  	s8 =	sadd.s32 s24, s9;
	s7 =	sadd.s32 $0x18180, s31;
	v14 =	vadd.s32 $0xA0, v0;
	[tilespmem:s14+$0x0] =	vst v7;
	v7 =	vld.idx.msk [tilespmem:v16+s2+$0x0], $0xffff  }
0xa0: {  	s0 =	sadd.s32 s0, s7;
	[tilespmem:s8+$0x0] =	vst v9;
	v9 =	vld.idx.msk [tilespmem:v15+s2+$0x0], $0xffff;
	v15 =	vadd.s32 $0xA0, v19  }
0xa1: {  	s5 =	sadd.s32 s29, s5;
	s15 =	sadd.s32 $0xA180, s20;
	v6 =	vld.idx.msk [tilespmem:v6+s2+$0x0], $0xffff;
	[tilespmem:s0+$0x0] =	vst v5;
	v5 =	vadd.s32 $0xA0, v21  }
0xa2: {  	s16 =	sadd.s32 s23, s15;
	v10 =	vadd.s32 $0xA0, v22;
	[tilespmem:s5+$0x0] =	vst v12;
	v8 =	vld.idx.msk [tilespmem:v8+s2+$0x0], $0xffff  }
0xa3: {  	v4 =	vadd.s32 $0x160, v4;
	s9 =	sadd.s32 s21, s15;
	[tilespmem:s16+$0x0] =	vst v11;
	v23 =	vld.idx.msk [tilespmem:v23+s2+$0x0], $0xffff  }
0xa4: {  	s10 =	sadd.s32 s22, s15;
	v2 =	vadd.s32 $0x160, v2;
	[tilespmem:s9+$0x0] =	vst v13;
	v24 =	vld.idx.msk [tilespmem:v14+s2+$0x0], $0xffff  }
0xa5: {  	v1 =	vadd.s32 $0x160, v3;
	v3 =	vadd.s32 $0xC0, v0;
	s11 =	sadd.s32 s24, s15;
	[tilespmem:s10+$0x0] =	vst v9;
	v26 =	vld.idx.msk [tilespmem:v15+s2+$0x0], $0xffff  }
0xa6: {  	v29 =	vadd.s32 $0xC0, v19;
	v18 =	vadd.s32 $0xC0, v21;
	v17 =	vadd.s32 $0xC0, v22;
	s12 =	sadd.s32 s30, s6;
	[tilespmem:s11+$0x0] =	vst v6;
	v28 =	vld.idx.msk [tilespmem:v5+s2+$0x0], $0xffff  }
0xa7: {  	s13 =	sadd.s32 s28, s6;
	v16 =	vadd.s32 $0xE0, v19;
	s14 =	sadd.s32 $0xC180, s20;
	v12 =	vadd.s32 $0x100, v21;
	[tilespmem:s12+$0x0] =	vst v7;
	v13 =	vadd.s32 $0x100, v19;
	v30 =	vld.idx.msk [tilespmem:v10+s2+$0x0], $0xffff  }
0xa8: {  	s25 =	sadd.s32 s25, s3;
	s15 =	sadd.s32 s23, s14;
	v11 =	vadd.s32 $0x120, v22;
	v7 =	vadd.s32 $0x140, v22;
	v14 =	vadd.s32 $0xE0, v22;
	v27 =	vld.idx.msk [tilespmem:v4+s2+$0x0], $0xffff;
	[tilespmem:s13+$0x0] =	vst v8  }
0xa9: {  	s31 =	sadd.s32 s29, s6;
	s3 =	sadd.s32 s29, s7;
	s16 =	sadd.s32 s21, s14;
	v15 =	vadd.s32 $0xE0, v21;
	v9 =	vadd.s32 $0x120, v19;
	v4 =	vadd.s32 $0x140, v21;
	[tilespmem:s15+$0x0] =	vst v24;
	v25 =	vld.idx.msk [tilespmem:v2+s2+$0x0], $0xffff  }
0xaa: {  	s6 =	sadd.s32 s30, s7;
	s30 =	sadd.s32 s28, s7;
	s29 =	sadd.s32 s22, s14;
	v6 =	vadd.s32 $0x140, v19;
	v5 =	vadd.s32 $0x160, v22;
	v10 =	vadd.s32 $0x100, v22;
	[tilespmem:s16+$0x0] =	vst v26;
	v26 =	vld.idx.msk [tilespmem:v3+s2+$0x0], $0xffff  }
0xab: {  	s28 =	simm.s32 $0x260;
	s0 =	simm.s32 $0x8;
	s5 =	sadd.s32 s24, s14;
	v8 =	vadd.s32 $0x120, v21;
	v2 =	vadd.s32 $0x160, v21;
	v3 =	vadd.s32 $0x160, v19;
	v19 =	vld.idx.msk [tilespmem:v29+s2+$0x0], $0xffff;
	[tilespmem:s29+$0x0] =	vst v28  }
.LBB2_2:
0xac: {  	v24 =	vld [tilespmem:s28+$0x10];
	s0 =	sadd.s32 $0x4, s0;
	[tilespmem:s5+$0x0] =	vst v30;
	v21 =	vadd.s32 $0xE0, v0  }
0xad: {  	v35 =	vld [tilespmem:s28+$0xFFFFFFF0];
	p0 =	slt.u32 s0, $0x1FC;
	[tilespmem:s31+$0x0] =	vst v23  }
0xae: {  	s5 =	sadd.s32 $0xE180, s20;
	v36 =	vld [tilespmem:s28+$0x0];
	[tilespmem:s6+$0x0] =	vst v27  }
0xaf: {  	s7 =	sadd.s32 s21, s5;
	s8 =	sadd.s32 s23, s5;
	s6 =	sadd.s32 s24, s5;
	v28 =	vld [tilespmem:s28+$0xFFFFFFE0];
	[tilespmem:s30+$0x0] =	vst v25  }
0xb0: {  	s9 =	sadd.s32 s22, s5;
	v17 =	vld.idx.msk [tilespmem:v17+s2+$0x0], $0xffff;
	[tilespmem:s8+$0x0] =	vst v26  }
0xb1: {  	[tilespmem:s7+$0x0] =	vst v19;
	v19 =	vld.idx.msk [tilespmem:v21+s2+$0x0], $0xffff  }
0xb2: {  	v26 =	vadd.s32 $0x20, v35;
	v37 =	vadd.s32 $0x40, v35;
	v30 =	vadd.s32 $0x60, v35;
	v29 =	vld.idx.msk [tilespmem:v18+s2+$0x0], $0xffff;
	[tilespmem:s25+$0x0] =	vst v20;
	s25 =	smov.u32 s3  }
0xb3: {  	v38 =	vadd.s32 $0x20, v36;
	v39 =	vadd.s32 $0x40, v36;
	v40 =	vld.idx.msk [tilespmem:v16+s2+$0x0], $0xffff;
	v16 =	vadd.s32 $0x100, v0  }
0xb4: {  	v41 =	vadd.s32 $0x20, v28;
	v42 =	vadd.s32 $0x40, v28;
	v31 =	vadd.s32 $0x60, v28;
	v32 =	vld.idx.msk [tilespmem:v24+s2+$0x0], $0xffff  }
0xb5: {  	s10 =	sadd.s32 $0x10180, s20;
	s26 =	sadd.s32 $0x40, s26;
	v25 =	vadd.s32 $0x80, v35;
	v34 =	vadd.s32 $0x60, v36;
	v20 =	vadd.s32 $0x80, v28;
	v33 =	vld.idx.msk [tilespmem:v35+s2+$0x0], $0xffff  }
0xb6: {  	s5 =	sadd.s32 $0xFFFFFFE0, s26;
	v44 =	vadd.s32 $0x20, v24;
	s3 =	sadd.s32 $0xFFFFFFD0, s26;
	v27 =	vadd.s32 $0x80, v36;
	v21 =	vadd.s32 $0xA0, v28;
	v43 =	vld.idx.msk [tilespmem:v36+s2+$0x0], $0xffff;
	[tilespmem:s6+$0x0] =	vst v17;
	s6 =	sadd.s32 s23, s10  }
0xb7: {  	s8 =	sadd.s32 $0xFFFFFFF0, s26;
	v23 =	vadd.s32 $0xA0, v35;
	s29 =	sand.u32 $0xC0, s3;
	s3 =	sand.u32 $0x1F00, s3;
	v22 =	vadd.s32 $0xA0, v36;
	v17 =	vadd.s32 $0xC0, v28;
	v45 =	vld.idx.msk [tilespmem:v28+s2+$0x0], $0xffff;
	[tilespmem:s6+$0x0] =	vst v19  }
0xb8: {  	s7 =	sand.u32 $0xD0, s5;
	s5 =	sand.u32 $0xF0, s26;
	v18 =	vadd.s32 $0xC0, v36;
	v46 =	vadd.s32 $0xE0, v28;
	s6 =	sadd.s32 $0x2180, s3;
	v19 =	vadd.s32 $0xC0, v35;
	[tilespmem:s9+$0x0] =	vst v29;
	v47 =	vld.idx.msk [tilespmem:v16+s2+$0x0], $0xffff  }
0xb9: {  	s8 =	sand.u32 $0xE0, s8;
	v48 =	vadd.s32 $0x100, v28;
	s9 =	sadd.s32 s29, s6;
	v16 =	vadd.s32 $0xE0, v35;
	v29 =	vadd.s32 $0xE0, v36;
	s11 =	sadd.s32 s5, s6;
	v49 =	vld.idx.msk [tilespmem:v14+s2+$0x0], $0xffff;
	v14 =	vmovc v46  }
0xba: {  	v52 =	vadd.s32 $0x120, v0;
	v50 =	vadd.s32 $0x100, v36;
	s12 =	sadd.s32 s7, s6;
	s6 =	sadd.s32 s8, s6;
	v46 =	vadd.s32 $0x100, v35;
	[tilespmem:s11+$0x0] =	vst v32;
	s11 =	sadd.s32 s24, s10;
	v51 =	vld.idx.msk [tilespmem:v15+s2+$0x0], $0xffff;
	v15 =	vmovc v29  }
0xbb: {  	s13 =	sadd.s32 s22, s10;
	v54 =	vadd.s32 $0x120, v35;
	v55 =	vadd.s32 $0x120, v36;
	v53 =	vadd.s32 $0x120, v28;
	[tilespmem:s12+$0x0] =	vst v33;
	v44 =	vld.idx.msk [tilespmem:v44+s2+$0x0], $0xffff;
	s12 =	sadd.s32 s21, s10  }
0xbc: {  	v32 =	vadd.s32 $0x140, v35;
	v29 =	vadd.s32 $0x140, v36;
	v33 =	vadd.s32 $0x140, v28;
	v56 =	vld.idx.msk [tilespmem:v26+s2+$0x0], $0xffff;
	[tilespmem:s6+$0x0] =	vst v43;
	s6 =	sadd.s32 $0x12180, s20  }
0xbd: {  	v28 =	vadd.s32 $0x160, v28;
	v26 =	vadd.s32 $0x160, v35;
	[tilespmem:s9+$0x0] =	vst v45;
	v35 =	vld.idx.msk [tilespmem:v38+s2+$0x0], $0xffff;
	v38 =	vadd.s32 $0x40, v24;
	s31 =	sadd.s32 s24, s6;
	s30 =	sadd.s32 s21, s6;
	s9 =	sadd.s32 s23, s6  }
0xbe: {  	v36 =	vadd.s32 $0x160, v36;
	s6 =	sadd.s32 s22, s6;
	v41 =	vld.idx.msk [tilespmem:v41+s2+$0x0], $0xffff;
	[tilespmem:s9+$0x0] =	vst v47  }
0xbf: {  	s9 =	sadd.s32 $0x4180, s3;
	[tilespmem:s11+$0x0] =	vst v49;
	v43 =	vld.idx.msk [tilespmem:v52+s2+$0x0], $0xffff  }
0xc0: {  	s10 =	sadd.s32 s29, s9;
	s11 =	sadd.s32 s7, s9;
	s14 =	sadd.s32 s5, s9;
	v45 =	vld.idx.msk [tilespmem:v10+s2+$0x0], $0xffff;
	[tilespmem:s12+$0x0] =	vst v40;
	v10 =	vmov v48  }
0xc1: {  	s9 =	sadd.s32 s8, s9;
	[tilespmem:s14+$0x0] =	vst v44;
	v40 =	vld.idx.msk [tilespmem:v13+s2+$0x0], $0xffff;
	v44 =	vadd.s32 $0x140, v0;
	v13 =	vmov v46  }
0xc2: {  	[tilespmem:s11+$0x0] =	vst v56;
	v38 =	vld.idx.msk [tilespmem:v38+s2+$0x0], $0xffff  }
0xc3: {  	v37 =	vld.idx.msk [tilespmem:v37+s2+$0x0], $0xffff;
	[tilespmem:s9+$0x0] =	vst v35;
	s9 =	sadd.s32 $0x14180, s20  }
0xc4: {  	[tilespmem:s10+$0x0] =	vst v41;
	v35 =	vld.idx.msk [tilespmem:v39+s2+$0x0], $0xffff;
	v39 =	vadd.s32 $0x60, v24;
	s12 =	sadd.s32 s24, s9;
	s10 =	sadd.s32 s21, s9;
	s11 =	sadd.s32 s23, s9  }
0xc5: {  	s9 =	sadd.s32 s22, s9;
	v41 =	vld.idx.msk [tilespmem:v42+s2+$0x0], $0xffff;
	[tilespmem:s11+$0x0] =	vst v43  }
0xc6: {  	s11 =	sadd.s32 $0x6180, s3;
	[tilespmem:s13+$0x0] =	vst v51;
	v42 =	vld.idx.msk [tilespmem:v44+s2+$0x0], $0xffff  }
0xc7: {  	s13 =	sadd.s32 s29, s11;
	s14 =	sadd.s32 s7, s11;
	s15 =	sadd.s32 s5, s11;
	[tilespmem:s31+$0x0] =	vst v45;
	v43 =	vld.idx.msk [tilespmem:v12+s2+$0x0], $0xffff;
	v12 =	vmov v50  }
0xc8: {  	s11 =	sadd.s32 s8, s11;
	v44 =	vadd.s32 $0x160, v0;
	v0 =	vmov v24;
	[tilespmem:s15+$0x0] =	vst v38;
	v38 =	vld.idx.msk [tilespmem:v11+s2+$0x0], $0xffff;
	v11 =	vmov v53  }
0xc9: {  	[tilespmem:s14+$0x0] =	vst v37;
	v24 =	vld.idx.msk [tilespmem:v39+s2+$0x0], $0xffff  }
0xca: {  	s14 =	sadd.s32 $0x16180, s20;
	v30 =	vld.idx.msk [tilespmem:v30+s2+$0x0], $0xffff;
	[tilespmem:s11+$0x0] =	vst v35  }
0xcb: {  	v35 =	vadd.s32 $0x80, v0;
	s11 =	sadd.s32 s21, s14;
	s15 =	sadd.s32 s23, s14;
	[tilespmem:s13+$0x0] =	vst v41;
	v34 =	vld.idx.msk [tilespmem:v34+s2+$0x0], $0xffff;
	s13 =	sadd.s32 s24, s14  }
0xcc: {  	s31 =	sadd.s32 s22, s14;
	v31 =	vld.idx.msk [tilespmem:v31+s2+$0x0], $0xffff;
	[tilespmem:s15+$0x0] =	vst v42  }
0xcd: {  	s14 =	sadd.s32 $0x8180, s3;
	[tilespmem:s30+$0x0] =	vst v40;
	v37 =	vld.idx.msk [tilespmem:v44+s2+$0x0], $0xffff  }
0xce: {  	s15 =	sadd.s32 s29, s14;
	s16 =	sadd.s32 s5, s14;
	s30 =	sadd.s32 s7, s14;
	v39 =	vld.idx.msk [tilespmem:v9+s2+$0x0], $0xffff;
	[tilespmem:s6+$0x0] =	vst v43;
	v9 =	vmov v54  }
0xcf: {  	s6 =	sadd.s32 s8, s14;
	[tilespmem:s16+$0x0] =	vst v24;
	v24 =	vld.idx.msk [tilespmem:v8+s2+$0x0], $0xffff;
	v8 =	vmov v55  }
0xd0: {  	[tilespmem:s30+$0x0] =	vst v30;
	v30 =	vld.idx.msk [tilespmem:v35+s2+$0x0], $0xffff  }
0xd1: {  	s14 =	sadd.s32 $0x18180, s20;
	s20 =	smov.u32 s3;
	v25 =	vld.idx.msk [tilespmem:v25+s2+$0x0], $0xffff;
	[tilespmem:s6+$0x0] =	vst v34  }
0xd2: {  	s30 =	sadd.s32 s21, s14;
	s6 =	sadd.s32 s24, s14;
	[tilespmem:s15+$0x0] =	vst v31;
	v27 =	vld.idx.msk [tilespmem:v27+s2+$0x0], $0xffff;
	v31 =	vadd.s32 $0xA0, v0;
	s15 =	sadd.s32 s23, s14  }
0xd3: {  	s3 =	sadd.s32 s22, s14;
	s21 =	smov.u32 s7;
	s24 =	smov.u32 s29;
	v34 =	vld.idx.msk [tilespmem:v20+s2+$0x0], $0xffff;
	[tilespmem:s15+$0x0] =	vst v37  }
0xd4: {  	s22 =	smov.u32 s8;
	s7 =	sadd.s32 $0xA180, s20;
	s23 =	smov.u32 s5;
	[tilespmem:s12+$0x0] =	vst v38;
	v20 =	vld.idx.msk [tilespmem:v1+s2+$0x0], $0xffff;
	v1 =	vmov v2;
	v2 =	vmov v36  }
0xd5: {  	s8 =	sadd.s32 s21, s7;
	s5 =	sadd.s32 s24, s7;
	s12 =	sadd.s32 s23, s7;
	v35 =	vld.idx.msk [tilespmem:v7+s2+$0x0], $0xffff;
	[tilespmem:s10+$0x0] =	vst v39;
	v7 =	vmov v33  }
0xd6: {  	s7 =	sadd.s32 s22, s7;
	[tilespmem:s12+$0x0] =	vst v30;
	v33 =	vld.idx.msk [tilespmem:v6+s2+$0x0], $0xffff;
	v6 =	vmov v32  }
0xd7: {  	[tilespmem:s8+$0x0] =	vst v25;
	v25 =	vld.idx.msk [tilespmem:v31+s2+$0x0], $0xffff  }
0xd8: {  	v31 =	vld.idx.msk [tilespmem:v23+s2+$0x0], $0xffff;
	[tilespmem:s7+$0x0] =	vst v27  }
0xd9: {  	v32 =	vadd.s32 $0xC0, v0;
	[tilespmem:s5+$0x0] =	vst v34;
	v22 =	vld.idx.msk [tilespmem:v22+s2+$0x0], $0xffff  }
0xda: {  	v30 =	vld.idx.msk [tilespmem:v21+s2+$0x0], $0xffff;
	[tilespmem:s9+$0x0] =	vst v24  }
.Ltmp0:
0xdb: {  	s7 =	sadd.s32 $0xC180, s20;
	[tilespmem:s13+$0x0] =	vst v35;
	v23 =	vld.idx.msk [tilespmem:v4+s2+$0x0], $0xffff;
	v4 =	vmov v29;
	(pc) =	sbr.rel @p0 .LBB2_2-.Ltmp0, $4  }
0xdc: {  	s5 =	sadd.s32 s24, s7;
	s8 =	sadd.s32 s21, s7;
	s9 =	sadd.s32 s23, s7;
	v27 =	vld.idx.msk [tilespmem:v5+s2+$0x0], $0xffff;
	[tilespmem:s11+$0x0] =	vst v33;
	v5 =	vmov v28  }
0xdd: {  	s7 =	sadd.s32 s22, s7;
	[tilespmem:s9+$0x0] =	vst v25;
	v25 =	vld.idx.msk [tilespmem:v3+s2+$0x0], $0xffff;
	v3 =	vmov v26  }
0xde: {  	[tilespmem:s8+$0x0] =	vst v31;
	v26 =	vld.idx.msk [tilespmem:v32+s2+$0x0], $0xffff  }
0xdf: {  	s28 =	sadd.s32 $0x40, s28;
	v19 =	vld.idx.msk [tilespmem:v19+s2+$0x0], $0xffff;
	[tilespmem:s7+$0x0] =	vst v22  }
0xe0: {  	_ =	sdelay $0x2  }
0xe1: {  	v21 =	vadd.s32 $0xE0, v0  }
0xe2: {  	[tilespmem:s5+$0x0] =	vst v30;
	v18 =	vld.idx.msk [tilespmem:v18+s2+$0x0], $0xffff  }
0xe3: {  	s0 =	sadd.s32 $0xE180, s20;
	v17 =	vld.idx.msk [tilespmem:v17+s2+$0x0], $0xffff  }
0xe4: {  	s9 =	sadd.s32 s23, s0  }
0xe5: {  	s11 =	sadd.s32 s21, s0;
	[tilespmem:s9+$0x0] =	vst v26  }
0xe6: {  	s10 =	sadd.s32 s24, s0;
	s0 =	sadd.s32 s22, s0;
	[tilespmem:s11+$0x0] =	vst v19;
	v58 =	vld.idx.msk [tilespmem:v21+s2+$0x0], $0xffff  }
0xe7: {  	v59 =	vadd.s32 $0x100, v0;
	v16 =	vld.idx.msk [tilespmem:v16+s2+$0x0], $0xffff;
	[tilespmem:s0+$0x0] =	vst v18  }
0xe8: {  	[tilespmem:s10+$0x0] =	vst v17;
	v15 =	vld.idx.msk [tilespmem:v15+s2+$0x0], $0xffff  }
0xe9: {  	s12 =	sadd.s32 $0x10180, s20;
	v14 =	vld.idx.msk [tilespmem:v14+s2+$0x0], $0xffff  }
0xea: {  	s13 =	sadd.s32 s23, s12  }
0xeb: {  	s15 =	sadd.s32 s21, s12;
	[tilespmem:s13+$0x0] =	vst v58  }
0xec: {  	s16 =	sadd.s32 s22, s12;
	[tilespmem:s15+$0x0] =	vst v16;
	v17 =	vld.idx.msk [tilespmem:v59+s2+$0x0], $0xffff  }
0xed: {  	v60 =	vadd.s32 $0x120, v0;
	s14 =	sadd.s32 s24, s12;
	v13 =	vld.idx.msk [tilespmem:v13+s2+$0x0], $0xffff;
	[tilespmem:s16+$0x0] =	vst v15  }
0xee: {  	[tilespmem:s14+$0x0] =	vst v14;
	v12 =	vld.idx.msk [tilespmem:v12+s2+$0x0], $0xffff  }
0xef: {  	s26 =	sadd.s32 $0x12180, s20;
	v10 =	vld.idx.msk [tilespmem:v10+s2+$0x0], $0xffff  }
0xf0: {  	s28 =	sadd.s32 s23, s26  }
0xf1: {  	s7 =	sadd.s32 s21, s26;
	[tilespmem:s28+$0x0] =	vst v17  }
0xf2: {  	s8 =	sadd.s32 s22, s26;
	[tilespmem:s7+$0x0] =	vst v13;
	v61 =	vld.idx.msk [tilespmem:v60+s2+$0x0], $0xffff  }
0xf3: {  	v62 =	vadd.s32 $0x140, v0;
	s29 =	sadd.s32 s24, s26;
	v9 =	vld.idx.msk [tilespmem:v9+s2+$0x0], $0xffff;
	[tilespmem:s8+$0x0] =	vst v12  }
0xf4: {  	[tilespmem:s29+$0x0] =	vst v10;
	v8 =	vld.idx.msk [tilespmem:v8+s2+$0x0], $0xffff  }
0xf5: {  	s9 =	sadd.s32 $0x14180, s20;
	v11 =	vld.idx.msk [tilespmem:v11+s2+$0x0], $0xffff  }
0xf6: {  	[tilespmem:s31+$0x0] =	vst v23;
	s10 =	sadd.s32 s23, s9  }
0xf7: {  	s12 =	sadd.s32 s21, s9;
	[tilespmem:s10+$0x0] =	vst v61  }
0xf8: {  	s13 =	sadd.s32 s22, s9;
	[tilespmem:s12+$0x0] =	vst v9;
	v10 =	vld.idx.msk [tilespmem:v62+s2+$0x0], $0xffff  }
0xf9: {  	v63 =	vadd.s32 $0x160, v0;
	s11 =	sadd.s32 s24, s9;
	v6 =	vld.idx.msk [tilespmem:v6+s2+$0x0], $0xffff;
	[tilespmem:s13+$0x0] =	vst v8  }
0xfa: {  	[tilespmem:s11+$0x0] =	vst v11;
	v4 =	vld.idx.msk [tilespmem:v4+s2+$0x0], $0xffff  }
0xfb: {  	[tilespmem:s25+$0x0] =	vst v20;
	s14 =	sadd.s32 $0x16180, s20;
	v7 =	vld.idx.msk [tilespmem:v7+s2+$0x0], $0xffff  }
0xfc: {  	[tilespmem:s6+$0x0] =	vst v27;
	s15 =	sadd.s32 s23, s14  }
0xfd: {  	v1 =	vld.idx.msk [tilespmem:v1+s2+$0x0], $0xffff;
	s26 =	sadd.s32 s21, s14;
	[tilespmem:s15+$0x0] =	vst v10  }
0xfe: {  	s0 =	sadd.s32 s22, s14;
	[tilespmem:s26+$0x0] =	vst v6;
	v0 =	vld.idx.msk [tilespmem:v63+s2+$0x0], $0xffff  }
0xff: {  	s16 =	sadd.s32 s24, s14;
	v3 =	vld.idx.msk [tilespmem:v3+s2+$0x0], $0xffff;
	[tilespmem:s0+$0x0] =	vst v4  }
0x100: {  	[tilespmem:s16+$0x0] =	vst v7;
	v2 =	vld.idx.msk [tilespmem:v2+s2+$0x0], $0xffff  }
0x101: {  	[tilespmem:s30+$0x0] =	vst v25;
	s28 =	sadd.s32 $0x18180, s20;
	v5 =	vld.idx.msk [tilespmem:v5+s2+$0x0], $0xffff  }
0x102: {  	[tilespmem:s3+$0x0] =	vst v1;
	s29 =	sadd.s32 s23, s28  }
0x103: {  	s31 =	sadd.s32 s21, s28;
	[tilespmem:s29+$0x0] =	vst v0  }
0x104: {  	s0 =	sadd.s32 s22, s28;
	[tilespmem:s31+$0x0] =	vst v3  }
0x105: {  	s30 =	sadd.s32 s24, s28;
	[tilespmem:s0+$0x0] =	vst v2  }
0x106: {  	s5 =	simm.s32 $0x2180;
	[tilespmem:s30+$0x0] =	vst v5  }
0x107: {  	[hbm4b:s4+s2] =	stream.linear.scatter [tilespmem:s5], [sflag:$0x1], $0x2000, $0x38;
	[tilespmem:$0x1A180] =	vst v63  }
0x108: {  	s7 =	simm.s32 $0x4180;
	s6 =	rddreg [dreg:$0x5]  }
0x109: {  	[hbm4b:s6+s2] =	stream.linear.scatter [tilespmem:s7], [sflag:$0x1], $0x2000, $0x38;
	[tilespmem:$0x1A180] =	vst v63  }
0x10a: {  	s9 =	simm.s32 $0x6180;
	s8 =	rddreg [dreg:$0x6]  }
0x10b: {  	[hbm4b:s8+s2] =	stream.linear.scatter [tilespmem:s9], [sflag:$0x1], $0x2000, $0x38;
	[tilespmem:$0x1A180] =	vst v63  }
0x10c: {  	s11 =	simm.s32 $0x8180;
	s10 =	rddreg [dreg:$0x7]  }
0x10d: {  	[hbm4b:s10+s2] =	stream.linear.scatter [tilespmem:s11], [sflag:$0x1], $0x2000, $0x38;
	[tilespmem:$0x1A180] =	vst v63  }
0x10e: {  	s13 =	simm.s32 $0xA180;
	s12 =	rddreg [dreg:$0x8]  }
0x10f: {  	[hbm4b:s12+s2] =	stream.linear.scatter [tilespmem:s13], [sflag:$0x1], $0x2000, $0x38;
	[tilespmem:$0x1A180] =	vst v63  }
0x110: {  	s15 =	simm.s32 $0xC180;
	s14 =	rddreg [dreg:$0x9]  }
0x111: {  	[hbm4b:s14+s2] =	stream.linear.scatter [tilespmem:s15], [sflag:$0x1], $0x2000, $0x38;
	[tilespmem:$0x1A180] =	vst v63  }
0x112: {  	s20 =	simm.s32 $0xE180;
	s16 =	rddreg [dreg:$0xa]  }
0x113: {  	[hbm4b:s16+s2] =	stream.linear.scatter [tilespmem:s20], [sflag:$0x1], $0x2000, $0x38;
	[tilespmem:$0x1A180] =	vst v63  }
0x114: {  	s22 =	simm.s32 $0x10180;
	s21 =	rddreg [dreg:$0xb]  }
0x115: {  	[hbm4b:s21+s2] =	stream.linear.scatter [tilespmem:s22], [sflag:$0x1], $0x2000, $0x38;
	[tilespmem:$0x1A180] =	vst v63  }
0x116: {  	s24 =	simm.s32 $0x12180;
	s23 =	rddreg [dreg:$0xc]  }
0x117: {  	[hbm4b:s23+s2] =	stream.linear.scatter [tilespmem:s24], [sflag:$0x1], $0x2000, $0x38;
	[tilespmem:$0x1A180] =	vst v63  }
0x118: {  	s26 =	simm.s32 $0x14180;
	s25 =	rddreg [dreg:$0xd]  }
0x119: {  	[hbm4b:s25+s2] =	stream.linear.scatter [tilespmem:s26], [sflag:$0x1], $0x2000, $0x38;
	[tilespmem:$0x1A180] =	vst v63  }
0x11a: {  	s29 =	simm.s32 $0x16180;
	s28 =	rddreg [dreg:$0xe]  }
0x11b: {  	[hbm4b:s28+s2] =	stream.linear.scatter [tilespmem:s29], [sflag:$0x1], $0x2000, $0x38;
	[tilespmem:$0x1A180] =	vst v63  }
0x11c: {  	s31 =	simm.s32 $0x18180;
	s30 =	rddreg [dreg:$0xf]  }
0x11d: {  	[hbm4b:s30+s2] =	stream.linear.scatter [tilespmem:s31], [sflag:$0x1], $0x2000, $0x38;
	[tilespmem:$0x1A180] =	vst v63  }
0x11e: {  	_ =	swait.ge [sflag:s1], $0x2000  }
0x11f: {  	[sflag:s1] =	ssyncset.done $0x0  }
0x120: {  	[sflag:s1] =	ssyncadd.s32 $0xFFFFE000  }
0x121: {  	_ =	swait.ge [sflag:s1], $0x2000  }
0x122: {  	[sflag:s1] =	ssyncset.done $0x0  }
0x123: {  	[sflag:s1] =	ssyncadd.s32 $0xFFFFE000  }
0x124: {  	_ =	swait.ge [sflag:s1], $0x2000  }
0x125: {  	[sflag:s1] =	ssyncset.done $0x0  }
0x126: {  	[sflag:s1] =	ssyncadd.s32 $0xFFFFE000  }
0x127: {  	_ =	swait.ge [sflag:s1], $0x2000  }
0x128: {  	[sflag:s1] =	ssyncset.done $0x0  }
0x129: {  	[sflag:s1] =	ssyncadd.s32 $0xFFFFE000  }
0x12a: {  	_ =	swait.ge [sflag:s1], $0x2000  }
0x12b: {  	[sflag:s1] =	ssyncset.done $0x0  }
0x12c: {  	[sflag:s1] =	ssyncadd.s32 $0xFFFFE000  }
0x12d: {  	_ =	swait.ge [sflag:s1], $0x2000  }
0x12e: {  	[sflag:s1] =	ssyncset.done $0x0  }
0x12f: {  	[sflag:s1] =	ssyncadd.s32 $0xFFFFE000  }
0x130: {  	_ =	swait.ge [sflag:s1], $0x2000  }
0x131: {  	[sflag:s1] =	ssyncset.done $0x0  }
0x132: {  	[sflag:s1] =	ssyncadd.s32 $0xFFFFE000  }
0x133: {  	_ =	swait.ge [sflag:s1], $0x2000  }
0x134: {  	[sflag:s1] =	ssyncset.done $0x0  }
0x135: {  	[sflag:s1] =	ssyncadd.s32 $0xFFFFE000  }
0x136: {  	_ =	swait.ge [sflag:s1], $0x2000  }
0x137: {  	[sflag:s1] =	ssyncset.done $0x0  }
0x138: {  	[sflag:s1] =	ssyncadd.s32 $0xFFFFE000  }
0x139: {  	_ =	swait.ge [sflag:s1], $0x2000  }
0x13a: {  	[sflag:s1] =	ssyncset.done $0x0  }
0x13b: {  	s19 =	sadd.s32 $0x1, s19;
	[sflag:s1] =	ssyncadd.s32 $0xFFFFE000  }
0x13c: {  	p0 =	sne.s32 s19, s17;
	_ =	swait.ge [sflag:s1], $0x2000  }
.Ltmp1:
0x13d: {  	[sflag:s1] =	ssyncset.done $0x0;
	(pc) =	sbr.rel @p0 .LBB2_1-.Ltmp1, $4  }
0x13e: {  	[sflag:s1] =	ssyncadd.s32 $0xFFFFE000  }
0x13f: {  	_ =	swait.ge [sflag:s1], $0x2000  }
0x140: {  	[sflag:s1] =	ssyncset.done $0x0  }
0x141: {  	[sflag:s1] =	ssyncadd.s32 $0xFFFFE000  }
0x142: {  	_ =	sfence.sel $0x180000  }
0x143: {  	[bflag:$0x0] =	sbarrier.arrive $0xFFFF  }
0x144: {  	_ =	strace $0x90000047  }
0x145: {  	s0 =	stileid.u32;
	[bflag:$0x2] =	sbarrier.arrive $0xFFFF  }
0x146: {  	p0 =	sne.s32 s0, $0x0;
	s0 =	rddreg [dreg:$0x2]  }
0x147: {  	s0 =	sadd.s32 @!p0 $0x100000, s0  }
0x148: {  	[sflag:s0] =	ssyncadd.tile.s32 @!p0 $0x1;
	_ =	shalt  }
.Lfunc_end2:
_tile_overlayer_lowered:
.L_overlay_start_2:
0x149: {  	(tag) =	ssettag $0x2  }
0x14a: {  	s0 =	rddreg [dreg:$0x0];
	s2 =	stileid.u32  }
0x14b: {  	s1 =	rddreg [dreg:$0x1];
	p0 =	sne.s32 s2, $0x0  }
0x14c: {  	s3 =	rddreg [dreg:$0x2];
	[bflag:$0x3] =	sbarrier.arrive $0xFFFF;
	s2 =	simm.s32 @!p0 $0x1C02  }
0x14d: {  	[timem:s3], [sflag:s2] =	dma.local @!p0 [hbm:s0], s1  }
0x14e: {  	s0 =	simm.s32 @!p0 $0x2  }
0x14f: {  	_ =	swait.ge @!p0 [sflag:s0], s1  }
0x150: {  	s1 =	ssub.s32 @!p0 $0x0, s1;
	[sflag:s0] =	ssyncset.done @!p0 $0x0  }
0x151: {  	[sflag:s0] =	ssyncadd.s32 @!p0 s1  }
0x152: {  	[bflag:$0x3] =	sbarrier.arrive $0xFFFF  }
0x153: {  	_ =	shalt  }

</sc_bundles>
